<compile_context>
chip_gen: v7x
topology: tpu7x:2x2x1
jax: 0.10.2.dev20260603
libtpu: 0.0.44.dev20260713+nightly
codegen_flags: <defaults>
</compile_context>

<pallas_src>
import jax
import jax.numpy as jnp
from jax import lax
from jax.experimental import pallas as pl
from jax.experimental.pallas import tpu as pltpu
from jax.experimental.pallas import tpu_sc as plsc

B, L, IN, H, K, NCLS = 16, 512, 128, 256, 1024, 64
REP = 32
LT_C = 32


def _sigmoid(x):
    return 1.0 / (1.0 + jnp.exp(-x))


TB = 16

def _bilstm_body(lens_ref, xf_ref, xb_ref, w1_ref, b1_ref, wif_ref, bf_ref,
                 wib_ref, bb_ref, whft_ref, whbt_ref,
                 hf_ref, hb_ref, hf_s, cf_s, hb_s, cb_s):
    i = pl.program_id(0)

    @pl.when(i == 0)
    def _():
        hf_s[...] = jnp.zeros_like(hf_s)
        cf_s[...] = jnp.zeros_like(cf_s)
        hb_s[...] = jnp.zeros_like(hb_s)
        cb_s[...] = jnp.zeros_like(cb_s)

    lens = lens_ref[...]
    rows = TB * B
    dn = (((1,), (1,)), ((), ()))
    xf = xf_ref[...].reshape(rows, IN)
    xb = xb_ref[...].reshape(rows, IN)
    enc_f = jnp.maximum(
        jnp.dot(xf, w1_ref[...], preferred_element_type=jnp.float32)
        + b1_ref[...], 0.0)
    enc_b = jnp.maximum(
        jnp.dot(xb, w1_ref[...], preferred_element_type=jnp.float32)
        + b1_ref[...], 0.0)
    gif = lax.dot_general(enc_f, wif_ref[...], dn,
                          preferred_element_type=jnp.float32) + bf_ref[...]
    gib = lax.dot_general(enc_b, wib_ref[...], dn,
                          preferred_element_type=jnp.float32) + bb_ref[...]

    def step(g, h, c, wht_ref, valid):
        gates = g + jnp.dot(h, wht_ref[...], preferred_element_type=jnp.float32)
        ii = _sigmoid(gates[:, 0:H])
        f = _sigmoid(gates[:, H:2 * H])
        gg = jnp.tanh(gates[:, 2 * H:3 * H])
        o = _sigmoid(gates[:, 3 * H:4 * H])
        c_new = f * c + ii * gg
        h_new = o * jnp.tanh(c_new)
        h_out = jnp.where(valid, h_new, 0.0)
        return h_out, jnp.where(valid, h_new, h), jnp.where(valid, c_new, c)

    hfv, cfv = hf_s[...], cf_s[...]
    hbv, cbv = hb_s[...], cb_s[...]
    for j in range(TB):
        tf = i * TB + j
        tb = L - 1 - tf
        jb = TB - 1 - j
        ho_f, hfv, cfv = step(gif[j * B:(j + 1) * B], hfv, cfv, whft_ref,
                              lens > tf)
        ho_b, hbv, cbv = step(gib[jb * B:(jb + 1) * B], hbv, cbv, whbt_ref,
                              lens > tb)
        hf_ref[j] = ho_f
        hb_ref[jb] = ho_b
    hf_s[...] = hfv
    cf_s[...] = cfv
    hb_s[...] = hbv
    cb_s[...] = cbv


def _vq_body(hf_ref, hb_ref, w2a_ref, w2b_ref, b2_ref, embt_ref,
             ze_ref, idx_ref):
    rows = LT_C * B
    hf = hf_ref[...].reshape(rows, H)
    hb = hb_ref[...].reshape(rows, H)
    ze = (jnp.dot(hf, w2a_ref[...], preferred_element_type=jnp.float32)
          + jnp.dot(hb, w2b_ref[...], preferred_element_type=jnp.float32)
          + b2_ref[...])
    embt = embt_ref[...]
    e2 = jnp.sum(embt * embt, axis=0, keepdims=True)
    ze2 = jnp.sum(ze * ze, axis=1, keepdims=True)
    s = jnp.dot(ze, embt, preferred_element_type=jnp.float32)
    dist = ze2 + e2 - 2.0 * s
    mn = jnp.min(dist, axis=1, keepdims=True)
    kiota = lax.broadcasted_iota(jnp.int32, dist.shape, 1)
    idx = jnp.min(jnp.where(dist == mn, kiota, K), axis=1)
    i = pl.program_id(0)
    riota = lax.broadcasted_iota(jnp.int32, (rows,), 0)
    rep = ((2 * i + riota // 256) % REP) * K
    ze_ref[...] = ze.reshape(LT_C, B, H)
    idx_ref[...] = (idx + rep).reshape(1, 1, rows)


def _sc_gather_body(emb_hbm, idx_hbm, out_hbm, idx_v, rows_v, sem, wsem):
    c = lax.axis_index("c")
    s = lax.axis_index("s")
    wid = s * 2 + c
    pltpu.sync_copy(idx_hbm.at[pl.ds(wid * 2, 2)], idx_v)
    g0 = pltpu.async_copy(emb_hbm.at[idx_v.at[0]], rows_v.at[pl.ds(0, 128)], sem)
    g1 = pltpu.async_copy(emb_hbm.at[idx_v.at[1]], rows_v.at[pl.ds(128, 128)], sem)
    g0.wait()
    w0 = pltpu.async_copy(rows_v.at[pl.ds(0, 128)],
                          out_hbm.at[pl.ds(wid * 256, 128)], wsem)
    g1.wait()
    w1 = pltpu.async_copy(rows_v.at[pl.ds(128, 128)],
                          out_hbm.at[pl.ds(wid * 256 + 128, 128)], wsem)
    w0.wait()
    w1.wait()


def _attn_body(zq_ref, wq_ref, bq_ref, wk_ref, bk_ref, wv_ref, bv_ref,
               wc_ref, bc_ref, attn_ref, dec_ref):
    z = zq_ref[0]
    q = jnp.dot(z, wq_ref[...], preferred_element_type=jnp.float32) + bq_ref[...]
    k = jnp.dot(z, wk_ref[...], preferred_element_type=jnp.float32) + bk_ref[...]
    v = jnp.dot(z, wv_ref[...], preferred_element_type=jnp.float32) + bv_ref[...]
    s = lax.dot_general(q, k, (((1,), (1,)), ((), ())),
                        preferred_element_type=jnp.float32) / jnp.sqrt(
                            jnp.float32(H))
    m = jnp.max(s, axis=1, keepdims=True)
    e = jnp.exp(s - m)
    attn = e / jnp.sum(e, axis=1, keepdims=True)
    attn_ref[0] = attn
    ctx = jnp.dot(attn, v, preferred_element_type=jnp.float32)
    logits = jnp.dot(ctx, wc_ref[...], preferred_element_type=jnp.float32) + bc_ref[...]
    lm = jnp.max(logits, axis=1, keepdims=True)
    sh = logits - lm
    dec_ref[0] = sh - jnp.log(jnp.sum(jnp.exp(sh), axis=1, keepdims=True))


def _full(x):
    return pl.BlockSpec(x.shape, lambda *_: (0,) * x.ndim)


def kernel(inputs, input_lens, in_mask, W1, b1, Wi_f, Wh_f, bi_f, bh_f,
           Wi_b, Wh_b, bi_b, bh_b, W2, b2, emb, Wq, bq, Wk, bk, Wv, bv, Wc, bc):
    f32 = jnp.float32
    x_t = jnp.swapaxes(inputs, 0, 1)
    lens = input_lens.astype(jnp.int32).reshape(B, 1)
    b1r = b1.reshape(1, H)
    wift, wibt = Wi_f, Wi_b
    whft, whbt = Wh_f.T, Wh_b.T
    bf = (bi_f + bh_f).reshape(1, 4 * H)
    bb = (bi_b + bh_b).reshape(1, 4 * H)
    w2a, w2b = W2[:H, :], W2[H:, :]
    b2r = b2.reshape(1, H)
    embt = emb.T

    nb = L // TB
    hf, hb = pl.pallas_call(
        _bilstm_body,
        grid=(nb,),
        in_specs=[
            _full(lens),
            pl.BlockSpec((TB, B, IN), lambda i: (i, 0, 0)),
            pl.BlockSpec((TB, B, IN), lambda i: (nb - 1 - i, 0, 0)),
            _full(W1), _full(b1r), _full(wift), _full(bf), _full(wibt),
            _full(bb), _full(whft), _full(whbt),
        ],
        out_specs=[
            pl.BlockSpec((TB, B, H), lambda i: (i, 0, 0)),
            pl.BlockSpec((TB, B, H), lambda i: (nb - 1 - i, 0, 0)),
        ],
        out_shape=[
            jax.ShapeDtypeStruct((L, B, H), f32),
            jax.ShapeDtypeStruct((L, B, H), f32),
        ],
        scratch_shapes=[pltpu.VMEM((B, H), f32) for _ in range(4)],
        compiler_params=pltpu.CompilerParams(dimension_semantics=("arbitrary",)),
    )(lens, x_t, x_t, W1, b1r, wift, bf, wibt, bb, whft, whbt)

    gc = L // LT_C
    rows_c = LT_C * B
    ze_t, idx3 = pl.pallas_call(
        _vq_body,
        grid=(gc,),
        in_specs=[
            pl.BlockSpec((LT_C, B, H), lambda i: (i, 0, 0)),
            pl.BlockSpec((LT_C, B, H), lambda i: (i, 0, 0)),
            _full(w2a), _full(w2b), _full(b2r), _full(embt),
        ],
        out_specs=[
            pl.BlockSpec((LT_C, B, H), lambda i: (i, 0, 0)),
            pl.BlockSpec((1, 1, rows_c), lambda i: (i, 0, 0)),
        ],
        out_shape=[
            jax.ShapeDtypeStruct((L, B, H), f32),
            jax.ShapeDtypeStruct((gc, 1, rows_c), jnp.int32),
        ],
        compiler_params=pltpu.CompilerParams(dimension_semantics=("arbitrary",)),
    )(hf, hb, w2a, w2b, b2r, embt)

    emb_rep = jnp.tile(emb, (REP, 1))
    idx2d = idx3.reshape(64, 128)
    zq_flat = pl.kernel(
        _sc_gather_body,
        out_type=jax.ShapeDtypeStruct((L * B, H), f32),
        mesh=plsc.VectorSubcoreMesh(core_axis_name="c", subcore_axis_name="s"),
        scratch_types=[
            pltpu.VMEM((2, 128), jnp.int32),
            pltpu.VMEM((256, H), f32),
            pltpu.SemaphoreType.DMA,
            pltpu.SemaphoreType.DMA,
        ],
    )(emb_rep, idx2d)

    zq_t = zq_flat.reshape(L, B, H)

    zq_bm = jnp.swapaxes(zq_t, 0, 1)
    bqr, bkr, bvr, bcr = (bq.reshape(1, H), bk.reshape(1, H),
                          bv.reshape(1, H), bc.reshape(1, NCLS))
    attn_w, dec_out = pl.pallas_call(
        _attn_body,
        grid=(B,),
        in_specs=[
            pl.BlockSpec((1, L, H), lambda b: (b, 0, 0)),
            _full(Wq), _full(bqr), _full(Wk), _full(bkr), _full(Wv), _full(bvr),
            _full(Wc), _full(bcr),
        ],
        out_specs=[
            pl.BlockSpec((1, L, L), lambda b: (b, 0, 0)),
            pl.BlockSpec((1, L, NCLS), lambda b: (b, 0, 0)),
        ],
        out_shape=[
            jax.ShapeDtypeStruct((B, L, L), f32),
            jax.ShapeDtypeStruct((B, L, NCLS), f32),
        ],
        compiler_params=pltpu.CompilerParams(dimension_semantics=("arbitrary",)),
    )(zq_bm, Wq, bqr, Wk, bkr, Wv, bvr, Wc, bcr)

    ze = jnp.swapaxes(ze_t, 0, 1)
    zq = jnp.swapaxes(zq_t, 0, 1)
    return dec_out, attn_w, ze, zq

# --- scband reference (transcript-rebuilt; emitter-appended) ---
"""Pipeline reference for scband-ctcpred-net-v1-15221364097065 (READ-ONLY COPY).

The authoritative reference and input builder live on the scoring server;
editing this copy changes nothing except your own understanding.
"""

import jax, jax.numpy as jnp
import numpy as np

B, L, IN, H, K, NCLS = 16, 512, 128, 256, 1024, 64


def setup_inputs(seed: int = 0):
    key = jax.random.key(seed)
    ks = jax.random.split(key, 32)
    inputs = jax.random.normal(ks[0], (B, L, IN), dtype=jnp.float32)
    input_lens = jax.random.randint(ks[1], (B,), 1, L + 1, dtype=jnp.int64 if jax.config.jax_enable_x64 else jnp.int32)
    input_lens = input_lens.at[0].set(L)  # ensure max length == L (pad_packed output length)
    in_mask = jnp.ones((B, L), dtype=bool)
    sc = 0.05
    p = {}
    p['W1'] = jax.random.normal(ks[2], (IN, H), jnp.float32) * sc
    p['b1'] = jnp.zeros((H,), jnp.float32)
    p['Wi_f'] = jax.random.normal(ks[3], (4 * H, H), jnp.float32) * sc
    p['Wh_f'] = jax.random.normal(ks[4], (4 * H, H), jnp.float32) * sc
    p['bi_f'] = jnp.zeros((4 * H,), jnp.float32)
    p['bh_f'] = jnp.zeros((4 * H,), jnp.float32)
    p['Wi_b'] = jax.random.normal(ks[5], (4 * H, H), jnp.float32) * sc
    p['Wh_b'] = jax.random.normal(ks[6], (4 * H, H), jnp.float32) * sc
    p['bi_b'] = jnp.zeros((4 * H,), jnp.float32)
    p['bh_b'] = jnp.zeros((4 * H,), jnp.float32)
    p['W2'] = jax.random.normal(ks[7], (2 * H, H), jnp.float32) * sc
    p['b2'] = jnp.zeros((H,), jnp.float32)
    p['emb'] = jax.random.uniform(ks[8], (K, H), jnp.float32, -1.0 / K, 1.0 / K)
    p['Wq'] = jax.random.normal(ks[9], (H, H), jnp.float32) * sc
    p['bq'] = jnp.zeros((H,), jnp.float32)
    p['Wk'] = jax.random.normal(ks[10], (H, H), jnp.float32) * sc
    p['bk'] = jnp.zeros((H,), jnp.float32)
    p['Wv'] = jax.random.normal(ks[11], (H, H), jnp.float32) * sc
    p['bv'] = jnp.zeros((H,), jnp.float32)
    p['Wc'] = jax.random.normal(ks[12], (H, NCLS), jnp.float32) * sc
    p['bc'] = jnp.zeros((NCLS,), jnp.float32)
    out = {'inputs': inputs, 'input_lens': input_lens, 'in_mask': in_mask}
    out.update(p)
    return out


def _lstm_dir(x, valid, Wi, Wh, bi, bh):
    # x: (B, L, H) already in scan direction; valid: (B, L) bool
    def step(carry, inp):
        h, c = carry
        x_t, v_t = inp
        gates = x_t @ Wi.T + bi + h @ Wh.T + bh
        i, f, g, o = jnp.split(gates, 4, axis=-1)
        i = jax.nn.sigmoid(i); f = jax.nn.sigmoid(f)
        g = jnp.tanh(g); o = jax.nn.sigmoid(o)
        c_new = f * c + i * g
        h_new = o * jnp.tanh(c_new)
        v = v_t[:, None]
        h_out = jnp.where(v, h_new, 0.0)
        h = jnp.where(v, h_new, h)
        c = jnp.where(v, c_new, c)
        return (h, c), h_out
    init = (jnp.zeros((x.shape[0], Wh.shape[1]), x.dtype), jnp.zeros((x.shape[0], Wh.shape[1]), x.dtype))
    xs = (jnp.swapaxes(x, 0, 1), jnp.swapaxes(valid, 0, 1))
    _, outs = jax.lax.scan(step, init, xs)
    return jnp.swapaxes(outs, 0, 1)


def _forward(inputs, input_lens, in_mask, W1, b1, Wi_f, Wh_f, bi_f, bh_f, Wi_b, Wh_b, bi_b, bh_b, W2, b2, emb, Wq, bq, Wk, bk, Wv, bv, Wc, bc):
    valid = jnp.arange(L)[None, :] < input_lens[:, None]
    # encoder: lin_1 + relu
    enc = jax.nn.relu(inputs @ W1 + b1)
    # BiLSTM with packed-sequence semantics (padded steps skipped, outputs zero)
    out_f = _lstm_dir(enc, valid, Wi_f, Wh_f, bi_f, bh_f)
    out_b_rev = _lstm_dir(enc[:, ::-1, :], valid[:, ::-1], Wi_b, Wh_b, bi_b, bh_b)
    out_b = out_b_rev[:, ::-1, :]
    rnn_out = jnp.concatenate([out_f, out_b], axis=-1)
    ze = rnn_out @ W2 + b2  # lin_2 applied after pad_packed (padded rows get bias)
    # VQ nearest neighbor: ||ze - e||^2 = ||ze||^2 + ||e||^2 - 2 ze.e
    dist = (ze ** 2).sum(-1, keepdims=True) + (emb ** 2).sum(-1)[None, None, :] - 2.0 * jnp.einsum('blc,kc->blk', ze, emb)
    nn_idx = jnp.argmin(dist, axis=-1)
    zq = jnp.take(emb, nn_idx, axis=0)
    dec_in = ze + jax.lax.stop_gradient(zq - ze)
    # decoder: scaled dot-product self-attention
    q = dec_in @ Wq + bq
    k = dec_in @ Wk + bk
    v = dec_in @ Wv + bv
    scores = jnp.einsum('bqd,bkd->bqk', q, k) / jnp.sqrt(jnp.float32(H))
    scores = jnp.where(in_mask[:, None, :], scores, -1e9)
    attn_w = jax.nn.softmax(scores, axis=-1)
    ctx = jnp.einsum('bqk,bkd->bqd', attn_w, v)
    logits = ctx @ Wc + bc
    dec_out = jax.nn.log_softmax(logits, axis=-1)
    return dec_out, attn_w, ze, zq


def reference(inputs, input_lens, in_mask, W1, b1, Wi_f, Wh_f, bi_f, bh_f, Wi_b, Wh_b, bi_b, bh_b, W2, b2, emb, Wq, bq, Wk, bk, Wv, bv, Wc, bc):
    return _forward(inputs, input_lens, in_mask, W1, b1, Wi_f, Wh_f, bi_f, bh_f, Wi_b, Wh_b, bi_b, bh_b, W2, b2, emb, Wq, bq, Wk, bk, Wv, bv, Wc, bc)

if __name__ == "__main__":
    import jax
    _d = setup_inputs()
    print(jax.jit(kernel)(*tuple(_d.values())))

</pallas_src>

<mosaic_0001>
#map = affine_map<(d0, d1) -> (0, 0)>
module attributes {stable_mosaic.version = 14 : i64} {
  func.func @_sc_gather_body(%arg0: i32, %arg1: i32, %arg2: memref<32768x256xf32, #tpu.memory_space<hbm>>, %arg3: memref<64x128xi32, #tpu.memory_space<hbm>>, %arg4: memref<8192x256xf32, #tpu.memory_space<hbm>>, %arg5: memref<2x128xi32, #tpu.memory_space<vmem>>, %arg6: memref<256x256xf32, #tpu.memory_space<vmem>>, %arg7: memref<!tpu.dma_semaphore, #tpu.memory_space<semaphore_mem>>, %arg8: memref<!tpu.dma_semaphore, #tpu.memory_space<semaphore_mem>>) attributes {dimension_semantics = [#tpu.dimension_semantics<core_parallel>, #tpu.dimension_semantics<subcore_parallel>], iteration_bounds = array<i64: 2, 16>, scalar_prefetch = 0 : i64, scratch_operands = 4 : i64, tpu.core_type = #tpu.core_type<sc_vector_subcore>, window_params = [{transform_indices = #map}, {transform_indices = #map}, {transform_indices = #map}]} {
    %mul3A = arith.constant 2 : i32
    %mul3A_0 = arith.muli %arg1, %mul3A : i32
    %add3A = arith.addi %mul3A_0, %arg0 : i32
    %mul3A_1 = arith.constant 2 : i32
    %mul3A_2 = arith.muli %add3A, %mul3A_1 : i32
    "tpu.region"() ({
      %run_scoped3A = tpu.sem_alloc : memref<!tpu.dma_semaphore, #tpu.memory_space<semaphore_mem>>
      %dma_start3A_87 = arith.constant 0 : i32
      %dma_start3A_88 = tpu.memref_slice %arg3[%mul3A_2, %dma_start3A_87] : memref<64x128xi32, #tpu.memory_space<hbm>> -> memref<2x128xi32, #tpu.memory_space<hbm>>
      %dma_start3A_89 = arith.constant 0 : i32
      %dma_start3A_90 = tpu.memref_slice %arg3[%mul3A_2, %dma_start3A_89] : memref<64x128xi32, #tpu.memory_space<hbm>> -> memref<2x128xi32, #tpu.memory_space<hbm>>
      tpu.enqueue_dma source(%dma_start3A_90 : memref<2x128xi32, #tpu.memory_space<hbm>>) target(%arg5 : memref<2x128xi32, #tpu.memory_space<vmem>>) target_semaphore(%run_scoped3A : memref<!tpu.dma_semaphore, #tpu.memory_space<semaphore_mem>>)
      %dma_wait3A_91 = arith.constant 0 : i32
      %dma_wait3A_92 = tpu.memref_slice %arg3[%mul3A_2, %dma_wait3A_91] : memref<64x128xi32, #tpu.memory_space<hbm>> -> memref<2x128xi32, #tpu.memory_space<hbm>>
      %dma_wait3A_93 = arith.constant 0 : i32
      %dma_wait3A_94 = tpu.memref_slice %arg3[%mul3A_2, %dma_wait3A_93] : memref<64x128xi32, #tpu.memory_space<hbm>> -> memref<2x128xi32, #tpu.memory_space<hbm>>
      tpu.wait_dma2 semaphore(%run_scoped3A : memref<!tpu.dma_semaphore, #tpu.memory_space<semaphore_mem>>) src(%dma_wait3A_94 : memref<2x128xi32, #tpu.memory_space<hbm>>) dst(%arg5 : memref<2x128xi32, #tpu.memory_space<vmem>>)
      tpu.yield
    }) : () -> ()
    %dma_start3A = arith.constant 0 : i32
    %dma_start3A_3 = arith.constant 0 : i32
    %dma_start3A_4 = arith.constant 0 : i32
    %dma_start3A_5 = tpu.memref_slice %arg6[%dma_start3A_3, %dma_start3A_4] : memref<256x256xf32, #tpu.memory_space<vmem>> -> memref<128x256xf32, #tpu.memory_space<vmem>>
    %dma_start3A_6 = arith.constant 0 : i32
    %dma_start3A_7 = tpu.memref_slice %arg5[%dma_start3A, %dma_start3A_6] : memref<2x128xi32, #tpu.memory_space<vmem>> -> memref<1x128xi32, #tpu.memory_space<vmem>>
    %dma_start3A_8 = tpu.memref_squeeze %dma_start3A_7 : memref<1x128xi32, #tpu.memory_space<vmem>> -> memref<128xi32, #tpu.memory_space<vmem>>
    %dma_start3A_9 = arith.constant 0 : i32
    %dma_start3A_10 = arith.constant 0 : i32
    %dma_start3A_11 = tpu.memref_slice %arg2[%dma_start3A_9, %dma_start3A_10] : memref<32768x256xf32, #tpu.memory_space<hbm>> -> memref<32768x256xf32, #tpu.memory_space<hbm>>
    tpu.enqueue_indirect_dma source(%dma_start3A_11 : memref<32768x256xf32, #tpu.memory_space<hbm>>) target(%dma_start3A_5 : memref<128x256xf32, #tpu.memory_space<vmem>>) offsets(%dma_start3A_8 : memref<128xi32, #tpu.memory_space<vmem>>) semaphore(%arg7 : memref<!tpu.dma_semaphore, #tpu.memory_space<semaphore_mem>>)
    %dma_start3A_12 = arith.constant 1 : i32
    %dma_start3A_13 = arith.constant 128 : i32
    %dma_start3A_14 = arith.constant 0 : i32
    %dma_start3A_15 = tpu.memref_slice %arg6[%dma_start3A_13, %dma_start3A_14] : memref<256x256xf32, #tpu.memory_space<vmem>> -> memref<128x256xf32, #tpu.memory_space<vmem>>
    %dma_start3A_16 = arith.constant 0 : i32
    %dma_start3A_17 = tpu.memref_slice %arg5[%dma_start3A_12, %dma_start3A_16] : memref<2x128xi32, #tpu.memory_space<vmem>> -> memref<1x128xi32, #tpu.memory_space<vmem>>
    %dma_start3A_18 = tpu.memref_squeeze %dma_start3A_17 : memref<1x128xi32, #tpu.memory_space<vmem>> -> memref<128xi32, #tpu.memory_space<vmem>>
    %dma_start3A_19 = arith.constant 0 : i32
    %dma_start3A_20 = arith.constant 0 : i32
    %dma_start3A_21 = tpu.memref_slice %arg2[%dma_start3A_19, %dma_start3A_20] : memref<32768x256xf32, #tpu.memory_space<hbm>> -> memref<32768x256xf32, #tpu.memory_space<hbm>>
    tpu.enqueue_indirect_dma source(%dma_start3A_21 : memref<32768x256xf32, #tpu.memory_space<hbm>>) target(%dma_start3A_15 : memref<128x256xf32, #tpu.memory_space<vmem>>) offsets(%dma_start3A_18 : memref<128xi32, #tpu.memory_space<vmem>>) semaphore(%arg7 : memref<!tpu.dma_semaphore, #tpu.memory_space<semaphore_mem>>)
    %dma_wait3A = arith.constant 0 : i32
    %dma_wait3A_22 = arith.constant 0 : i32
    %dma_wait3A_23 = arith.constant 0 : i32
    %dma_wait3A_24 = tpu.memref_slice %arg6[%dma_wait3A_22, %dma_wait3A_23] : memref<256x256xf32, #tpu.memory_space<vmem>> -> memref<128x256xf32, #tpu.memory_space<vmem>>
    %dma_wait3A_25 = arith.constant 0 : i32
    %dma_wait3A_26 = tpu.memref_slice %arg5[%dma_wait3A, %dma_wait3A_25] : memref<2x128xi32, #tpu.memory_space<vmem>> -> memref<1x128xi32, #tpu.memory_space<vmem>>
    %dma_wait3A_27 = tpu.memref_squeeze %dma_wait3A_26 : memref<1x128xi32, #tpu.memory_space<vmem>> -> memref<128xi32, #tpu.memory_space<vmem>>
    %dma_wait3A_28 = arith.constant 0 : i32
    %dma_wait3A_29 = arith.constant 0 : i32
    %dma_wait3A_30 = tpu.memref_slice %arg2[%dma_wait3A_28, %dma_wait3A_29] : memref<32768x256xf32, #tpu.memory_space<hbm>> -> memref<32768x256xf32, #tpu.memory_space<hbm>>
    tpu.wait_indirect_dma semaphore(%arg7 : memref<!tpu.dma_semaphore, #tpu.memory_space<semaphore_mem>>) src(%dma_wait3A_30 : memref<32768x256xf32, #tpu.memory_space<hbm>>) dst(%dma_wait3A_24 : memref<128x256xf32, #tpu.memory_space<vmem>>)
    %mul3A_31 = arith.constant 256 : i32
    %mul3A_32 = arith.muli %add3A, %mul3A_31 : i32
    %dma_start3A_33 = arith.constant 0 : i32
    %dma_start3A_34 = arith.constant 0 : i32
    %dma_start3A_35 = tpu.memref_slice %arg6[%dma_start3A_33, %dma_start3A_34] : memref<256x256xf32, #tpu.memory_space<vmem>> -> memref<128x256xf32, #tpu.memory_space<vmem>>
    %dma_start3A_36 = arith.constant 0 : i32
    %dma_start3A_37 = tpu.memref_slice %arg4[%mul3A_32, %dma_start3A_36] : memref<8192x256xf32, #tpu.memory_space<hbm>> -> memref<128x256xf32, #tpu.memory_space<hbm>>
    %dma_start3A_38 = arith.constant 0 : i32
    %dma_start3A_39 = tpu.memref_slice %arg4[%mul3A_32, %dma_start3A_38] : memref<8192x256xf32, #tpu.memory_space<hbm>> -> memref<128x256xf32, #tpu.memory_space<hbm>>
    %dma_start3A_40 = arith.constant 0 : i32
    %dma_start3A_41 = arith.constant 0 : i32
    %dma_start3A_42 = tpu.memref_slice %arg6[%dma_start3A_40, %dma_start3A_41] : memref<256x256xf32, #tpu.memory_space<vmem>> -> memref<128x256xf32, #tpu.memory_space<vmem>>
    tpu.enqueue_dma source(%dma_start3A_42 : memref<128x256xf32, #tpu.memory_space<vmem>>) target(%dma_start3A_39 : memref<128x256xf32, #tpu.memory_space<hbm>>) target_semaphore(%arg8 : memref<!tpu.dma_semaphore, #tpu.memory_space<semaphore_mem>>)
    %dma_wait3A_43 = arith.constant 1 : i32
    %dma_wait3A_44 = arith.constant 128 : i32
    %dma_wait3A_45 = arith.constant 0 : i32
    %dma_wait3A_46 = tpu.memref_slice %arg6[%dma_wait3A_44, %dma_wait3A_45] : memref<256x256xf32, #tpu.memory_space<vmem>> -> memref<128x256xf32, #tpu.memory_space<vmem>>
    %dma_wait3A_47 = arith.constant 0 : i32
    %dma_wait3A_48 = tpu.memref_slice %arg5[%dma_wait3A_43, %dma_wait3A_47] : memref<2x128xi32, #tpu.memory_space<vmem>> -> memref<1x128xi32, #tpu.memory_space<vmem>>
    %dma_wait3A_49 = tpu.memref_squeeze %dma_wait3A_48 : memref<1x128xi32, #tpu.memory_space<vmem>> -> memref<128xi32, #tpu.memory_space<vmem>>
    %dma_wait3A_50 = arith.constant 0 : i32
    %dma_wait3A_51 = arith.constant 0 : i32
    %dma_wait3A_52 = tpu.memref_slice %arg2[%dma_wait3A_50, %dma_wait3A_51] : memref<32768x256xf32, #tpu.memory_space<hbm>> -> memref<32768x256xf32, #tpu.memory_space<hbm>>
    tpu.wait_indirect_dma semaphore(%arg7 : memref<!tpu.dma_semaphore, #tpu.memory_space<semaphore_mem>>) src(%dma_wait3A_52 : memref<32768x256xf32, #tpu.memory_space<hbm>>) dst(%dma_wait3A_46 : memref<128x256xf32, #tpu.memory_space<vmem>>)
    %mul3A_53 = arith.constant 256 : i32
    %mul3A_54 = arith.muli %add3A, %mul3A_53 : i32
    %add3A_55 = arith.constant 128 : i32
    %add3A_56 = arith.addi %mul3A_54, %add3A_55 : i32
    %dma_start3A_57 = arith.constant 128 : i32
    %dma_start3A_58 = arith.constant 0 : i32
    %dma_start3A_59 = tpu.memref_slice %arg6[%dma_start3A_57, %dma_start3A_58] : memref<256x256xf32, #tpu.memory_space<vmem>> -> memref<128x256xf32, #tpu.memory_space<vmem>>
    %dma_start3A_60 = arith.constant 0 : i32
    %dma_start3A_61 = tpu.memref_slice %arg4[%add3A_56, %dma_start3A_60] : memref<8192x256xf32, #tpu.memory_space<hbm>> -> memref<128x256xf32, #tpu.memory_space<hbm>>
    %dma_start3A_62 = arith.constant 0 : i32
    %dma_start3A_63 = tpu.memref_slice %arg4[%add3A_56, %dma_start3A_62] : memref<8192x256xf32, #tpu.memory_space<hbm>> -> memref<128x256xf32, #tpu.memory_space<hbm>>
    %dma_start3A_64 = arith.constant 128 : i32
    %dma_start3A_65 = arith.constant 0 : i32
    %dma_start3A_66 = tpu.memref_slice %arg6[%dma_start3A_64, %dma_start3A_65] : memref<256x256xf32, #tpu.memory_space<vmem>> -> memref<128x256xf32, #tpu.memory_space<vmem>>
    tpu.enqueue_dma source(%dma_start3A_66 : memref<128x256xf32, #tpu.memory_space<vmem>>) target(%dma_start3A_63 : memref<128x256xf32, #tpu.memory_space<hbm>>) target_semaphore(%arg8 : memref<!tpu.dma_semaphore, #tpu.memory_space<semaphore_mem>>)
    %dma_wait3A_67 = arith.constant 0 : i32
    %dma_wait3A_68 = arith.constant 0 : i32
    %dma_wait3A_69 = tpu.memref_slice %arg6[%dma_wait3A_67, %dma_wait3A_68] : memref<256x256xf32, #tpu.memory_space<vmem>> -> memref<128x256xf32, #tpu.memory_space<vmem>>
    %dma_wait3A_70 = arith.constant 0 : i32
    %dma_wait3A_71 = tpu.memref_slice %arg4[%mul3A_32, %dma_wait3A_70] : memref<8192x256xf32, #tpu.memory_space<hbm>> -> memref<128x256xf32, #tpu.memory_space<hbm>>
    %dma_wait3A_72 = arith.constant 0 : i32
    %dma_wait3A_73 = tpu.memref_slice %arg4[%mul3A_32, %dma_wait3A_72] : memref<8192x256xf32, #tpu.memory_space<hbm>> -> memref<128x256xf32, #tpu.memory_space<hbm>>
    %dma_wait3A_74 = arith.constant 0 : i32
    %dma_wait3A_75 = arith.constant 0 : i32
    %dma_wait3A_76 = tpu.memref_slice %arg6[%dma_wait3A_74, %dma_wait3A_75] : memref<256x256xf32, #tpu.memory_space<vmem>> -> memref<128x256xf32, #tpu.memory_space<vmem>>
    tpu.wait_dma2 semaphore(%arg8 : memref<!tpu.dma_semaphore, #tpu.memory_space<semaphore_mem>>) src(%dma_wait3A_76 : memref<128x256xf32, #tpu.memory_space<vmem>>) dst(%dma_wait3A_73 : memref<128x256xf32, #tpu.memory_space<hbm>>)
    %dma_wait3A_77 = arith.constant 128 : i32
    %dma_wait3A_78 = arith.constant 0 : i32
    %dma_wait3A_79 = tpu.memref_slice %arg6[%dma_wait3A_77, %dma_wait3A_78] : memref<256x256xf32, #tpu.memory_space<vmem>> -> memref<128x256xf32, #tpu.memory_space<vmem>>
    %dma_wait3A_80 = arith.constant 0 : i32
    %dma_wait3A_81 = tpu.memref_slice %arg4[%add3A_56, %dma_wait3A_80] : memref<8192x256xf32, #tpu.memory_space<hbm>> -> memref<128x256xf32, #tpu.memory_space<hbm>>
    %dma_wait3A_82 = arith.constant 0 : i32
    %dma_wait3A_83 = tpu.memref_slice %arg4[%add3A_56, %dma_wait3A_82] : memref<8192x256xf32, #tpu.memory_space<hbm>> -> memref<128x256xf32, #tpu.memory_space<hbm>>
    %dma_wait3A_84 = arith.constant 128 : i32
    %dma_wait3A_85 = arith.constant 0 : i32
    %dma_wait3A_86 = tpu.memref_slice %arg6[%dma_wait3A_84, %dma_wait3A_85] : memref<256x256xf32, #tpu.memory_space<vmem>> -> memref<128x256xf32, #tpu.memory_space<vmem>>
    tpu.wait_dma2 semaphore(%arg8 : memref<!tpu.dma_semaphore, #tpu.memory_space<semaphore_mem>>) src(%dma_wait3A_86 : memref<128x256xf32, #tpu.memory_space<vmem>>) dst(%dma_wait3A_83 : memref<128x256xf32, #tpu.memory_space<hbm>>)
    return
  }
}

module attributes {stable_mosaic.version = 14 : i64} {
  func.func @_vq_body(%arg0: i32, %arg1: memref<32x16x256xf32, #tpu.memory_space<vmem>>, %arg2: memref<32x16x256xf32, #tpu.memory_space<vmem>>, %arg3: memref<256x256xf32, #tpu.memory_space<vmem>>, %arg4: memref<256x256xf32, #tpu.memory_space<vmem>>, %arg5: memref<1x256xf32, #tpu.memory_space<vmem>>, %arg6: memref<256x1024xf32, #tpu.memory_space<vmem>>, %arg7: memref<32x16x256xf32, #tpu.memory_space<vmem>>, %arg8: memref<1x1x512xi32, #tpu.memory_space<vmem>>) attributes {dimension_semantics = [#tpu.dimension_semantics<arbitrary>], iteration_bounds = array<i64: 16>, scalar_prefetch = 0 : i64, scratch_operands = 0 : i64, tpu.core_type = #tpu.core_type<tc>, window_params = [{transform_indices = @transform_0, window_bounds = array<i64: 32, 16, 256>}, {transform_indices = @transform_1, window_bounds = array<i64: 32, 16, 256>}, {pipeline_mode = #tpu.pipeline_mode<synchronous>, transform_indices = @transform_2, window_bounds = array<i64: 256, 256>}, {pipeline_mode = #tpu.pipeline_mode<synchronous>, transform_indices = @transform_3, window_bounds = array<i64: 256, 256>}, {pipeline_mode = #tpu.pipeline_mode<synchronous>, transform_indices = @transform_4, window_bounds = array<i64: 1, 256>}, {pipeline_mode = #tpu.pipeline_mode<synchronous>, transform_indices = @transform_5, window_bounds = array<i64: 256, 1024>}, {transform_indices = @transform_6, window_bounds = array<i64: 32, 16, 256>}, {transform_indices = @transform_7, window_bounds = array<i64: 1, 1, 512>}]} {
    %get3A = arith.constant 0 : index
    %get3A_0 = arith.constant 0 : index
    %get3A_1 = arith.constant 0 : index
    %get3A_2 = vector.load %arg1[%get3A, %get3A_0, %get3A_1] : memref<32x16x256xf32, #tpu.memory_space<vmem>>, vector<32x16x256xf32>
    %reshape3A = vector.shape_cast %get3A_2 : vector<32x16x256xf32> to vector<512x256xf32>
    %get3A_3 = arith.constant 0 : index
    %get3A_4 = arith.constant 0 : index
    %get3A_5 = arith.constant 0 : index
    %get3A_6 = vector.load %arg2[%get3A_3, %get3A_4, %get3A_5] : memref<32x16x256xf32, #tpu.memory_space<vmem>>, vector<32x16x256xf32>
    %reshape3A_7 = vector.shape_cast %get3A_6 : vector<32x16x256xf32> to vector<512x256xf32>
    %get3A_8 = arith.constant 0 : index
    %get3A_9 = arith.constant 0 : index
    %get3A_10 = vector.load %arg3[%get3A_8, %get3A_9] : memref<256x256xf32, #tpu.memory_space<vmem>>, vector<256x256xf32>
    %dot_general3A = arith.constant dense<0.000000e+00> : vector<512x256xf32>
    %dot_general3A_11 = tpu.matmul %reshape3A, %get3A_10, %dot_general3A {dimension_numbers = #tpu.dot_dimension_numbers<[1], [0], [0], [1], [0, 0, 1, 1], [], []>, transpose_lhs_hint = false} : vector<512x256xf32>, vector<256x256xf32>, vector<512x256xf32> -> vector<512x256xf32>
    %get3A_12 = arith.constant 0 : index
    %get3A_13 = arith.constant 0 : index
    %get3A_14 = vector.load %arg4[%get3A_12, %get3A_13] : memref<256x256xf32, #tpu.memory_space<vmem>>, vector<256x256xf32>
    %dot_general3A_15 = arith.constant dense<0.000000e+00> : vector<512x256xf32>
    %dot_general3A_16 = tpu.matmul %reshape3A_7, %get3A_14, %dot_general3A_15 {dimension_numbers = #tpu.dot_dimension_numbers<[1], [0], [0], [1], [0, 0, 1, 1], [], []>, transpose_lhs_hint = false} : vector<512x256xf32>, vector<256x256xf32>, vector<512x256xf32> -> vector<512x256xf32>
    %add3A = arith.addf %dot_general3A_11, %dot_general3A_16 : vector<512x256xf32>
    %get3A_17 = arith.constant 0 : index
    %get3A_18 = arith.constant 0 : index
    %get3A_19 = vector.load %arg5[%get3A_17, %get3A_18] : memref<1x256xf32, #tpu.memory_space<vmem>>, vector<1x256xf32>
    %add3A_20 = vector.broadcast %get3A_19 : vector<1x256xf32> to vector<512x256xf32>
    %add3A_21 = arith.addf %add3A, %add3A_20 : vector<512x256xf32>
    %get3A_22 = arith.constant 0 : index
    %get3A_23 = arith.constant 0 : index
    %get3A_24 = vector.load %arg6[%get3A_22, %get3A_23] : memref<256x1024xf32, #tpu.memory_space<vmem>>, vector<256x1024xf32>
    %mul3A = arith.mulf %get3A_24, %get3A_24 : vector<256x1024xf32>
    %reduce_sum3A = arith.constant dense<0.000000e+00> : vector<1024xf32>
    %reduce_sum3A_25 = vector.multi_reduction <add>, %mul3A, %reduce_sum3A [0] : vector<256x1024xf32> to vector<1024xf32>
    %broadcast_in_dim3A = vector.shape_cast %reduce_sum3A_25 : vector<1024xf32> to vector<1x1024xf32>
    %mul3A_26 = arith.mulf %add3A_21, %add3A_21 : vector<512x256xf32>
    %reduce_sum3A_27 = arith.constant dense<0.000000e+00> : vector<512xf32>
    %reduce_sum3A_28 = vector.multi_reduction <add>, %mul3A_26, %reduce_sum3A_27 [1] : vector<512x256xf32> to vector<512xf32>
    %broadcast_in_dim3A_29 = vector.shape_cast %reduce_sum3A_28 : vector<512xf32> to vector<512x1xf32>
    %dot_general3A_30 = arith.constant dense<0.000000e+00> : vector<512x1024xf32>
    %dot_general3A_31 = tpu.matmul %add3A_21, %get3A_24, %dot_general3A_30 {dimension_numbers = #tpu.dot_dimension_numbers<[1], [0], [0], [1], [0, 0, 1, 1], [], []>, transpose_lhs_hint = false} : vector<512x256xf32>, vector<256x1024xf32>, vector<512x1024xf32> -> vector<512x1024xf32>
    %add3A_32 = vector.broadcast %broadcast_in_dim3A_29 : vector<512x1xf32> to vector<512x1024xf32>
    %add3A_33 = vector.broadcast %broadcast_in_dim3A : vector<1x1024xf32> to vector<512x1024xf32>
    %add3A_34 = arith.addf %add3A_32, %add3A_33 : vector<512x1024xf32>
    %mul3A_35 = arith.constant 2.000000e+00 : f32
    %mul3A_36 = vector.broadcast %mul3A_35 : f32 to vector<512x1024xf32>
    %mul3A_37 = arith.mulf %mul3A_36, %dot_general3A_31 : vector<512x1024xf32>
    %sub3A = arith.subf %add3A_34, %mul3A_37 : vector<512x1024xf32>
    %reduce_min3A = arith.constant dense<0x7F800000> : vector<512xf32>
    %reduce_min3A_38 = vector.multi_reduction <minimumf>, %sub3A, %reduce_min3A [1] : vector<512x1024xf32> to vector<512xf32>
    %broadcast_in_dim3A_39 = vector.shape_cast %reduce_min3A_38 : vector<512xf32> to vector<512x1xf32>
    %iota3A = tpu.iota {dimensions = array<i32: 1>} : vector<512x1024xi32>
    %eq3A = vector.broadcast %broadcast_in_dim3A_39 : vector<512x1xf32> to vector<512x1024xf32>
    %eq3A_40 = arith.cmpf oeq, %sub3A, %eq3A : vector<512x1024xf32>
    %jit3A = arith.constant 1024 : i32
    %broadcast_in_dim3A_41 = vector.broadcast %jit3A : i32 to vector<512x1024xi32>
    %select_n3A = arith.select %eq3A_40, %iota3A, %broadcast_in_dim3A_41 : vector<512x1024xi1>, vector<512x1024xi32>
    %reduce_min3A_42 = arith.constant dense<2147483647> : vector<512xi32>
    %reduce_min3A_43 = vector.multi_reduction <minsi>, %select_n3A, %reduce_min3A_42 [1] : vector<512x1024xi32> to vector<512xi32>
    %iota3A_44 = tpu.iota {dimensions = array<i32: 1>} : vector<1x512xi32>
    %iota3A_45 = vector.shape_cast %iota3A_44 : vector<1x512xi32> to vector<512xi32>
    %mul3A_46 = arith.constant 2 : i32
    %mul3A_47 = arith.muli %mul3A_46, %arg0 : i32
    %jit3A_48 = arith.constant 256 : i32
    %div3A = vector.broadcast %jit3A_48 : i32 to vector<512xi32>
    %div3A_49 = arith.divsi %iota3A_45, %div3A : vector<512xi32>
    %sign3A = arith.constant 0 : i32
    %sign3A_50 = vector.broadcast %sign3A : i32 to vector<512xi32>
    %sign3A_51 = arith.cmpi sgt, %iota3A_45, %sign3A_50 : vector<512xi32>
    %sign3A_52 = arith.extui %sign3A_51 : vector<512xi1> to vector<512xi32>
    %sign3A_53 = arith.constant 0 : i32
    %sign3A_54 = vector.broadcast %sign3A_53 : i32 to vector<512xi32>
    %sign3A_55 = arith.cmpi slt, %iota3A_45, %sign3A_54 : vector<512xi32>
    %sign3A_56 = arith.extui %sign3A_55 : vector<512xi1> to vector<512xi32>
    %sign3A_57 = arith.subi %sign3A_52, %sign3A_56 : vector<512xi32>
    %sign3A_58 = arith.constant 0 : i32
    %sign3A_59 = arith.cmpi sgt, %jit3A_48, %sign3A_58 : i32
    %sign3A_60 = arith.extui %sign3A_59 : i1 to i32
    %sign3A_61 = arith.constant 0 : i32
    %sign3A_62 = arith.cmpi slt, %jit3A_48, %sign3A_61 : i32
    %sign3A_63 = arith.extui %sign3A_62 : i1 to i32
    %sign3A_64 = arith.subi %sign3A_60, %sign3A_63 : i32
    %ne3A = vector.broadcast %sign3A_64 : i32 to vector<512xi32>
    %ne3A_65 = arith.cmpi ne, %sign3A_57, %ne3A : vector<512xi32>
    %rem3A = vector.broadcast %jit3A_48 : i32 to vector<512xi32>
    %rem3A_66 = arith.remsi %iota3A_45, %rem3A : vector<512xi32>
    %ne3A_67 = arith.constant 0 : i32
    %ne3A_68 = vector.broadcast %ne3A_67 : i32 to vector<512xi32>
    %ne3A_69 = arith.cmpi ne, %rem3A_66, %ne3A_68 : vector<512xi32>
    %and3A = arith.andi %ne3A_65, %ne3A_69 : vector<512xi1>
    %sub3A_70 = arith.constant 1 : i32
    %sub3A_71 = vector.broadcast %sub3A_70 : i32 to vector<512xi32>
    %sub3A_72 = arith.subi %div3A_49, %sub3A_71 : vector<512xi32>
    %select_n3A_73 = arith.select %and3A, %sub3A_72, %div3A_49 : vector<512xi1>, vector<512xi32>
    %add3A_74 = vector.broadcast %mul3A_47 : i32 to vector<512xi32>
    %add3A_75 = arith.addi %add3A_74, %select_n3A_73 : vector<512xi32>
    %jit3A_76 = arith.constant 32 : i32
    %eq3A_77 = arith.constant 0 : i32
    %eq3A_78 = arith.cmpi eq, %jit3A_76, %eq3A_77 : i32
    %jit3A_79 = arith.constant 1 : i32
    %select_n3A_80 = arith.select %eq3A_78, %jit3A_79, %jit3A_76 : i32
    %rem3A_81 = vector.broadcast %select_n3A_80 : i32 to vector<512xi32>
    %rem3A_82 = arith.remsi %add3A_75, %rem3A_81 : vector<512xi32>
    %ne3A_83 = arith.constant 0 : i32
    %ne3A_84 = vector.broadcast %ne3A_83 : i32 to vector<512xi32>
    %ne3A_85 = arith.cmpi ne, %rem3A_82, %ne3A_84 : vector<512xi32>
    %lt3A = arith.constant 0 : i32
    %lt3A_86 = vector.broadcast %lt3A : i32 to vector<512xi32>
    %lt3A_87 = arith.cmpi slt, %rem3A_82, %lt3A_86 : vector<512xi32>
    %lt3A_88 = arith.constant 0 : i32
    %lt3A_89 = arith.cmpi slt, %select_n3A_80, %lt3A_88 : i32
    %ne3A_90 = vector.broadcast %lt3A_89 : i1 to vector<512xi1>
    %ne3A_91 = vector.broadcast %ne3A_90 : vector<512xi1> to vector<512xi1>
    %ne3A_92 = arith.xori %lt3A_87, %ne3A_91 : vector<512xi1>
    %and3A_93 = arith.andi %ne3A_92, %ne3A_85 : vector<512xi1>
    %add3A_94 = vector.broadcast %select_n3A_80 : i32 to vector<512xi32>
    %add3A_95 = arith.addi %rem3A_82, %add3A_94 : vector<512xi32>
    %select_n3A_96 = arith.select %and3A_93, %add3A_95, %rem3A_82 : vector<512xi1>, vector<512xi32>
    %mul3A_97 = arith.constant 1024 : i32
    %mul3A_98 = vector.broadcast %mul3A_97 : i32 to vector<512xi32>
    %mul3A_99 = arith.muli %select_n3A_96, %mul3A_98 : vector<512xi32>
    %reshape3A_100 = vector.shape_cast %add3A_21 : vector<512x256xf32> to vector<32x16x256xf32>
    %swap3A = arith.constant 0 : index
    %swap3A_101 = arith.constant 0 : index
    %swap3A_102 = arith.constant 0 : index
    %swap3A_103 = vector.load %arg7[%swap3A, %swap3A_101, %swap3A_102] : memref<32x16x256xf32, #tpu.memory_space<vmem>>, vector<32x16x256xf32>
    tpu.vector_store %arg7[%swap3A, %swap3A_101, %swap3A_102], %reshape3A_100 {strides = array<i32>} : memref<32x16x256xf32, #tpu.memory_space<vmem>>, vector<32x16x256xf32>,
    %add3A_104 = arith.addi %reduce_min3A_43, %mul3A_99 : vector<512xi32>
    %reshape3A_105 = vector.shape_cast %add3A_104 : vector<512xi32> to vector<1x1x512xi32>
    %swap3A_106 = arith.constant 0 : index
    %swap3A_107 = arith.constant 0 : index
    %swap3A_108 = arith.constant 0 : index
    %swap3A_109 = vector.load %arg8[%swap3A_106, %swap3A_107, %swap3A_108] : memref<1x1x512xi32, #tpu.memory_space<vmem>>, vector<1x1x512xi32>
    tpu.vector_store %arg8[%swap3A_106, %swap3A_107, %swap3A_108], %reshape3A_105 {strides = array<i32>} : memref<1x1x512xi32, #tpu.memory_space<vmem>>, vector<1x1x512xi32>,
    return
  }
  func.func @transform_0(%arg0: i32) -> (i32, i32, i32) {
    %c0_i32 = arith.constant 0 : i32
    %c0_i32_0 = arith.constant 0 : i32
    %c0_i32_1 = arith.constant 0 : i32
    return %arg0, %c0_i32, %c0_i32_0 : i32, i32, i32
  }
  func.func @transform_1(%arg0: i32) -> (i32, i32, i32) {
    %c0_i32 = arith.constant 0 : i32
    %c0_i32_0 = arith.constant 0 : i32
    %c0_i32_1 = arith.constant 0 : i32
    return %arg0, %c0_i32, %c0_i32_0 : i32, i32, i32
  }
  func.func @transform_2(%arg0: i32) -> (i32, i32) {
    %c0_i32 = arith.constant 0 : i32
    %c0_i32_0 = arith.constant 0 : i32
    %c0_i32_1 = arith.constant 0 : i32
    return %c0_i32, %c0_i32_0 : i32, i32
  }
  func.func @transform_3(%arg0: i32) -> (i32, i32) {
    %c0_i32 = arith.constant 0 : i32
    %c0_i32_0 = arith.constant 0 : i32
    %c0_i32_1 = arith.constant 0 : i32
    return %c0_i32, %c0_i32_0 : i32, i32
  }
  func.func @transform_4(%arg0: i32) -> (i32, i32) {
    %c0_i32 = arith.constant 0 : i32
    %c0_i32_0 = arith.constant 0 : i32
    %c0_i32_1 = arith.constant 0 : i32
    return %c0_i32, %c0_i32_0 : i32, i32
  }
  func.func @transform_5(%arg0: i32) -> (i32, i32) {
    %c0_i32 = arith.constant 0 : i32
    %c0_i32_0 = arith.constant 0 : i32
    %c0_i32_1 = arith.constant 0 : i32
    return %c0_i32, %c0_i32_0 : i32, i32
  }
  func.func @transform_6(%arg0: i32) -> (i32, i32, i32) {
    %c0_i32 = arith.constant 0 : i32
    %c0_i32_0 = arith.constant 0 : i32
    %c0_i32_1 = arith.constant 0 : i32
    return %arg0, %c0_i32, %c0_i32_0 : i32, i32, i32
  }
  func.func @transform_7(%arg0: i32) -> (i32, i32, i32) {
    %c0_i32 = arith.constant 0 : i32
    %c0_i32_0 = arith.constant 0 : i32
    %c0_i32_1 = arith.constant 0 : i32
    return %arg0, %c0_i32, %c0_i32_0 : i32, i32, i32
  }
}

module attributes {stable_mosaic.version = 14 : i64} {
  func.func @_bilstm_body(%arg0: i32, %arg1: memref<16x1xi32, #tpu.memory_space<vmem>>, %arg2: memref<16x16x128xf32, #tpu.memory_space<vmem>>, %arg3: memref<16x16x128xf32, #tpu.memory_space<vmem>>, %arg4: memref<128x256xf32, #tpu.memory_space<vmem>>, %arg5: memref<1x256xf32, #tpu.memory_space<vmem>>, %arg6: memref<1024x256xf32, #tpu.memory_space<vmem>>, %arg7: memref<1x1024xf32, #tpu.memory_space<vmem>>, %arg8: memref<1024x256xf32, #tpu.memory_space<vmem>>, %arg9: memref<1x1024xf32, #tpu.memory_space<vmem>>, %arg10: memref<256x1024xf32, #tpu.memory_space<vmem>>, %arg11: memref<256x1024xf32, #tpu.memory_space<vmem>>, %arg12: memref<16x16x256xf32, #tpu.memory_space<vmem>>, %arg13: memref<16x16x256xf32, #tpu.memory_space<vmem>>, %arg14: memref<16x256xf32, #tpu.memory_space<vmem>>, %arg15: memref<16x256xf32, #tpu.memory_space<vmem>>, %arg16: memref<16x256xf32, #tpu.memory_space<vmem>>, %arg17: memref<16x256xf32, #tpu.memory_space<vmem>>) attributes {dimension_semantics = [#tpu.dimension_semantics<arbitrary>], iteration_bounds = array<i64: 32>, scalar_prefetch = 0 : i64, scratch_operands = 4 : i64, tpu.core_type = #tpu.core_type<tc>, window_params = [{pipeline_mode = #tpu.pipeline_mode<synchronous>, transform_indices = @transform_0, window_bounds = array<i64: 16, 1>}, {transform_indices = @transform_1, window_bounds = array<i64: 16, 16, 128>}, {transform_indices = @transform_2, window_bounds = array<i64: 16, 16, 128>}, {pipeline_mode = #tpu.pipeline_mode<synchronous>, transform_indices = @transform_3, window_bounds = array<i64: 128, 256>}, {pipeline_mode = #tpu.pipeline_mode<synchronous>, transform_indices = @transform_4, window_bounds = array<i64: 1, 256>}, {pipeline_mode = #tpu.pipeline_mode<synchronous>, transform_indices = @transform_5, window_bounds = array<i64: 1024, 256>}, {pipeline_mode = #tpu.pipeline_mode<synchronous>, transform_indices = @transform_6, window_bounds = array<i64: 1, 1024>}, {pipeline_mode = #tpu.pipeline_mode<synchronous>, transform_indices = @transform_7, window_bounds = array<i64: 1024, 256>}, {pipeline_mode = #tpu.pipeline_mode<synchronous>, transform_indices = @transform_8, window_bounds = array<i64: 1, 1024>}, {pipeline_mode = #tpu.pipeline_mode<synchronous>, transform_indices = @transform_9, window_bounds = array<i64: 256, 1024>}, {pipeline_mode = #tpu.pipeline_mode<synchronous>, transform_indices = @transform_10, window_bounds = array<i64: 256, 1024>}, {transform_indices = @transform_11, window_bounds = array<i64: 16, 16, 256>}, {transform_indices = @transform_12, window_bounds = array<i64: 16, 16, 256>}]} {
    %eq3A = arith.constant 0 : i32
    %eq3A_0 = arith.cmpi eq, %arg0, %eq3A : i32
    %convert_element_type3A = arith.extui %eq3A_0 : i1 to i32
    %cond3A = arith.constant 0 : i32
    %cond3A_1 = arith.cmpi ne, %convert_element_type3A, %cond3A : i32
    scf.if %cond3A_1 {
      %broadcast_in_dim3A_2276 = arith.constant 0.000000e+00 : f32
      %broadcast_in_dim3A_2277 = vector.broadcast %broadcast_in_dim3A_2276 : f32 to vector<16x256xf32>
      %swap3A_2278 = arith.constant 0 : index
      %swap3A_2279 = arith.constant 0 : index
      %swap3A_2280 = vector.load %arg14[%swap3A_2278, %swap3A_2279] : memref<16x256xf32, #tpu.memory_space<vmem>>, vector<16x256xf32>
      tpu.vector_store %arg14[%swap3A_2278, %swap3A_2279], %broadcast_in_dim3A_2277 {strides = array<i32>} : memref<16x256xf32, #tpu.memory_space<vmem>>, vector<16x256xf32>,
      %broadcast_in_dim3A_2281 = arith.constant 0.000000e+00 : f32
      %broadcast_in_dim3A_2282 = vector.broadcast %broadcast_in_dim3A_2281 : f32 to vector<16x256xf32>
      %swap3A_2283 = arith.constant 0 : index
      %swap3A_2284 = arith.constant 0 : index
      %swap3A_2285 = vector.load %arg15[%swap3A_2283, %swap3A_2284] : memref<16x256xf32, #tpu.memory_space<vmem>>, vector<16x256xf32>
      tpu.vector_store %arg15[%swap3A_2283, %swap3A_2284], %broadcast_in_dim3A_2282 {strides = array<i32>} : memref<16x256xf32, #tpu.memory_space<vmem>>, vector<16x256xf32>,
      %broadcast_in_dim3A_2286 = arith.constant 0.000000e+00 : f32
      %broadcast_in_dim3A_2287 = vector.broadcast %broadcast_in_dim3A_2286 : f32 to vector<16x256xf32>
      %swap3A_2288 = arith.constant 0 : index
      %swap3A_2289 = arith.constant 0 : index
      %swap3A_2290 = vector.load %arg16[%swap3A_2288, %swap3A_2289] : memref<16x256xf32, #tpu.memory_space<vmem>>, vector<16x256xf32>
      tpu.vector_store %arg16[%swap3A_2288, %swap3A_2289], %broadcast_in_dim3A_2287 {strides = array<i32>} : memref<16x256xf32, #tpu.memory_space<vmem>>, vector<16x256xf32>,
      %broadcast_in_dim3A_2291 = arith.constant 0.000000e+00 : f32
      %broadcast_in_dim3A_2292 = vector.broadcast %broadcast_in_dim3A_2291 : f32 to vector<16x256xf32>
      %swap3A_2293 = arith.constant 0 : index
      %swap3A_2294 = arith.constant 0 : index
      %swap3A_2295 = vector.load %arg17[%swap3A_2293, %swap3A_2294] : memref<16x256xf32, #tpu.memory_space<vmem>>, vector<16x256xf32>
      tpu.vector_store %arg17[%swap3A_2293, %swap3A_2294], %broadcast_in_dim3A_2292 {strides = array<i32>} : memref<16x256xf32, #tpu.memory_space<vmem>>, vector<16x256xf32>,
    } else {
    }
    %get3A = arith.constant 0 : index
    %get3A_2 = arith.constant 0 : index
    %get3A_3 = vector.load %arg1[%get3A, %get3A_2] : memref<16x1xi32, #tpu.memory_space<vmem>>, vector<16x1xi32>
    %get3A_4 = arith.constant 0 : index
    %get3A_5 = arith.constant 0 : index
    %get3A_6 = arith.constant 0 : index
    %get3A_7 = vector.load %arg2[%get3A_4, %get3A_5, %get3A_6] : memref<16x16x128xf32, #tpu.memory_space<vmem>>, vector<16x16x128xf32>
    %reshape3A = vector.shape_cast %get3A_7 : vector<16x16x128xf32> to vector<256x128xf32>
    %get3A_8 = arith.constant 0 : index
    %get3A_9 = arith.constant 0 : index
    %get3A_10 = arith.constant 0 : index
    %get3A_11 = vector.load %arg3[%get3A_8, %get3A_9, %get3A_10] : memref<16x16x128xf32, #tpu.memory_space<vmem>>, vector<16x16x128xf32>
    %reshape3A_12 = vector.shape_cast %get3A_11 : vector<16x16x128xf32> to vector<256x128xf32>
    %get3A_13 = arith.constant 0 : index
    %get3A_14 = arith.constant 0 : index
    %get3A_15 = vector.load %arg4[%get3A_13, %get3A_14] : memref<128x256xf32, #tpu.memory_space<vmem>>, vector<128x256xf32>
    %dot_general3A = arith.constant dense<0.000000e+00> : vector<256x256xf32>
    %dot_general3A_16 = tpu.matmul %reshape3A, %get3A_15, %dot_general3A {dimension_numbers = #tpu.dot_dimension_numbers<[1], [0], [0], [1], [0, 0, 1, 1], [], []>, transpose_lhs_hint = false} : vector<256x128xf32>, vector<128x256xf32>, vector<256x256xf32> -> vector<256x256xf32>
    %get3A_17 = arith.constant 0 : index
    %get3A_18 = arith.constant 0 : index
    %get3A_19 = vector.load %arg5[%get3A_17, %get3A_18] : memref<1x256xf32, #tpu.memory_space<vmem>>, vector<1x256xf32>
    %add3A = vector.broadcast %get3A_19 : vector<1x256xf32> to vector<256x256xf32>
    %add3A_20 = arith.addf %dot_general3A_16, %add3A : vector<256x256xf32>
    %max3A = arith.constant 0.000000e+00 : f32
    %max3A_21 = vector.broadcast %max3A : f32 to vector<256x256xf32>
    %max3A_22 = arith.maximumf %add3A_20, %max3A_21 : vector<256x256xf32>
    %get3A_23 = arith.constant 0 : index
    %get3A_24 = arith.constant 0 : index
    %get3A_25 = vector.load %arg4[%get3A_23, %get3A_24] : memref<128x256xf32, #tpu.memory_space<vmem>>, vector<128x256xf32>
    %dot_general3A_26 = arith.constant dense<0.000000e+00> : vector<256x256xf32>
    %dot_general3A_27 = tpu.matmul %reshape3A_12, %get3A_25, %dot_general3A_26 {dimension_numbers = #tpu.dot_dimension_numbers<[1], [0], [0], [1], [0, 0, 1, 1], [], []>, transpose_lhs_hint = false} : vector<256x128xf32>, vector<128x256xf32>, vector<256x256xf32> -> vector<256x256xf32>
    %get3A_28 = arith.constant 0 : index
    %get3A_29 = arith.constant 0 : index
    %get3A_30 = vector.load %arg5[%get3A_28, %get3A_29] : memref<1x256xf32, #tpu.memory_space<vmem>>, vector<1x256xf32>
    %add3A_31 = vector.broadcast %get3A_30 : vector<1x256xf32> to vector<256x256xf32>
    %add3A_32 = arith.addf %dot_general3A_27, %add3A_31 : vector<256x256xf32>
    %max3A_33 = arith.constant 0.000000e+00 : f32
    %max3A_34 = vector.broadcast %max3A_33 : f32 to vector<256x256xf32>
    %max3A_35 = arith.maximumf %add3A_32, %max3A_34 : vector<256x256xf32>
    %get3A_36 = arith.constant 0 : index
    %get3A_37 = arith.constant 0 : index
    %get3A_38 = vector.load %arg6[%get3A_36, %get3A_37] : memref<1024x256xf32, #tpu.memory_space<vmem>>, vector<1024x256xf32>
    %dot_general3A_39 = arith.constant dense<0.000000e+00> : vector<256x1024xf32>
    %dot_general3A_40 = tpu.matmul %max3A_22, %get3A_38, %dot_general3A_39 {dimension_numbers = #tpu.dot_dimension_numbers<[1], [1], [0], [0], [0, 0, 1, 0], [], []>, transpose_lhs_hint = false} : vector<256x256xf32>, vector<1024x256xf32>, vector<256x1024xf32> -> vector<256x1024xf32>
    %get3A_41 = arith.constant 0 : index
    %get3A_42 = arith.constant 0 : index
    %get3A_43 = vector.load %arg7[%get3A_41, %get3A_42] : memref<1x1024xf32, #tpu.memory_space<vmem>>, vector<1x1024xf32>
    %add3A_44 = vector.broadcast %get3A_43 : vector<1x1024xf32> to vector<256x1024xf32>
    %add3A_45 = arith.addf %dot_general3A_40, %add3A_44 : vector<256x1024xf32>
    %get3A_46 = arith.constant 0 : index
    %get3A_47 = arith.constant 0 : index
    %get3A_48 = vector.load %arg8[%get3A_46, %get3A_47] : memref<1024x256xf32, #tpu.memory_space<vmem>>, vector<1024x256xf32>
    %dot_general3A_49 = arith.constant dense<0.000000e+00> : vector<256x1024xf32>
    %dot_general3A_50 = tpu.matmul %max3A_35, %get3A_48, %dot_general3A_49 {dimension_numbers = #tpu.dot_dimension_numbers<[1], [1], [0], [0], [0, 0, 1, 0], [], []>, transpose_lhs_hint = false} : vector<256x256xf32>, vector<1024x256xf32>, vector<256x1024xf32> -> vector<256x1024xf32>
    %get3A_51 = arith.constant 0 : index
    %get3A_52 = arith.constant 0 : index
    %get3A_53 = vector.load %arg9[%get3A_51, %get3A_52] : memref<1x1024xf32, #tpu.memory_space<vmem>>, vector<1x1024xf32>
    %add3A_54 = vector.broadcast %get3A_53 : vector<1x1024xf32> to vector<256x1024xf32>
    %add3A_55 = arith.addf %dot_general3A_50, %add3A_54 : vector<256x1024xf32>
    %get3A_56 = arith.constant 0 : index
    %get3A_57 = arith.constant 0 : index
    %get3A_58 = vector.load %arg14[%get3A_56, %get3A_57] : memref<16x256xf32, #tpu.memory_space<vmem>>, vector<16x256xf32>
    %get3A_59 = arith.constant 0 : index
    %get3A_60 = arith.constant 0 : index
    %get3A_61 = vector.load %arg15[%get3A_59, %get3A_60] : memref<16x256xf32, #tpu.memory_space<vmem>>, vector<16x256xf32>
    %get3A_62 = arith.constant 0 : index
    %get3A_63 = arith.constant 0 : index
    %get3A_64 = vector.load %arg16[%get3A_62, %get3A_63] : memref<16x256xf32, #tpu.memory_space<vmem>>, vector<16x256xf32>
    %get3A_65 = arith.constant 0 : index
    %get3A_66 = arith.constant 0 : index
    %get3A_67 = vector.load %arg17[%get3A_65, %get3A_66] : memref<16x256xf32, #tpu.memory_space<vmem>>, vector<16x256xf32>
    %mul3A = arith.constant 16 : i32
    %mul3A_68 = arith.muli %arg0, %mul3A : i32
    %add3A_69 = arith.constant 0 : i32
    %add3A_70 = arith.addi %mul3A_68, %add3A_69 : i32
    %sub3A = arith.constant 511 : i32
    %sub3A_71 = arith.subi %sub3A, %add3A_70 : i32
    %slice3A = vector.extract_strided_slice %add3A_45 {offsets = [0, 0], sizes = [16, 1024], strides = [1, 1]} : vector<256x1024xf32> to vector<16x1024xf32>
    %gt3A = vector.broadcast %add3A_70 : i32 to vector<16x1xi32>
    %gt3A_72 = arith.cmpi sgt, %get3A_3, %gt3A : vector<16x1xi32>
    %get3A_73 = arith.constant 0 : index
    %get3A_74 = arith.constant 0 : index
    %get3A_75 = vector.load %arg10[%get3A_73, %get3A_74] : memref<256x1024xf32, #tpu.memory_space<vmem>>, vector<256x1024xf32>
    %dot_general3A_76 = arith.constant dense<0.000000e+00> : vector<16x1024xf32>
    %dot_general3A_77 = tpu.matmul %get3A_58, %get3A_75, %dot_general3A_76 {dimension_numbers = #tpu.dot_dimension_numbers<[1], [0], [0], [1], [0, 0, 1, 1], [], []>, transpose_lhs_hint = false} : vector<16x256xf32>, vector<256x1024xf32>, vector<16x1024xf32> -> vector<16x1024xf32>
    %add3A_78 = arith.addf %slice3A, %dot_general3A_77 : vector<16x1024xf32>
    %slice3A_79 = vector.extract_strided_slice %add3A_78 {offsets = [0, 0], sizes = [16, 256], strides = [1, 1]} : vector<16x1024xf32> to vector<16x256xf32>
    %neg3A = arith.constant 0.000000e+00 : f32
    %neg3A_80 = vector.broadcast %neg3A : f32 to vector<16x256xf32>
    %neg3A_81 = arith.subf %neg3A_80, %slice3A_79 : vector<16x256xf32>
    %exp3A = math.exp %neg3A_81 : vector<16x256xf32>
    %add3A_82 = arith.constant 1.000000e+00 : f32
    %add3A_83 = vector.broadcast %add3A_82 : f32 to vector<16x256xf32>
    %add3A_84 = arith.addf %add3A_83, %exp3A : vector<16x256xf32>
    %div3A = arith.constant 1.000000e+00 : f32
    %div3A_85 = vector.broadcast %div3A : f32 to vector<16x256xf32>
    %div3A_86 = arith.divf %div3A_85, %add3A_84 : vector<16x256xf32>
    %slice3A_87 = vector.extract_strided_slice %add3A_78 {offsets = [0, 256], sizes = [16, 256], strides = [1, 1]} : vector<16x1024xf32> to vector<16x256xf32>
    %neg3A_88 = arith.constant 0.000000e+00 : f32
    %neg3A_89 = vector.broadcast %neg3A_88 : f32 to vector<16x256xf32>
    %neg3A_90 = arith.subf %neg3A_89, %slice3A_87 : vector<16x256xf32>
    %exp3A_91 = math.exp %neg3A_90 : vector<16x256xf32>
    %add3A_92 = arith.constant 1.000000e+00 : f32
    %add3A_93 = vector.broadcast %add3A_92 : f32 to vector<16x256xf32>
    %add3A_94 = arith.addf %add3A_93, %exp3A_91 : vector<16x256xf32>
    %div3A_95 = arith.constant 1.000000e+00 : f32
    %div3A_96 = vector.broadcast %div3A_95 : f32 to vector<16x256xf32>
    %div3A_97 = arith.divf %div3A_96, %add3A_94 : vector<16x256xf32>
    %slice3A_98 = vector.extract_strided_slice %add3A_78 {offsets = [0, 512], sizes = [16, 256], strides = [1, 1]} : vector<16x1024xf32> to vector<16x256xf32>
    %tanh3A = math.tanh %slice3A_98 : vector<16x256xf32>
    %slice3A_99 = vector.extract_strided_slice %add3A_78 {offsets = [0, 768], sizes = [16, 256], strides = [1, 1]} : vector<16x1024xf32> to vector<16x256xf32>
    %neg3A_100 = arith.constant 0.000000e+00 : f32
    %neg3A_101 = vector.broadcast %neg3A_100 : f32 to vector<16x256xf32>
    %neg3A_102 = arith.subf %neg3A_101, %slice3A_99 : vector<16x256xf32>
    %exp3A_103 = math.exp %neg3A_102 : vector<16x256xf32>
    %add3A_104 = arith.constant 1.000000e+00 : f32
    %add3A_105 = vector.broadcast %add3A_104 : f32 to vector<16x256xf32>
    %add3A_106 = arith.addf %add3A_105, %exp3A_103 : vector<16x256xf32>
    %div3A_107 = arith.constant 1.000000e+00 : f32
    %div3A_108 = vector.broadcast %div3A_107 : f32 to vector<16x256xf32>
    %div3A_109 = arith.divf %div3A_108, %add3A_106 : vector<16x256xf32>
    %mul3A_110 = arith.mulf %div3A_97, %get3A_61 : vector<16x256xf32>
    %mul3A_111 = arith.mulf %div3A_86, %tanh3A : vector<16x256xf32>
    %add3A_112 = arith.addf %mul3A_110, %mul3A_111 : vector<16x256xf32>
    %tanh3A_113 = math.tanh %add3A_112 : vector<16x256xf32>
    %mul3A_114 = arith.mulf %div3A_109, %tanh3A_113 : vector<16x256xf32>
    %jit3A = arith.constant 0.000000e+00 : f32
    %broadcast_in_dim3A = vector.shape_cast %gt3A_72 : vector<16x1xi1> to vector<16x1xi1>
    %broadcast_in_dim3A_115 = vector.broadcast %broadcast_in_dim3A : vector<16x1xi1> to vector<16x256xi1>
    %broadcast_in_dim3A_116 = vector.broadcast %jit3A : f32 to vector<16x256xf32>
    %select_n3A = arith.select %broadcast_in_dim3A_115, %mul3A_114, %broadcast_in_dim3A_116 : vector<16x256xi1>, vector<16x256xf32>
    %broadcast_in_dim3A_117 = vector.shape_cast %gt3A_72 : vector<16x1xi1> to vector<16x1xi1>
    %broadcast_in_dim3A_118 = vector.broadcast %broadcast_in_dim3A_117 : vector<16x1xi1> to vector<16x256xi1>
    %select_n3A_119 = arith.select %broadcast_in_dim3A_118, %mul3A_114, %get3A_58 : vector<16x256xi1>, vector<16x256xf32>
    %broadcast_in_dim3A_120 = vector.shape_cast %gt3A_72 : vector<16x1xi1> to vector<16x1xi1>
    %broadcast_in_dim3A_121 = vector.broadcast %broadcast_in_dim3A_120 : vector<16x1xi1> to vector<16x256xi1>
    %select_n3A_122 = arith.select %broadcast_in_dim3A_121, %add3A_112, %get3A_61 : vector<16x256xi1>, vector<16x256xf32>
    %slice3A_123 = vector.extract_strided_slice %add3A_55 {offsets = [240, 0], sizes = [16, 1024], strides = [1, 1]} : vector<256x1024xf32> to vector<16x1024xf32>
    %gt3A_124 = vector.broadcast %sub3A_71 : i32 to vector<16x1xi32>
    %gt3A_125 = arith.cmpi sgt, %get3A_3, %gt3A_124 : vector<16x1xi32>
    %get3A_126 = arith.constant 0 : index
    %get3A_127 = arith.constant 0 : index
    %get3A_128 = vector.load %arg11[%get3A_126, %get3A_127] : memref<256x1024xf32, #tpu.memory_space<vmem>>, vector<256x1024xf32>
    %dot_general3A_129 = arith.constant dense<0.000000e+00> : vector<16x1024xf32>
    %dot_general3A_130 = tpu.matmul %get3A_64, %get3A_128, %dot_general3A_129 {dimension_numbers = #tpu.dot_dimension_numbers<[1], [0], [0], [1], [0, 0, 1, 1], [], []>, transpose_lhs_hint = false} : vector<16x256xf32>, vector<256x1024xf32>, vector<16x1024xf32> -> vector<16x1024xf32>
    %add3A_131 = arith.addf %slice3A_123, %dot_general3A_130 : vector<16x1024xf32>
    %slice3A_132 = vector.extract_strided_slice %add3A_131 {offsets = [0, 0], sizes = [16, 256], strides = [1, 1]} : vector<16x1024xf32> to vector<16x256xf32>
    %neg3A_133 = arith.constant 0.000000e+00 : f32
    %neg3A_134 = vector.broadcast %neg3A_133 : f32 to vector<16x256xf32>
    %neg3A_135 = arith.subf %neg3A_134, %slice3A_132 : vector<16x256xf32>
    %exp3A_136 = math.exp %neg3A_135 : vector<16x256xf32>
    %add3A_137 = arith.constant 1.000000e+00 : f32
    %add3A_138 = vector.broadcast %add3A_137 : f32 to vector<16x256xf32>
    %add3A_139 = arith.addf %add3A_138, %exp3A_136 : vector<16x256xf32>
    %div3A_140 = arith.constant 1.000000e+00 : f32
    %div3A_141 = vector.broadcast %div3A_140 : f32 to vector<16x256xf32>
    %div3A_142 = arith.divf %div3A_141, %add3A_139 : vector<16x256xf32>
    %slice3A_143 = vector.extract_strided_slice %add3A_131 {offsets = [0, 256], sizes = [16, 256], strides = [1, 1]} : vector<16x1024xf32> to vector<16x256xf32>
    %neg3A_144 = arith.constant 0.000000e+00 : f32
    %neg3A_145 = vector.broadcast %neg3A_144 : f32 to vector<16x256xf32>
    %neg3A_146 = arith.subf %neg3A_145, %slice3A_143 : vector<16x256xf32>
    %exp3A_147 = math.exp %neg3A_146 : vector<16x256xf32>
    %add3A_148 = arith.constant 1.000000e+00 : f32
    %add3A_149 = vector.broadcast %add3A_148 : f32 to vector<16x256xf32>
    %add3A_150 = arith.addf %add3A_149, %exp3A_147 : vector<16x256xf32>
    %div3A_151 = arith.constant 1.000000e+00 : f32
    %div3A_152 = vector.broadcast %div3A_151 : f32 to vector<16x256xf32>
    %div3A_153 = arith.divf %div3A_152, %add3A_150 : vector<16x256xf32>
    %slice3A_154 = vector.extract_strided_slice %add3A_131 {offsets = [0, 512], sizes = [16, 256], strides = [1, 1]} : vector<16x1024xf32> to vector<16x256xf32>
    %tanh3A_155 = math.tanh %slice3A_154 : vector<16x256xf32>
    %slice3A_156 = vector.extract_strided_slice %add3A_131 {offsets = [0, 768], sizes = [16, 256], strides = [1, 1]} : vector<16x1024xf32> to vector<16x256xf32>
    %neg3A_157 = arith.constant 0.000000e+00 : f32
    %neg3A_158 = vector.broadcast %neg3A_157 : f32 to vector<16x256xf32>
    %neg3A_159 = arith.subf %neg3A_158, %slice3A_156 : vector<16x256xf32>
    %exp3A_160 = math.exp %neg3A_159 : vector<16x256xf32>
    %add3A_161 = arith.constant 1.000000e+00 : f32
    %add3A_162 = vector.broadcast %add3A_161 : f32 to vector<16x256xf32>
    %add3A_163 = arith.addf %add3A_162, %exp3A_160 : vector<16x256xf32>
    %div3A_164 = arith.constant 1.000000e+00 : f32
    %div3A_165 = vector.broadcast %div3A_164 : f32 to vector<16x256xf32>
    %div3A_166 = arith.divf %div3A_165, %add3A_163 : vector<16x256xf32>
    %mul3A_167 = arith.mulf %div3A_153, %get3A_67 : vector<16x256xf32>
    %mul3A_168 = arith.mulf %div3A_142, %tanh3A_155 : vector<16x256xf32>
    %add3A_169 = arith.addf %mul3A_167, %mul3A_168 : vector<16x256xf32>
    %tanh3A_170 = math.tanh %add3A_169 : vector<16x256xf32>
    %mul3A_171 = arith.mulf %div3A_166, %tanh3A_170 : vector<16x256xf32>
    %jit3A_172 = arith.constant 0.000000e+00 : f32
    %broadcast_in_dim3A_173 = vector.shape_cast %gt3A_125 : vector<16x1xi1> to vector<16x1xi1>
    %broadcast_in_dim3A_174 = vector.broadcast %broadcast_in_dim3A_173 : vector<16x1xi1> to vector<16x256xi1>
    %broadcast_in_dim3A_175 = vector.broadcast %jit3A_172 : f32 to vector<16x256xf32>
    %select_n3A_176 = arith.select %broadcast_in_dim3A_174, %mul3A_171, %broadcast_in_dim3A_175 : vector<16x256xi1>, vector<16x256xf32>
    %broadcast_in_dim3A_177 = vector.shape_cast %gt3A_125 : vector<16x1xi1> to vector<16x1xi1>
    %broadcast_in_dim3A_178 = vector.broadcast %broadcast_in_dim3A_177 : vector<16x1xi1> to vector<16x256xi1>
    %select_n3A_179 = arith.select %broadcast_in_dim3A_178, %mul3A_171, %get3A_64 : vector<16x256xi1>, vector<16x256xf32>
    %broadcast_in_dim3A_180 = vector.shape_cast %gt3A_125 : vector<16x1xi1> to vector<16x1xi1>
    %broadcast_in_dim3A_181 = vector.broadcast %broadcast_in_dim3A_180 : vector<16x1xi1> to vector<16x256xi1>
    %select_n3A_182 = arith.select %broadcast_in_dim3A_181, %add3A_169, %get3A_67 : vector<16x256xi1>, vector<16x256xf32>
    %swap3A = arith.constant 0 : index
    %swap3A_183 = arith.constant 0 : index
    %swap3A_184 = arith.constant 0 : index
    %swap3A_185 = vector.load %arg12[%swap3A, %swap3A_183, %swap3A_184] : memref<16x16x256xf32, #tpu.memory_space<vmem>>, vector<1x16x256xf32>
    %swap3A_186 = vector.shape_cast %swap3A_185 : vector<1x16x256xf32> to vector<16x256xf32>
    %swap3A_187 = vector.shape_cast %select_n3A : vector<16x256xf32> to vector<1x16x256xf32>
    tpu.vector_store %arg12[%swap3A, %swap3A_183, %swap3A_184], %swap3A_187 {strides = array<i32>} : memref<16x16x256xf32, #tpu.memory_space<vmem>>, vector<1x16x256xf32>,
    %swap3A_188 = arith.constant 15 : index
    %swap3A_189 = arith.constant 0 : index
    %swap3A_190 = arith.constant 0 : index
    %swap3A_191 = vector.load %arg13[%swap3A_188, %swap3A_189, %swap3A_190] : memref<16x16x256xf32, #tpu.memory_space<vmem>>, vector<1x16x256xf32>
    %swap3A_192 = vector.shape_cast %swap3A_191 : vector<1x16x256xf32> to vector<16x256xf32>
    %swap3A_193 = vector.shape_cast %select_n3A_176 : vector<16x256xf32> to vector<1x16x256xf32>
    tpu.vector_store %arg13[%swap3A_188, %swap3A_189, %swap3A_190], %swap3A_193 {strides = array<i32>} : memref<16x16x256xf32, #tpu.memory_space<vmem>>, vector<1x16x256xf32>,
    %mul3A_194 = arith.constant 16 : i32
    %mul3A_195 = arith.muli %arg0, %mul3A_194 : i32
    %add3A_196 = arith.constant 1 : i32
    %add3A_197 = arith.addi %mul3A_195, %add3A_196 : i32
    %sub3A_198 = arith.constant 511 : i32
    %sub3A_199 = arith.subi %sub3A_198, %add3A_197 : i32
    %slice3A_200 = vector.extract_strided_slice %add3A_45 {offsets = [16, 0], sizes = [16, 1024], strides = [1, 1]} : vector<256x1024xf32> to vector<16x1024xf32>
    %gt3A_201 = vector.broadcast %add3A_197 : i32 to vector<16x1xi32>
    %gt3A_202 = arith.cmpi sgt, %get3A_3, %gt3A_201 : vector<16x1xi32>
    %get3A_203 = arith.constant 0 : index
    %get3A_204 = arith.constant 0 : index
    %get3A_205 = vector.load %arg10[%get3A_203, %get3A_204] : memref<256x1024xf32, #tpu.memory_space<vmem>>, vector<256x1024xf32>
    %dot_general3A_206 = arith.constant dense<0.000000e+00> : vector<16x1024xf32>
    %dot_general3A_207 = tpu.matmul %select_n3A_119, %get3A_205, %dot_general3A_206 {dimension_numbers = #tpu.dot_dimension_numbers<[1], [0], [0], [1], [0, 0, 1, 1], [], []>, transpose_lhs_hint = false} : vector<16x256xf32>, vector<256x1024xf32>, vector<16x1024xf32> -> vector<16x1024xf32>
    %add3A_208 = arith.addf %slice3A_200, %dot_general3A_207 : vector<16x1024xf32>
    %slice3A_209 = vector.extract_strided_slice %add3A_208 {offsets = [0, 0], sizes = [16, 256], strides = [1, 1]} : vector<16x1024xf32> to vector<16x256xf32>
    %neg3A_210 = arith.constant 0.000000e+00 : f32
    %neg3A_211 = vector.broadcast %neg3A_210 : f32 to vector<16x256xf32>
    %neg3A_212 = arith.subf %neg3A_211, %slice3A_209 : vector<16x256xf32>
    %exp3A_213 = math.exp %neg3A_212 : vector<16x256xf32>
    %add3A_214 = arith.constant 1.000000e+00 : f32
    %add3A_215 = vector.broadcast %add3A_214 : f32 to vector<16x256xf32>
    %add3A_216 = arith.addf %add3A_215, %exp3A_213 : vector<16x256xf32>
    %div3A_217 = arith.constant 1.000000e+00 : f32
    %div3A_218 = vector.broadcast %div3A_217 : f32 to vector<16x256xf32>
    %div3A_219 = arith.divf %div3A_218, %add3A_216 : vector<16x256xf32>
    %slice3A_220 = vector.extract_strided_slice %add3A_208 {offsets = [0, 256], sizes = [16, 256], strides = [1, 1]} : vector<16x1024xf32> to vector<16x256xf32>
    %neg3A_221 = arith.constant 0.000000e+00 : f32
    %neg3A_222 = vector.broadcast %neg3A_221 : f32 to vector<16x256xf32>
    %neg3A_223 = arith.subf %neg3A_222, %slice3A_220 : vector<16x256xf32>
    %exp3A_224 = math.exp %neg3A_223 : vector<16x256xf32>
    %add3A_225 = arith.constant 1.000000e+00 : f32
    %add3A_226 = vector.broadcast %add3A_225 : f32 to vector<16x256xf32>
    %add3A_227 = arith.addf %add3A_226, %exp3A_224 : vector<16x256xf32>
    %div3A_228 = arith.constant 1.000000e+00 : f32
    %div3A_229 = vector.broadcast %div3A_228 : f32 to vector<16x256xf32>
    %div3A_230 = arith.divf %div3A_229, %add3A_227 : vector<16x256xf32>
    %slice3A_231 = vector.extract_strided_slice %add3A_208 {offsets = [0, 512], sizes = [16, 256], strides = [1, 1]} : vector<16x1024xf32> to vector<16x256xf32>
    %tanh3A_232 = math.tanh %slice3A_231 : vector<16x256xf32>
    %slice3A_233 = vector.extract_strided_slice %add3A_208 {offsets = [0, 768], sizes = [16, 256], strides = [1, 1]} : vector<16x1024xf32> to vector<16x256xf32>
    %neg3A_234 = arith.constant 0.000000e+00 : f32
    %neg3A_235 = vector.broadcast %neg3A_234 : f32 to vector<16x256xf32>
    %neg3A_236 = arith.subf %neg3A_235, %slice3A_233 : vector<16x256xf32>
    %exp3A_237 = math.exp %neg3A_236 : vector<16x256xf32>
    %add3A_238 = arith.constant 1.000000e+00 : f32
    %add3A_239 = vector.broadcast %add3A_238 : f32 to vector<16x256xf32>
    %add3A_240 = arith.addf %add3A_239, %exp3A_237 : vector<16x256xf32>
    %div3A_241 = arith.constant 1.000000e+00 : f32
    %div3A_242 = vector.broadcast %div3A_241 : f32 to vector<16x256xf32>
    %div3A_243 = arith.divf %div3A_242, %add3A_240 : vector<16x256xf32>
    %mul3A_244 = arith.mulf %div3A_230, %select_n3A_122 : vector<16x256xf32>
    %mul3A_245 = arith.mulf %div3A_219, %tanh3A_232 : vector<16x256xf32>
    %add3A_246 = arith.addf %mul3A_244, %mul3A_245 : vector<16x256xf32>
    %tanh3A_247 = math.tanh %add3A_246 : vector<16x256xf32>
    %mul3A_248 = arith.mulf %div3A_243, %tanh3A_247 : vector<16x256xf32>
    %jit3A_249 = arith.constant 0.000000e+00 : f32
    %broadcast_in_dim3A_250 = vector.shape_cast %gt3A_202 : vector<16x1xi1> to vector<16x1xi1>
    %broadcast_in_dim3A_251 = vector.broadcast %broadcast_in_dim3A_250 : vector<16x1xi1> to vector<16x256xi1>
    %broadcast_in_dim3A_252 = vector.broadcast %jit3A_249 : f32 to vector<16x256xf32>
    %select_n3A_253 = arith.select %broadcast_in_dim3A_251, %mul3A_248, %broadcast_in_dim3A_252 : vector<16x256xi1>, vector<16x256xf32>
    %broadcast_in_dim3A_254 = vector.shape_cast %gt3A_202 : vector<16x1xi1> to vector<16x1xi1>
    %broadcast_in_dim3A_255 = vector.broadcast %broadcast_in_dim3A_254 : vector<16x1xi1> to vector<16x256xi1>
    %select_n3A_256 = arith.select %broadcast_in_dim3A_255, %mul3A_248, %select_n3A_119 : vector<16x256xi1>, vector<16x256xf32>
    %broadcast_in_dim3A_257 = vector.shape_cast %gt3A_202 : vector<16x1xi1> to vector<16x1xi1>
    %broadcast_in_dim3A_258 = vector.broadcast %broadcast_in_dim3A_257 : vector<16x1xi1> to vector<16x256xi1>
    %select_n3A_259 = arith.select %broadcast_in_dim3A_258, %add3A_246, %select_n3A_122 : vector<16x256xi1>, vector<16x256xf32>
    %slice3A_260 = vector.extract_strided_slice %add3A_55 {offsets = [224, 0], sizes = [16, 1024], strides = [1, 1]} : vector<256x1024xf32> to vector<16x1024xf32>
    %gt3A_261 = vector.broadcast %sub3A_199 : i32 to vector<16x1xi32>
    %gt3A_262 = arith.cmpi sgt, %get3A_3, %gt3A_261 : vector<16x1xi32>
    %get3A_263 = arith.constant 0 : index
    %get3A_264 = arith.constant 0 : index
    %get3A_265 = vector.load %arg11[%get3A_263, %get3A_264] : memref<256x1024xf32, #tpu.memory_space<vmem>>, vector<256x1024xf32>
    %dot_general3A_266 = arith.constant dense<0.000000e+00> : vector<16x1024xf32>
    %dot_general3A_267 = tpu.matmul %select_n3A_179, %get3A_265, %dot_general3A_266 {dimension_numbers = #tpu.dot_dimension_numbers<[1], [0], [0], [1], [0, 0, 1, 1], [], []>, transpose_lhs_hint = false} : vector<16x256xf32>, vector<256x1024xf32>, vector<16x1024xf32> -> vector<16x1024xf32>
    %add3A_268 = arith.addf %slice3A_260, %dot_general3A_267 : vector<16x1024xf32>
    %slice3A_269 = vector.extract_strided_slice %add3A_268 {offsets = [0, 0], sizes = [16, 256], strides = [1, 1]} : vector<16x1024xf32> to vector<16x256xf32>
    %neg3A_270 = arith.constant 0.000000e+00 : f32
    %neg3A_271 = vector.broadcast %neg3A_270 : f32 to vector<16x256xf32>
    %neg3A_272 = arith.subf %neg3A_271, %slice3A_269 : vector<16x256xf32>
    %exp3A_273 = math.exp %neg3A_272 : vector<16x256xf32>
    %add3A_274 = arith.constant 1.000000e+00 : f32
    %add3A_275 = vector.broadcast %add3A_274 : f32 to vector<16x256xf32>
    %add3A_276 = arith.addf %add3A_275, %exp3A_273 : vector<16x256xf32>
    %div3A_277 = arith.constant 1.000000e+00 : f32
    %div3A_278 = vector.broadcast %div3A_277 : f32 to vector<16x256xf32>
    %div3A_279 = arith.divf %div3A_278, %add3A_276 : vector<16x256xf32>
    %slice3A_280 = vector.extract_strided_slice %add3A_268 {offsets = [0, 256], sizes = [16, 256], strides = [1, 1]} : vector<16x1024xf32> to vector<16x256xf32>
    %neg3A_281 = arith.constant 0.000000e+00 : f32
    %neg3A_282 = vector.broadcast %neg3A_281 : f32 to vector<16x256xf32>
    %neg3A_283 = arith.subf %neg3A_282, %slice3A_280 : vector<16x256xf32>
    %exp3A_284 = math.exp %neg3A_283 : vector<16x256xf32>
    %add3A_285 = arith.constant 1.000000e+00 : f32
    %add3A_286 = vector.broadcast %add3A_285 : f32 to vector<16x256xf32>
    %add3A_287 = arith.addf %add3A_286, %exp3A_284 : vector<16x256xf32>
    %div3A_288 = arith.constant 1.000000e+00 : f32
    %div3A_289 = vector.broadcast %div3A_288 : f32 to vector<16x256xf32>
    %div3A_290 = arith.divf %div3A_289, %add3A_287 : vector<16x256xf32>
    %slice3A_291 = vector.extract_strided_slice %add3A_268 {offsets = [0, 512], sizes = [16, 256], strides = [1, 1]} : vector<16x1024xf32> to vector<16x256xf32>
    %tanh3A_292 = math.tanh %slice3A_291 : vector<16x256xf32>
    %slice3A_293 = vector.extract_strided_slice %add3A_268 {offsets = [0, 768], sizes = [16, 256], strides = [1, 1]} : vector<16x1024xf32> to vector<16x256xf32>
    %neg3A_294 = arith.constant 0.000000e+00 : f32
    %neg3A_295 = vector.broadcast %neg3A_294 : f32 to vector<16x256xf32>
    %neg3A_296 = arith.subf %neg3A_295, %slice3A_293 : vector<16x256xf32>
    %exp3A_297 = math.exp %neg3A_296 : vector<16x256xf32>
    %add3A_298 = arith.constant 1.000000e+00 : f32
    %add3A_299 = vector.broadcast %add3A_298 : f32 to vector<16x256xf32>
    %add3A_300 = arith.addf %add3A_299, %exp3A_297 : vector<16x256xf32>
    %div3A_301 = arith.constant 1.000000e+00 : f32
    %div3A_302 = vector.broadcast %div3A_301 : f32 to vector<16x256xf32>
    %div3A_303 = arith.divf %div3A_302, %add3A_300 : vector<16x256xf32>
    %mul3A_304 = arith.mulf %div3A_290, %select_n3A_182 : vector<16x256xf32>
    %mul3A_305 = arith.mulf %div3A_279, %tanh3A_292 : vector<16x256xf32>
    %add3A_306 = arith.addf %mul3A_304, %mul3A_305 : vector<16x256xf32>
    %tanh3A_307 = math.tanh %add3A_306 : vector<16x256xf32>
    %mul3A_308 = arith.mulf %div3A_303, %tanh3A_307 : vector<16x256xf32>
    %jit3A_309 = arith.constant 0.000000e+00 : f32
    %broadcast_in_dim3A_310 = vector.shape_cast %gt3A_262 : vector<16x1xi1> to vector<16x1xi1>
    %broadcast_in_dim3A_311 = vector.broadcast %broadcast_in_dim3A_310 : vector<16x1xi1> to vector<16x256xi1>
    %broadcast_in_dim3A_312 = vector.broadcast %jit3A_309 : f32 to vector<16x256xf32>
    %select_n3A_313 = arith.select %broadcast_in_dim3A_311, %mul3A_308, %broadcast_in_dim3A_312 : vector<16x256xi1>, vector<16x256xf32>
    %broadcast_in_dim3A_314 = vector.shape_cast %gt3A_262 : vector<16x1xi1> to vector<16x1xi1>
    %broadcast_in_dim3A_315 = vector.broadcast %broadcast_in_dim3A_314 : vector<16x1xi1> to vector<16x256xi1>
    %select_n3A_316 = arith.select %broadcast_in_dim3A_315, %mul3A_308, %select_n3A_179 : vector<16x256xi1>, vector<16x256xf32>
    %broadcast_in_dim3A_317 = vector.shape_cast %gt3A_262 : vector<16x1xi1> to vector<16x1xi1>
    %broadcast_in_dim3A_318 = vector.broadcast %broadcast_in_dim3A_317 : vector<16x1xi1> to vector<16x256xi1>
    %select_n3A_319 = arith.select %broadcast_in_dim3A_318, %add3A_306, %select_n3A_182 : vector<16x256xi1>, vector<16x256xf32>
    %swap3A_320 = arith.constant 1 : index
    %swap3A_321 = arith.constant 0 : index
    %swap3A_322 = arith.constant 0 : index
    %swap3A_323 = vector.load %arg12[%swap3A_320, %swap3A_321, %swap3A_322] : memref<16x16x256xf32, #tpu.memory_space<vmem>>, vector<1x16x256xf32>
    %swap3A_324 = vector.shape_cast %swap3A_323 : vector<1x16x256xf32> to vector<16x256xf32>
    %swap3A_325 = vector.shape_cast %select_n3A_253 : vector<16x256xf32> to vector<1x16x256xf32>
    tpu.vector_store %arg12[%swap3A_320, %swap3A_321, %swap3A_322], %swap3A_325 {strides = array<i32>} : memref<16x16x256xf32, #tpu.memory_space<vmem>>, vector<1x16x256xf32>,
    %swap3A_326 = arith.constant 14 : index
    %swap3A_327 = arith.constant 0 : index
    %swap3A_328 = arith.constant 0 : index
    %swap3A_329 = vector.load %arg13[%swap3A_326, %swap3A_327, %swap3A_328] : memref<16x16x256xf32, #tpu.memory_space<vmem>>, vector<1x16x256xf32>
    %swap3A_330 = vector.shape_cast %swap3A_329 : vector<1x16x256xf32> to vector<16x256xf32>
    %swap3A_331 = vector.shape_cast %select_n3A_313 : vector<16x256xf32> to vector<1x16x256xf32>
    tpu.vector_store %arg13[%swap3A_326, %swap3A_327, %swap3A_328], %swap3A_331 {strides = array<i32>} : memref<16x16x256xf32, #tpu.memory_space<vmem>>, vector<1x16x256xf32>,
    %mul3A_332 = arith.constant 16 : i32
    %mul3A_333 = arith.muli %arg0, %mul3A_332 : i32
    %add3A_334 = arith.constant 2 : i32
    %add3A_335 = arith.addi %mul3A_333, %add3A_334 : i32
    %sub3A_336 = arith.constant 511 : i32
    %sub3A_337 = arith.subi %sub3A_336, %add3A_335 : i32
    %slice3A_338 = vector.extract_strided_slice %add3A_45 {offsets = [32, 0], sizes = [16, 1024], strides = [1, 1]} : vector<256x1024xf32> to vector<16x1024xf32>
    %gt3A_339 = vector.broadcast %add3A_335 : i32 to vector<16x1xi32>
    %gt3A_340 = arith.cmpi sgt, %get3A_3, %gt3A_339 : vector<16x1xi32>
    %get3A_341 = arith.constant 0 : index
    %get3A_342 = arith.constant 0 : index
    %get3A_343 = vector.load %arg10[%get3A_341, %get3A_342] : memref<256x1024xf32, #tpu.memory_space<vmem>>, vector<256x1024xf32>
    %dot_general3A_344 = arith.constant dense<0.000000e+00> : vector<16x1024xf32>
    %dot_general3A_345 = tpu.matmul %select_n3A_256, %get3A_343, %dot_general3A_344 {dimension_numbers = #tpu.dot_dimension_numbers<[1], [0], [0], [1], [0, 0, 1, 1], [], []>, transpose_lhs_hint = false} : vector<16x256xf32>, vector<256x1024xf32>, vector<16x1024xf32> -> vector<16x1024xf32>
    %add3A_346 = arith.addf %slice3A_338, %dot_general3A_345 : vector<16x1024xf32>
    %slice3A_347 = vector.extract_strided_slice %add3A_346 {offsets = [0, 0], sizes = [16, 256], strides = [1, 1]} : vector<16x1024xf32> to vector<16x256xf32>
    %neg3A_348 = arith.constant 0.000000e+00 : f32
    %neg3A_349 = vector.broadcast %neg3A_348 : f32 to vector<16x256xf32>
    %neg3A_350 = arith.subf %neg3A_349, %slice3A_347 : vector<16x256xf32>
    %exp3A_351 = math.exp %neg3A_350 : vector<16x256xf32>
    %add3A_352 = arith.constant 1.000000e+00 : f32
    %add3A_353 = vector.broadcast %add3A_352 : f32 to vector<16x256xf32>
    %add3A_354 = arith.addf %add3A_353, %exp3A_351 : vector<16x256xf32>
    %div3A_355 = arith.constant 1.000000e+00 : f32
    %div3A_356 = vector.broadcast %div3A_355 : f32 to vector<16x256xf32>
    %div3A_357 = arith.divf %div3A_356, %add3A_354 : vector<16x256xf32>
    %slice3A_358 = vector.extract_strided_slice %add3A_346 {offsets = [0, 256], sizes = [16, 256], strides = [1, 1]} : vector<16x1024xf32> to vector<16x256xf32>
    %neg3A_359 = arith.constant 0.000000e+00 : f32
    %neg3A_360 = vector.broadcast %neg3A_359 : f32 to vector<16x256xf32>
    %neg3A_361 = arith.subf %neg3A_360, %slice3A_358 : vector<16x256xf32>
    %exp3A_362 = math.exp %neg3A_361 : vector<16x256xf32>
    %add3A_363 = arith.constant 1.000000e+00 : f32
    %add3A_364 = vector.broadcast %add3A_363 : f32 to vector<16x256xf32>
    %add3A_365 = arith.addf %add3A_364, %exp3A_362 : vector<16x256xf32>
    %div3A_366 = arith.constant 1.000000e+00 : f32
    %div3A_367 = vector.broadcast %div3A_366 : f32 to vector<16x256xf32>
    %div3A_368 = arith.divf %div3A_367, %add3A_365 : vector<16x256xf32>
    %slice3A_369 = vector.extract_strided_slice %add3A_346 {offsets = [0, 512], sizes = [16, 256], strides = [1, 1]} : vector<16x1024xf32> to vector<16x256xf32>
    %tanh3A_370 = math.tanh %slice3A_369 : vector<16x256xf32>
    %slice3A_371 = vector.extract_strided_slice %add3A_346 {offsets = [0, 768], sizes = [16, 256], strides = [1, 1]} : vector<16x1024xf32> to vector<16x256xf32>
    %neg3A_372 = arith.constant 0.000000e+00 : f32
    %neg3A_373 = vector.broadcast %neg3A_372 : f32 to vector<16x256xf32>
    %neg3A_374 = arith.subf %neg3A_373, %slice3A_371 : vector<16x256xf32>
    %exp3A_375 = math.exp %neg3A_374 : vector<16x256xf32>
    %add3A_376 = arith.constant 1.000000e+00 : f32
    %add3A_377 = vector.broadcast %add3A_376 : f32 to vector<16x256xf32>
    %add3A_378 = arith.addf %add3A_377, %exp3A_375 : vector<16x256xf32>
    %div3A_379 = arith.constant 1.000000e+00 : f32
    %div3A_380 = vector.broadcast %div3A_379 : f32 to vector<16x256xf32>
    %div3A_381 = arith.divf %div3A_380, %add3A_378 : vector<16x256xf32>
    %mul3A_382 = arith.mulf %div3A_368, %select_n3A_259 : vector<16x256xf32>
    %mul3A_383 = arith.mulf %div3A_357, %tanh3A_370 : vector<16x256xf32>
    %add3A_384 = arith.addf %mul3A_382, %mul3A_383 : vector<16x256xf32>
    %tanh3A_385 = math.tanh %add3A_384 : vector<16x256xf32>
    %mul3A_386 = arith.mulf %div3A_381, %tanh3A_385 : vector<16x256xf32>
    %jit3A_387 = arith.constant 0.000000e+00 : f32
    %broadcast_in_dim3A_388 = vector.shape_cast %gt3A_340 : vector<16x1xi1> to vector<16x1xi1>
    %broadcast_in_dim3A_389 = vector.broadcast %broadcast_in_dim3A_388 : vector<16x1xi1> to vector<16x256xi1>
    %broadcast_in_dim3A_390 = vector.broadcast %jit3A_387 : f32 to vector<16x256xf32>
    %select_n3A_391 = arith.select %broadcast_in_dim3A_389, %mul3A_386, %broadcast_in_dim3A_390 : vector<16x256xi1>, vector<16x256xf32>
    %broadcast_in_dim3A_392 = vector.shape_cast %gt3A_340 : vector<16x1xi1> to vector<16x1xi1>
    %broadcast_in_dim3A_393 = vector.broadcast %broadcast_in_dim3A_392 : vector<16x1xi1> to vector<16x256xi1>
    %select_n3A_394 = arith.select %broadcast_in_dim3A_393, %mul3A_386, %select_n3A_256 : vector<16x256xi1>, vector<16x256xf32>
    %broadcast_in_dim3A_395 = vector.shape_cast %gt3A_340 : vector<16x1xi1> to vector<16x1xi1>
    %broadcast_in_dim3A_396 = vector.broadcast %broadcast_in_dim3A_395 : vector<16x1xi1> to vector<16x256xi1>
    %select_n3A_397 = arith.select %broadcast_in_dim3A_396, %add3A_384, %select_n3A_259 : vector<16x256xi1>, vector<16x256xf32>
    %slice3A_398 = vector.extract_strided_slice %add3A_55 {offsets = [208, 0], sizes = [16, 1024], strides = [1, 1]} : vector<256x1024xf32> to vector<16x1024xf32>
    %gt3A_399 = vector.broadcast %sub3A_337 : i32 to vector<16x1xi32>
    %gt3A_400 = arith.cmpi sgt, %get3A_3, %gt3A_399 : vector<16x1xi32>
    %get3A_401 = arith.constant 0 : index
    %get3A_402 = arith.constant 0 : index
    %get3A_403 = vector.load %arg11[%get3A_401, %get3A_402] : memref<256x1024xf32, #tpu.memory_space<vmem>>, vector<256x1024xf32>
    %dot_general3A_404 = arith.constant dense<0.000000e+00> : vector<16x1024xf32>
    %dot_general3A_405 = tpu.matmul %select_n3A_316, %get3A_403, %dot_general3A_404 {dimension_numbers = #tpu.dot_dimension_numbers<[1], [0], [0], [1], [0, 0, 1, 1], [], []>, transpose_lhs_hint = false} : vector<16x256xf32>, vector<256x1024xf32>, vector<16x1024xf32> -> vector<16x1024xf32>
    %add3A_406 = arith.addf %slice3A_398, %dot_general3A_405 : vector<16x1024xf32>
    %slice3A_407 = vector.extract_strided_slice %add3A_406 {offsets = [0, 0], sizes = [16, 256], strides = [1, 1]} : vector<16x1024xf32> to vector<16x256xf32>
    %neg3A_408 = arith.constant 0.000000e+00 : f32
    %neg3A_409 = vector.broadcast %neg3A_408 : f32 to vector<16x256xf32>
    %neg3A_410 = arith.subf %neg3A_409, %slice3A_407 : vector<16x256xf32>
    %exp3A_411 = math.exp %neg3A_410 : vector<16x256xf32>
    %add3A_412 = arith.constant 1.000000e+00 : f32
    %add3A_413 = vector.broadcast %add3A_412 : f32 to vector<16x256xf32>
    %add3A_414 = arith.addf %add3A_413, %exp3A_411 : vector<16x256xf32>
    %div3A_415 = arith.constant 1.000000e+00 : f32
    %div3A_416 = vector.broadcast %div3A_415 : f32 to vector<16x256xf32>
    %div3A_417 = arith.divf %div3A_416, %add3A_414 : vector<16x256xf32>
    %slice3A_418 = vector.extract_strided_slice %add3A_406 {offsets = [0, 256], sizes = [16, 256], strides = [1, 1]} : vector<16x1024xf32> to vector<16x256xf32>
    %neg3A_419 = arith.constant 0.000000e+00 : f32
    %neg3A_420 = vector.broadcast %neg3A_419 : f32 to vector<16x256xf32>
    %neg3A_421 = arith.subf %neg3A_420, %slice3A_418 : vector<16x256xf32>
    %exp3A_422 = math.exp %neg3A_421 : vector<16x256xf32>
    %add3A_423 = arith.constant 1.000000e+00 : f32
    %add3A_424 = vector.broadcast %add3A_423 : f32 to vector<16x256xf32>
    %add3A_425 = arith.addf %add3A_424, %exp3A_422 : vector<16x256xf32>
    %div3A_426 = arith.constant 1.000000e+00 : f32
    %div3A_427 = vector.broadcast %div3A_426 : f32 to vector<16x256xf32>
    %div3A_428 = arith.divf %div3A_427, %add3A_425 : vector<16x256xf32>
    %slice3A_429 = vector.extract_strided_slice %add3A_406 {offsets = [0, 512], sizes = [16, 256], strides = [1, 1]} : vector<16x1024xf32> to vector<16x256xf32>
    %tanh3A_430 = math.tanh %slice3A_429 : vector<16x256xf32>
    %slice3A_431 = vector.extract_strided_slice %add3A_406 {offsets = [0, 768], sizes = [16, 256], strides = [1, 1]} : vector<16x1024xf32> to vector<16x256xf32>
    %neg3A_432 = arith.constant 0.000000e+00 : f32
    %neg3A_433 = vector.broadcast %neg3A_432 : f32 to vector<16x256xf32>
    %neg3A_434 = arith.subf %neg3A_433, %slice3A_431 : vector<16x256xf32>
    %exp3A_435 = math.exp %neg3A_434 : vector<16x256xf32>
    %add3A_436 = arith.constant 1.000000e+00 : f32
    %add3A_437 = vector.broadcast %add3A_436 : f32 to vector<16x256xf32>
    %add3A_438 = arith.addf %add3A_437, %exp3A_435 : vector<16x256xf32>
    %div3A_439 = arith.constant 1.000000e+00 : f32
    %div3A_440 = vector.broadcast %div3A_439 : f32 to vector<16x256xf32>
    %div3A_441 = arith.divf %div3A_440, %add3A_438 : vector<16x256xf32>
    %mul3A_442 = arith.mulf %div3A_428, %select_n3A_319 : vector<16x256xf32>
    %mul3A_443 = arith.mulf %div3A_417, %tanh3A_430 : vector<16x256xf32>
    %add3A_444 = arith.addf %mul3A_442, %mul3A_443 : vector<16x256xf32>
    %tanh3A_445 = math.tanh %add3A_444 : vector<16x256xf32>
    %mul3A_446 = arith.mulf %div3A_441, %tanh3A_445 : vector<16x256xf32>
    %jit3A_447 = arith.constant 0.000000e+00 : f32
    %broadcast_in_dim3A_448 = vector.shape_cast %gt3A_400 : vector<16x1xi1> to vector<16x1xi1>
    %broadcast_in_dim3A_449 = vector.broadcast %broadcast_in_dim3A_448 : vector<16x1xi1> to vector<16x256xi1>
    %broadcast_in_dim3A_450 = vector.broadcast %jit3A_447 : f32 to vector<16x256xf32>
    %select_n3A_451 = arith.select %broadcast_in_dim3A_449, %mul3A_446, %broadcast_in_dim3A_450 : vector<16x256xi1>, vector<16x256xf32>
    %broadcast_in_dim3A_452 = vector.shape_cast %gt3A_400 : vector<16x1xi1> to vector<16x1xi1>
    %broadcast_in_dim3A_453 = vector.broadcast %broadcast_in_dim3A_452 : vector<16x1xi1> to vector<16x256xi1>
    %select_n3A_454 = arith.select %broadcast_in_dim3A_453, %mul3A_446, %select_n3A_316 : vector<16x256xi1>, vector<16x256xf32>
    %broadcast_in_dim3A_455 = vector.shape_cast %gt3A_400 : vector<16x1xi1> to vector<16x1xi1>
    %broadcast_in_dim3A_456 = vector.broadcast %broadcast_in_dim3A_455 : vector<16x1xi1> to vector<16x256xi1>
    %select_n3A_457 = arith.select %broadcast_in_dim3A_456, %add3A_444, %select_n3A_319 : vector<16x256xi1>, vector<16x256xf32>
    %swap3A_458 = arith.constant 2 : index
    %swap3A_459 = arith.constant 0 : index
    %swap3A_460 = arith.constant 0 : index
    %swap3A_461 = vector.load %arg12[%swap3A_458, %swap3A_459, %swap3A_460] : memref<16x16x256xf32, #tpu.memory_space<vmem>>, vector<1x16x256xf32>
    %swap3A_462 = vector.shape_cast %swap3A_461 : vector<1x16x256xf32> to vector<16x256xf32>
    %swap3A_463 = vector.shape_cast %select_n3A_391 : vector<16x256xf32> to vector<1x16x256xf32>
    tpu.vector_store %arg12[%swap3A_458, %swap3A_459, %swap3A_460], %swap3A_463 {strides = array<i32>} : memref<16x16x256xf32, #tpu.memory_space<vmem>>, vector<1x16x256xf32>,
    %swap3A_464 = arith.constant 13 : index
    %swap3A_465 = arith.constant 0 : index
    %swap3A_466 = arith.constant 0 : index
    %swap3A_467 = vector.load %arg13[%swap3A_464, %swap3A_465, %swap3A_466] : memref<16x16x256xf32, #tpu.memory_space<vmem>>, vector<1x16x256xf32>
    %swap3A_468 = vector.shape_cast %swap3A_467 : vector<1x16x256xf32> to vector<16x256xf32>
    %swap3A_469 = vector.shape_cast %select_n3A_451 : vector<16x256xf32> to vector<1x16x256xf32>
    tpu.vector_store %arg13[%swap3A_464, %swap3A_465, %swap3A_466], %swap3A_469 {strides = array<i32>} : memref<16x16x256xf32, #tpu.memory_space<vmem>>, vector<1x16x256xf32>,
    %mul3A_470 = arith.constant 16 : i32
    %mul3A_471 = arith.muli %arg0, %mul3A_470 : i32
    %add3A_472 = arith.constant 3 : i32
    %add3A_473 = arith.addi %mul3A_471, %add3A_472 : i32
    %sub3A_474 = arith.constant 511 : i32
    %sub3A_475 = arith.subi %sub3A_474, %add3A_473 : i32
    %slice3A_476 = vector.extract_strided_slice %add3A_45 {offsets = [48, 0], sizes = [16, 1024], strides = [1, 1]} : vector<256x1024xf32> to vector<16x1024xf32>
    %gt3A_477 = vector.broadcast %add3A_473 : i32 to vector<16x1xi32>
    %gt3A_478 = arith.cmpi sgt, %get3A_3, %gt3A_477 : vector<16x1xi32>
    %get3A_479 = arith.constant 0 : index
    %get3A_480 = arith.constant 0 : index
    %get3A_481 = vector.load %arg10[%get3A_479, %get3A_480] : memref<256x1024xf32, #tpu.memory_space<vmem>>, vector<256x1024xf32>
    %dot_general3A_482 = arith.constant dense<0.000000e+00> : vector<16x1024xf32>
    %dot_general3A_483 = tpu.matmul %select_n3A_394, %get3A_481, %dot_general3A_482 {dimension_numbers = #tpu.dot_dimension_numbers<[1], [0], [0], [1], [0, 0, 1, 1], [], []>, transpose_lhs_hint = false} : vector<16x256xf32>, vector<256x1024xf32>, vector<16x1024xf32> -> vector<16x1024xf32>
    %add3A_484 = arith.addf %slice3A_476, %dot_general3A_483 : vector<16x1024xf32>
    %slice3A_485 = vector.extract_strided_slice %add3A_484 {offsets = [0, 0], sizes = [16, 256], strides = [1, 1]} : vector<16x1024xf32> to vector<16x256xf32>
    %neg3A_486 = arith.constant 0.000000e+00 : f32
    %neg3A_487 = vector.broadcast %neg3A_486 : f32 to vector<16x256xf32>
    %neg3A_488 = arith.subf %neg3A_487, %slice3A_485 : vector<16x256xf32>
    %exp3A_489 = math.exp %neg3A_488 : vector<16x256xf32>
    %add3A_490 = arith.constant 1.000000e+00 : f32
    %add3A_491 = vector.broadcast %add3A_490 : f32 to vector<16x256xf32>
    %add3A_492 = arith.addf %add3A_491, %exp3A_489 : vector<16x256xf32>
    %div3A_493 = arith.constant 1.000000e+00 : f32
    %div3A_494 = vector.broadcast %div3A_493 : f32 to vector<16x256xf32>
    %div3A_495 = arith.divf %div3A_494, %add3A_492 : vector<16x256xf32>
    %slice3A_496 = vector.extract_strided_slice %add3A_484 {offsets = [0, 256], sizes = [16, 256], strides = [1, 1]} : vector<16x1024xf32> to vector<16x256xf32>
    %neg3A_497 = arith.constant 0.000000e+00 : f32
    %neg3A_498 = vector.broadcast %neg3A_497 : f32 to vector<16x256xf32>
    %neg3A_499 = arith.subf %neg3A_498, %slice3A_496 : vector<16x256xf32>
    %exp3A_500 = math.exp %neg3A_499 : vector<16x256xf32>
    %add3A_501 = arith.constant 1.000000e+00 : f32
    %add3A_502 = vector.broadcast %add3A_501 : f32 to vector<16x256xf32>
    %add3A_503 = arith.addf %add3A_502, %exp3A_500 : vector<16x256xf32>
    %div3A_504 = arith.constant 1.000000e+00 : f32
    %div3A_505 = vector.broadcast %div3A_504 : f32 to vector<16x256xf32>
    %div3A_506 = arith.divf %div3A_505, %add3A_503 : vector<16x256xf32>
    %slice3A_507 = vector.extract_strided_slice %add3A_484 {offsets = [0, 512], sizes = [16, 256], strides = [1, 1]} : vector<16x1024xf32> to vector<16x256xf32>
    %tanh3A_508 = math.tanh %slice3A_507 : vector<16x256xf32>
    %slice3A_509 = vector.extract_strided_slice %add3A_484 {offsets = [0, 768], sizes = [16, 256], strides = [1, 1]} : vector<16x1024xf32> to vector<16x256xf32>
    %neg3A_510 = arith.constant 0.000000e+00 : f32
    %neg3A_511 = vector.broadcast %neg3A_510 : f32 to vector<16x256xf32>
    %neg3A_512 = arith.subf %neg3A_511, %slice3A_509 : vector<16x256xf32>
    %exp3A_513 = math.exp %neg3A_512 : vector<16x256xf32>
    %add3A_514 = arith.constant 1.000000e+00 : f32
    %add3A_515 = vector.broadcast %add3A_514 : f32 to vector<16x256xf32>
    %add3A_516 = arith.addf %add3A_515, %exp3A_513 : vector<16x256xf32>
    %div3A_517 = arith.constant 1.000000e+00 : f32
    %div3A_518 = vector.broadcast %div3A_517 : f32 to vector<16x256xf32>
    %div3A_519 = arith.divf %div3A_518, %add3A_516 : vector<16x256xf32>
    %mul3A_520 = arith.mulf %div3A_506, %select_n3A_397 : vector<16x256xf32>
    %mul3A_521 = arith.mulf %div3A_495, %tanh3A_508 : vector<16x256xf32>
    %add3A_522 = arith.addf %mul3A_520, %mul3A_521 : vector<16x256xf32>
    %tanh3A_523 = math.tanh %add3A_522 : vector<16x256xf32>
    %mul3A_524 = arith.mulf %div3A_519, %tanh3A_523 : vector<16x256xf32>
    %jit3A_525 = arith.constant 0.000000e+00 : f32
    %broadcast_in_dim3A_526 = vector.shape_cast %gt3A_478 : vector<16x1xi1> to vector<16x1xi1>
    %broadcast_in_dim3A_527 = vector.broadcast %broadcast_in_dim3A_526 : vector<16x1xi1> to vector<16x256xi1>
    %broadcast_in_dim3A_528 = vector.broadcast %jit3A_525 : f32 to vector<16x256xf32>
    %select_n3A_529 = arith.select %broadcast_in_dim3A_527, %mul3A_524, %broadcast_in_dim3A_528 : vector<16x256xi1>, vector<16x256xf32>
    %broadcast_in_dim3A_530 = vector.shape_cast %gt3A_478 : vector<16x1xi1> to vector<16x1xi1>
    %broadcast_in_dim3A_531 = vector.broadcast %broadcast_in_dim3A_530 : vector<16x1xi1> to vector<16x256xi1>
    %select_n3A_532 = arith.select %broadcast_in_dim3A_531, %mul3A_524, %select_n3A_394 : vector<16x256xi1>, vector<16x256xf32>
    %broadcast_in_dim3A_533 = vector.shape_cast %gt3A_478 : vector<16x1xi1> to vector<16x1xi1>
    %broadcast_in_dim3A_534 = vector.broadcast %broadcast_in_dim3A_533 : vector<16x1xi1> to vector<16x256xi1>
    %select_n3A_535 = arith.select %broadcast_in_dim3A_534, %add3A_522, %select_n3A_397 : vector<16x256xi1>, vector<16x256xf32>
    %slice3A_536 = vector.extract_strided_slice %add3A_55 {offsets = [192, 0], sizes = [16, 1024], strides = [1, 1]} : vector<256x1024xf32> to vector<16x1024xf32>
    %gt3A_537 = vector.broadcast %sub3A_475 : i32 to vector<16x1xi32>
    %gt3A_538 = arith.cmpi sgt, %get3A_3, %gt3A_537 : vector<16x1xi32>
    %get3A_539 = arith.constant 0 : index
    %get3A_540 = arith.constant 0 : index
    %get3A_541 = vector.load %arg11[%get3A_539, %get3A_540] : memref<256x1024xf32, #tpu.memory_space<vmem>>, vector<256x1024xf32>
    %dot_general3A_542 = arith.constant dense<0.000000e+00> : vector<16x1024xf32>
    %dot_general3A_543 = tpu.matmul %select_n3A_454, %get3A_541, %dot_general3A_542 {dimension_numbers = #tpu.dot_dimension_numbers<[1], [0], [0], [1], [0, 0, 1, 1], [], []>, transpose_lhs_hint = false} : vector<16x256xf32>, vector<256x1024xf32>, vector<16x1024xf32> -> vector<16x1024xf32>
    %add3A_544 = arith.addf %slice3A_536, %dot_general3A_543 : vector<16x1024xf32>
    %slice3A_545 = vector.extract_strided_slice %add3A_544 {offsets = [0, 0], sizes = [16, 256], strides = [1, 1]} : vector<16x1024xf32> to vector<16x256xf32>
    %neg3A_546 = arith.constant 0.000000e+00 : f32
    %neg3A_547 = vector.broadcast %neg3A_546 : f32 to vector<16x256xf32>
    %neg3A_548 = arith.subf %neg3A_547, %slice3A_545 : vector<16x256xf32>
    %exp3A_549 = math.exp %neg3A_548 : vector<16x256xf32>
    %add3A_550 = arith.constant 1.000000e+00 : f32
    %add3A_551 = vector.broadcast %add3A_550 : f32 to vector<16x256xf32>
    %add3A_552 = arith.addf %add3A_551, %exp3A_549 : vector<16x256xf32>
    %div3A_553 = arith.constant 1.000000e+00 : f32
    %div3A_554 = vector.broadcast %div3A_553 : f32 to vector<16x256xf32>
    %div3A_555 = arith.divf %div3A_554, %add3A_552 : vector<16x256xf32>
    %slice3A_556 = vector.extract_strided_slice %add3A_544 {offsets = [0, 256], sizes = [16, 256], strides = [1, 1]} : vector<16x1024xf32> to vector<16x256xf32>
    %neg3A_557 = arith.constant 0.000000e+00 : f32
    %neg3A_558 = vector.broadcast %neg3A_557 : f32 to vector<16x256xf32>
    %neg3A_559 = arith.subf %neg3A_558, %slice3A_556 : vector<16x256xf32>
    %exp3A_560 = math.exp %neg3A_559 : vector<16x256xf32>
    %add3A_561 = arith.constant 1.000000e+00 : f32
    %add3A_562 = vector.broadcast %add3A_561 : f32 to vector<16x256xf32>
    %add3A_563 = arith.addf %add3A_562, %exp3A_560 : vector<16x256xf32>
    %div3A_564 = arith.constant 1.000000e+00 : f32
    %div3A_565 = vector.broadcast %div3A_564 : f32 to vector<16x256xf32>
    %div3A_566 = arith.divf %div3A_565, %add3A_563 : vector<16x256xf32>
    %slice3A_567 = vector.extract_strided_slice %add3A_544 {offsets = [0, 512], sizes = [16, 256], strides = [1, 1]} : vector<16x1024xf32> to vector<16x256xf32>
    %tanh3A_568 = math.tanh %slice3A_567 : vector<16x256xf32>
    %slice3A_569 = vector.extract_strided_slice %add3A_544 {offsets = [0, 768], sizes = [16, 256], strides = [1, 1]} : vector<16x1024xf32> to vector<16x256xf32>
    %neg3A_570 = arith.constant 0.000000e+00 : f32
    %neg3A_571 = vector.broadcast %neg3A_570 : f32 to vector<16x256xf32>
    %neg3A_572 = arith.subf %neg3A_571, %slice3A_569 : vector<16x256xf32>
    %exp3A_573 = math.exp %neg3A_572 : vector<16x256xf32>
    %add3A_574 = arith.constant 1.000000e+00 : f32
    %add3A_575 = vector.broadcast %add3A_574 : f32 to vector<16x256xf32>
    %add3A_576 = arith.addf %add3A_575, %exp3A_573 : vector<16x256xf32>
    %div3A_577 = arith.constant 1.000000e+00 : f32
    %div3A_578 = vector.broadcast %div3A_577 : f32 to vector<16x256xf32>
    %div3A_579 = arith.divf %div3A_578, %add3A_576 : vector<16x256xf32>
    %mul3A_580 = arith.mulf %div3A_566, %select_n3A_457 : vector<16x256xf32>
    %mul3A_581 = arith.mulf %div3A_555, %tanh3A_568 : vector<16x256xf32>
    %add3A_582 = arith.addf %mul3A_580, %mul3A_581 : vector<16x256xf32>
    %tanh3A_583 = math.tanh %add3A_582 : vector<16x256xf32>
    %mul3A_584 = arith.mulf %div3A_579, %tanh3A_583 : vector<16x256xf32>
    %jit3A_585 = arith.constant 0.000000e+00 : f32
    %broadcast_in_dim3A_586 = vector.shape_cast %gt3A_538 : vector<16x1xi1> to vector<16x1xi1>
    %broadcast_in_dim3A_587 = vector.broadcast %broadcast_in_dim3A_586 : vector<16x1xi1> to vector<16x256xi1>
    %broadcast_in_dim3A_588 = vector.broadcast %jit3A_585 : f32 to vector<16x256xf32>
    %select_n3A_589 = arith.select %broadcast_in_dim3A_587, %mul3A_584, %broadcast_in_dim3A_588 : vector<16x256xi1>, vector<16x256xf32>
    %broadcast_in_dim3A_590 = vector.shape_cast %gt3A_538 : vector<16x1xi1> to vector<16x1xi1>
    %broadcast_in_dim3A_591 = vector.broadcast %broadcast_in_dim3A_590 : vector<16x1xi1> to vector<16x256xi1>
    %select_n3A_592 = arith.select %broadcast_in_dim3A_591, %mul3A_584, %select_n3A_454 : vector<16x256xi1>, vector<16x256xf32>
    %broadcast_in_dim3A_593 = vector.shape_cast %gt3A_538 : vector<16x1xi1> to vector<16x1xi1>
    %broadcast_in_dim3A_594 = vector.broadcast %broadcast_in_dim3A_593 : vector<16x1xi1> to vector<16x256xi1>
    %select_n3A_595 = arith.select %broadcast_in_dim3A_594, %add3A_582, %select_n3A_457 : vector<16x256xi1>, vector<16x256xf32>
    %swap3A_596 = arith.constant 3 : index
    %swap3A_597 = arith.constant 0 : index
    %swap3A_598 = arith.constant 0 : index
    %swap3A_599 = vector.load %arg12[%swap3A_596, %swap3A_597, %swap3A_598] : memref<16x16x256xf32, #tpu.memory_space<vmem>>, vector<1x16x256xf32>
    %swap3A_600 = vector.shape_cast %swap3A_599 : vector<1x16x256xf32> to vector<16x256xf32>
    %swap3A_601 = vector.shape_cast %select_n3A_529 : vector<16x256xf32> to vector<1x16x256xf32>
    tpu.vector_store %arg12[%swap3A_596, %swap3A_597, %swap3A_598], %swap3A_601 {strides = array<i32>} : memref<16x16x256xf32, #tpu.memory_space<vmem>>, vector<1x16x256xf32>,
    %swap3A_602 = arith.constant 12 : index
    %swap3A_603 = arith.constant 0 : index
    %swap3A_604 = arith.constant 0 : index
    %swap3A_605 = vector.load %arg13[%swap3A_602, %swap3A_603, %swap3A_604] : memref<16x16x256xf32, #tpu.memory_space<vmem>>, vector<1x16x256xf32>
    %swap3A_606 = vector.shape_cast %swap3A_605 : vector<1x16x256xf32> to vector<16x256xf32>
    %swap3A_607 = vector.shape_cast %select_n3A_589 : vector<16x256xf32> to vector<1x16x256xf32>
    tpu.vector_store %arg13[%swap3A_602, %swap3A_603, %swap3A_604], %swap3A_607 {strides = array<i32>} : memref<16x16x256xf32, #tpu.memory_space<vmem>>, vector<1x16x256xf32>,
    %mul3A_608 = arith.constant 16 : i32
    %mul3A_609 = arith.muli %arg0, %mul3A_608 : i32
    %add3A_610 = arith.constant 4 : i32
    %add3A_611 = arith.addi %mul3A_609, %add3A_610 : i32
    %sub3A_612 = arith.constant 511 : i32
    %sub3A_613 = arith.subi %sub3A_612, %add3A_611 : i32
    %slice3A_614 = vector.extract_strided_slice %add3A_45 {offsets = [64, 0], sizes = [16, 1024], strides = [1, 1]} : vector<256x1024xf32> to vector<16x1024xf32>
    %gt3A_615 = vector.broadcast %add3A_611 : i32 to vector<16x1xi32>
    %gt3A_616 = arith.cmpi sgt, %get3A_3, %gt3A_615 : vector<16x1xi32>
    %get3A_617 = arith.constant 0 : index
    %get3A_618 = arith.constant 0 : index
    %get3A_619 = vector.load %arg10[%get3A_617, %get3A_618] : memref<256x1024xf32, #tpu.memory_space<vmem>>, vector<256x1024xf32>
    %dot_general3A_620 = arith.constant dense<0.000000e+00> : vector<16x1024xf32>
    %dot_general3A_621 = tpu.matmul %select_n3A_532, %get3A_619, %dot_general3A_620 {dimension_numbers = #tpu.dot_dimension_numbers<[1], [0], [0], [1], [0, 0, 1, 1], [], []>, transpose_lhs_hint = false} : vector<16x256xf32>, vector<256x1024xf32>, vector<16x1024xf32> -> vector<16x1024xf32>
    %add3A_622 = arith.addf %slice3A_614, %dot_general3A_621 : vector<16x1024xf32>
    %slice3A_623 = vector.extract_strided_slice %add3A_622 {offsets = [0, 0], sizes = [16, 256], strides = [1, 1]} : vector<16x1024xf32> to vector<16x256xf32>
    %neg3A_624 = arith.constant 0.000000e+00 : f32
    %neg3A_625 = vector.broadcast %neg3A_624 : f32 to vector<16x256xf32>
    %neg3A_626 = arith.subf %neg3A_625, %slice3A_623 : vector<16x256xf32>
    %exp3A_627 = math.exp %neg3A_626 : vector<16x256xf32>
    %add3A_628 = arith.constant 1.000000e+00 : f32
    %add3A_629 = vector.broadcast %add3A_628 : f32 to vector<16x256xf32>
    %add3A_630 = arith.addf %add3A_629, %exp3A_627 : vector<16x256xf32>
    %div3A_631 = arith.constant 1.000000e+00 : f32
    %div3A_632 = vector.broadcast %div3A_631 : f32 to vector<16x256xf32>
    %div3A_633 = arith.divf %div3A_632, %add3A_630 : vector<16x256xf32>
    %slice3A_634 = vector.extract_strided_slice %add3A_622 {offsets = [0, 256], sizes = [16, 256], strides = [1, 1]} : vector<16x1024xf32> to vector<16x256xf32>
    %neg3A_635 = arith.constant 0.000000e+00 : f32
    %neg3A_636 = vector.broadcast %neg3A_635 : f32 to vector<16x256xf32>
    %neg3A_637 = arith.subf %neg3A_636, %slice3A_634 : vector<16x256xf32>
    %exp3A_638 = math.exp %neg3A_637 : vector<16x256xf32>
    %add3A_639 = arith.constant 1.000000e+00 : f32
    %add3A_640 = vector.broadcast %add3A_639 : f32 to vector<16x256xf32>
    %add3A_641 = arith.addf %add3A_640, %exp3A_638 : vector<16x256xf32>
    %div3A_642 = arith.constant 1.000000e+00 : f32
    %div3A_643 = vector.broadcast %div3A_642 : f32 to vector<16x256xf32>
    %div3A_644 = arith.divf %div3A_643, %add3A_641 : vector<16x256xf32>
    %slice3A_645 = vector.extract_strided_slice %add3A_622 {offsets = [0, 512], sizes = [16, 256], strides = [1, 1]} : vector<16x1024xf32> to vector<16x256xf32>
    %tanh3A_646 = math.tanh %slice3A_645 : vector<16x256xf32>
    %slice3A_647 = vector.extract_strided_slice %add3A_622 {offsets = [0, 768], sizes = [16, 256], strides = [1, 1]} : vector<16x1024xf32> to vector<16x256xf32>
    %neg3A_648 = arith.constant 0.000000e+00 : f32
    %neg3A_649 = vector.broadcast %neg3A_648 : f32 to vector<16x256xf32>
    %neg3A_650 = arith.subf %neg3A_649, %slice3A_647 : vector<16x256xf32>
    %exp3A_651 = math.exp %neg3A_650 : vector<16x256xf32>
    %add3A_652 = arith.constant 1.000000e+00 : f32
    %add3A_653 = vector.broadcast %add3A_652 : f32 to vector<16x256xf32>
    %add3A_654 = arith.addf %add3A_653, %exp3A_651 : vector<16x256xf32>
    %div3A_655 = arith.constant 1.000000e+00 : f32
    %div3A_656 = vector.broadcast %div3A_655 : f32 to vector<16x256xf32>
    %div3A_657 = arith.divf %div3A_656, %add3A_654 : vector<16x256xf32>
    %mul3A_658 = arith.mulf %div3A_644, %select_n3A_535 : vector<16x256xf32>
    %mul3A_659 = arith.mulf %div3A_633, %tanh3A_646 : vector<16x256xf32>
    %add3A_660 = arith.addf %mul3A_658, %mul3A_659 : vector<16x256xf32>
    %tanh3A_661 = math.tanh %add3A_660 : vector<16x256xf32>
    %mul3A_662 = arith.mulf %div3A_657, %tanh3A_661 : vector<16x256xf32>
    %jit3A_663 = arith.constant 0.000000e+00 : f32
    %broadcast_in_dim3A_664 = vector.shape_cast %gt3A_616 : vector<16x1xi1> to vector<16x1xi1>
    %broadcast_in_dim3A_665 = vector.broadcast %broadcast_in_dim3A_664 : vector<16x1xi1> to vector<16x256xi1>
    %broadcast_in_dim3A_666 = vector.broadcast %jit3A_663 : f32 to vector<16x256xf32>
    %select_n3A_667 = arith.select %broadcast_in_dim3A_665, %mul3A_662, %broadcast_in_dim3A_666 : vector<16x256xi1>, vector<16x256xf32>
    %broadcast_in_dim3A_668 = vector.shape_cast %gt3A_616 : vector<16x1xi1> to vector<16x1xi1>
    %broadcast_in_dim3A_669 = vector.broadcast %broadcast_in_dim3A_668 : vector<16x1xi1> to vector<16x256xi1>
    %select_n3A_670 = arith.select %broadcast_in_dim3A_669, %mul3A_662, %select_n3A_532 : vector<16x256xi1>, vector<16x256xf32>
    %broadcast_in_dim3A_671 = vector.shape_cast %gt3A_616 : vector<16x1xi1> to vector<16x1xi1>
    %broadcast_in_dim3A_672 = vector.broadcast %broadcast_in_dim3A_671 : vector<16x1xi1> to vector<16x256xi1>
    %select_n3A_673 = arith.select %broadcast_in_dim3A_672, %add3A_660, %select_n3A_535 : vector<16x256xi1>, vector<16x256xf32>
    %slice3A_674 = vector.extract_strided_slice %add3A_55 {offsets = [176, 0], sizes = [16, 1024], strides = [1, 1]} : vector<256x1024xf32> to vector<16x1024xf32>
    %gt3A_675 = vector.broadcast %sub3A_613 : i32 to vector<16x1xi32>
    %gt3A_676 = arith.cmpi sgt, %get3A_3, %gt3A_675 : vector<16x1xi32>
    %get3A_677 = arith.constant 0 : index
    %get3A_678 = arith.constant 0 : index
    %get3A_679 = vector.load %arg11[%get3A_677, %get3A_678] : memref<256x1024xf32, #tpu.memory_space<vmem>>, vector<256x1024xf32>
    %dot_general3A_680 = arith.constant dense<0.000000e+00> : vector<16x1024xf32>
    %dot_general3A_681 = tpu.matmul %select_n3A_592, %get3A_679, %dot_general3A_680 {dimension_numbers = #tpu.dot_dimension_numbers<[1], [0], [0], [1], [0, 0, 1, 1], [], []>, transpose_lhs_hint = false} : vector<16x256xf32>, vector<256x1024xf32>, vector<16x1024xf32> -> vector<16x1024xf32>
    %add3A_682 = arith.addf %slice3A_674, %dot_general3A_681 : vector<16x1024xf32>
    %slice3A_683 = vector.extract_strided_slice %add3A_682 {offsets = [0, 0], sizes = [16, 256], strides = [1, 1]} : vector<16x1024xf32> to vector<16x256xf32>
    %neg3A_684 = arith.constant 0.000000e+00 : f32
    %neg3A_685 = vector.broadcast %neg3A_684 : f32 to vector<16x256xf32>
    %neg3A_686 = arith.subf %neg3A_685, %slice3A_683 : vector<16x256xf32>
    %exp3A_687 = math.exp %neg3A_686 : vector<16x256xf32>
    %add3A_688 = arith.constant 1.000000e+00 : f32
    %add3A_689 = vector.broadcast %add3A_688 : f32 to vector<16x256xf32>
    %add3A_690 = arith.addf %add3A_689, %exp3A_687 : vector<16x256xf32>
    %div3A_691 = arith.constant 1.000000e+00 : f32
    %div3A_692 = vector.broadcast %div3A_691 : f32 to vector<16x256xf32>
    %div3A_693 = arith.divf %div3A_692, %add3A_690 : vector<16x256xf32>
    %slice3A_694 = vector.extract_strided_slice %add3A_682 {offsets = [0, 256], sizes = [16, 256], strides = [1, 1]} : vector<16x1024xf32> to vector<16x256xf32>
    %neg3A_695 = arith.constant 0.000000e+00 : f32
    %neg3A_696 = vector.broadcast %neg3A_695 : f32 to vector<16x256xf32>
    %neg3A_697 = arith.subf %neg3A_696, %slice3A_694 : vector<16x256xf32>
    %exp3A_698 = math.exp %neg3A_697 : vector<16x256xf32>
    %add3A_699 = arith.constant 1.000000e+00 : f32
    %add3A_700 = vector.broadcast %add3A_699 : f32 to vector<16x256xf32>
    %add3A_701 = arith.addf %add3A_700, %exp3A_698 : vector<16x256xf32>
    %div3A_702 = arith.constant 1.000000e+00 : f32
    %div3A_703 = vector.broadcast %div3A_702 : f32 to vector<16x256xf32>
    %div3A_704 = arith.divf %div3A_703, %add3A_701 : vector<16x256xf32>
    %slice3A_705 = vector.extract_strided_slice %add3A_682 {offsets = [0, 512], sizes = [16, 256], strides = [1, 1]} : vector<16x1024xf32> to vector<16x256xf32>
    %tanh3A_706 = math.tanh %slice3A_705 : vector<16x256xf32>
    %slice3A_707 = vector.extract_strided_slice %add3A_682 {offsets = [0, 768], sizes = [16, 256], strides = [1, 1]} : vector<16x1024xf32> to vector<16x256xf32>
    %neg3A_708 = arith.constant 0.000000e+00 : f32
    %neg3A_709 = vector.broadcast %neg3A_708 : f32 to vector<16x256xf32>
    %neg3A_710 = arith.subf %neg3A_709, %slice3A_707 : vector<16x256xf32>
    %exp3A_711 = math.exp %neg3A_710 : vector<16x256xf32>
    %add3A_712 = arith.constant 1.000000e+00 : f32
    %add3A_713 = vector.broadcast %add3A_712 : f32 to vector<16x256xf32>
    %add3A_714 = arith.addf %add3A_713, %exp3A_711 : vector<16x256xf32>
    %div3A_715 = arith.constant 1.000000e+00 : f32
    %div3A_716 = vector.broadcast %div3A_715 : f32 to vector<16x256xf32>
    %div3A_717 = arith.divf %div3A_716, %add3A_714 : vector<16x256xf32>
    %mul3A_718 = arith.mulf %div3A_704, %select_n3A_595 : vector<16x256xf32>
    %mul3A_719 = arith.mulf %div3A_693, %tanh3A_706 : vector<16x256xf32>
    %add3A_720 = arith.addf %mul3A_718, %mul3A_719 : vector<16x256xf32>
    %tanh3A_721 = math.tanh %add3A_720 : vector<16x256xf32>
    %mul3A_722 = arith.mulf %div3A_717, %tanh3A_721 : vector<16x256xf32>
    %jit3A_723 = arith.constant 0.000000e+00 : f32
    %broadcast_in_dim3A_724 = vector.shape_cast %gt3A_676 : vector<16x1xi1> to vector<16x1xi1>
    %broadcast_in_dim3A_725 = vector.broadcast %broadcast_in_dim3A_724 : vector<16x1xi1> to vector<16x256xi1>
    %broadcast_in_dim3A_726 = vector.broadcast %jit3A_723 : f32 to vector<16x256xf32>
    %select_n3A_727 = arith.select %broadcast_in_dim3A_725, %mul3A_722, %broadcast_in_dim3A_726 : vector<16x256xi1>, vector<16x256xf32>
    %broadcast_in_dim3A_728 = vector.shape_cast %gt3A_676 : vector<16x1xi1> to vector<16x1xi1>
    %broadcast_in_dim3A_729 = vector.broadcast %broadcast_in_dim3A_728 : vector<16x1xi1> to vector<16x256xi1>
    %select_n3A_730 = arith.select %broadcast_in_dim3A_729, %mul3A_722, %select_n3A_592 : vector<16x256xi1>, vector<16x256xf32>
    %broadcast_in_dim3A_731 = vector.shape_cast %gt3A_676 : vector<16x1xi1> to vector<16x1xi1>
    %broadcast_in_dim3A_732 = vector.broadcast %broadcast_in_dim3A_731 : vector<16x1xi1> to vector<16x256xi1>
    %select_n3A_733 = arith.select %broadcast_in_dim3A_732, %add3A_720, %select_n3A_595 : vector<16x256xi1>, vector<16x256xf32>
    %swap3A_734 = arith.constant 4 : index
    %swap3A_735 = arith.constant 0 : index
    %swap3A_736 = arith.constant 0 : index
    %swap3A_737 = vector.load %arg12[%swap3A_734, %swap3A_735, %swap3A_736] : memref<16x16x256xf32, #tpu.memory_space<vmem>>, vector<1x16x256xf32>
    %swap3A_738 = vector.shape_cast %swap3A_737 : vector<1x16x256xf32> to vector<16x256xf32>
    %swap3A_739 = vector.shape_cast %select_n3A_667 : vector<16x256xf32> to vector<1x16x256xf32>
    tpu.vector_store %arg12[%swap3A_734, %swap3A_735, %swap3A_736], %swap3A_739 {strides = array<i32>} : memref<16x16x256xf32, #tpu.memory_space<vmem>>, vector<1x16x256xf32>,
    %swap3A_740 = arith.constant 11 : index
    %swap3A_741 = arith.constant 0 : index
    %swap3A_742 = arith.constant 0 : index
    %swap3A_743 = vector.load %arg13[%swap3A_740, %swap3A_741, %swap3A_742] : memref<16x16x256xf32, #tpu.memory_space<vmem>>, vector<1x16x256xf32>
    %swap3A_744 = vector.shape_cast %swap3A_743 : vector<1x16x256xf32> to vector<16x256xf32>
    %swap3A_745 = vector.shape_cast %select_n3A_727 : vector<16x256xf32> to vector<1x16x256xf32>
    tpu.vector_store %arg13[%swap3A_740, %swap3A_741, %swap3A_742], %swap3A_745 {strides = array<i32>} : memref<16x16x256xf32, #tpu.memory_space<vmem>>, vector<1x16x256xf32>,
    %mul3A_746 = arith.constant 16 : i32
    %mul3A_747 = arith.muli %arg0, %mul3A_746 : i32
    %add3A_748 = arith.constant 5 : i32
    %add3A_749 = arith.addi %mul3A_747, %add3A_748 : i32
    %sub3A_750 = arith.constant 511 : i32
    %sub3A_751 = arith.subi %sub3A_750, %add3A_749 : i32
    %slice3A_752 = vector.extract_strided_slice %add3A_45 {offsets = [80, 0], sizes = [16, 1024], strides = [1, 1]} : vector<256x1024xf32> to vector<16x1024xf32>
    %gt3A_753 = vector.broadcast %add3A_749 : i32 to vector<16x1xi32>
    %gt3A_754 = arith.cmpi sgt, %get3A_3, %gt3A_753 : vector<16x1xi32>
    %get3A_755 = arith.constant 0 : index
    %get3A_756 = arith.constant 0 : index
    %get3A_757 = vector.load %arg10[%get3A_755, %get3A_756] : memref<256x1024xf32, #tpu.memory_space<vmem>>, vector<256x1024xf32>
    %dot_general3A_758 = arith.constant dense<0.000000e+00> : vector<16x1024xf32>
    %dot_general3A_759 = tpu.matmul %select_n3A_670, %get3A_757, %dot_general3A_758 {dimension_numbers = #tpu.dot_dimension_numbers<[1], [0], [0], [1], [0, 0, 1, 1], [], []>, transpose_lhs_hint = false} : vector<16x256xf32>, vector<256x1024xf32>, vector<16x1024xf32> -> vector<16x1024xf32>
    %add3A_760 = arith.addf %slice3A_752, %dot_general3A_759 : vector<16x1024xf32>
    %slice3A_761 = vector.extract_strided_slice %add3A_760 {offsets = [0, 0], sizes = [16, 256], strides = [1, 1]} : vector<16x1024xf32> to vector<16x256xf32>
    %neg3A_762 = arith.constant 0.000000e+00 : f32
    %neg3A_763 = vector.broadcast %neg3A_762 : f32 to vector<16x256xf32>
    %neg3A_764 = arith.subf %neg3A_763, %slice3A_761 : vector<16x256xf32>
    %exp3A_765 = math.exp %neg3A_764 : vector<16x256xf32>
    %add3A_766 = arith.constant 1.000000e+00 : f32
    %add3A_767 = vector.broadcast %add3A_766 : f32 to vector<16x256xf32>
    %add3A_768 = arith.addf %add3A_767, %exp3A_765 : vector<16x256xf32>
    %div3A_769 = arith.constant 1.000000e+00 : f32
    %div3A_770 = vector.broadcast %div3A_769 : f32 to vector<16x256xf32>
    %div3A_771 = arith.divf %div3A_770, %add3A_768 : vector<16x256xf32>
    %slice3A_772 = vector.extract_strided_slice %add3A_760 {offsets = [0, 256], sizes = [16, 256], strides = [1, 1]} : vector<16x1024xf32> to vector<16x256xf32>
    %neg3A_773 = arith.constant 0.000000e+00 : f32
    %neg3A_774 = vector.broadcast %neg3A_773 : f32 to vector<16x256xf32>
    %neg3A_775 = arith.subf %neg3A_774, %slice3A_772 : vector<16x256xf32>
    %exp3A_776 = math.exp %neg3A_775 : vector<16x256xf32>
    %add3A_777 = arith.constant 1.000000e+00 : f32
    %add3A_778 = vector.broadcast %add3A_777 : f32 to vector<16x256xf32>
    %add3A_779 = arith.addf %add3A_778, %exp3A_776 : vector<16x256xf32>
    %div3A_780 = arith.constant 1.000000e+00 : f32
    %div3A_781 = vector.broadcast %div3A_780 : f32 to vector<16x256xf32>
    %div3A_782 = arith.divf %div3A_781, %add3A_779 : vector<16x256xf32>
    %slice3A_783 = vector.extract_strided_slice %add3A_760 {offsets = [0, 512], sizes = [16, 256], strides = [1, 1]} : vector<16x1024xf32> to vector<16x256xf32>
    %tanh3A_784 = math.tanh %slice3A_783 : vector<16x256xf32>
    %slice3A_785 = vector.extract_strided_slice %add3A_760 {offsets = [0, 768], sizes = [16, 256], strides = [1, 1]} : vector<16x1024xf32> to vector<16x256xf32>
    %neg3A_786 = arith.constant 0.000000e+00 : f32
    %neg3A_787 = vector.broadcast %neg3A_786 : f32 to vector<16x256xf32>
    %neg3A_788 = arith.subf %neg3A_787, %slice3A_785 : vector<16x256xf32>
    %exp3A_789 = math.exp %neg3A_788 : vector<16x256xf32>
    %add3A_790 = arith.constant 1.000000e+00 : f32
    %add3A_791 = vector.broadcast %add3A_790 : f32 to vector<16x256xf32>
    %add3A_792 = arith.addf %add3A_791, %exp3A_789 : vector<16x256xf32>
    %div3A_793 = arith.constant 1.000000e+00 : f32
    %div3A_794 = vector.broadcast %div3A_793 : f32 to vector<16x256xf32>
    %div3A_795 = arith.divf %div3A_794, %add3A_792 : vector<16x256xf32>
    %mul3A_796 = arith.mulf %div3A_782, %select_n3A_673 : vector<16x256xf32>
    %mul3A_797 = arith.mulf %div3A_771, %tanh3A_784 : vector<16x256xf32>
    %add3A_798 = arith.addf %mul3A_796, %mul3A_797 : vector<16x256xf32>
    %tanh3A_799 = math.tanh %add3A_798 : vector<16x256xf32>
    %mul3A_800 = arith.mulf %div3A_795, %tanh3A_799 : vector<16x256xf32>
    %jit3A_801 = arith.constant 0.000000e+00 : f32
    %broadcast_in_dim3A_802 = vector.shape_cast %gt3A_754 : vector<16x1xi1> to vector<16x1xi1>
    %broadcast_in_dim3A_803 = vector.broadcast %broadcast_in_dim3A_802 : vector<16x1xi1> to vector<16x256xi1>
    %broadcast_in_dim3A_804 = vector.broadcast %jit3A_801 : f32 to vector<16x256xf32>
    %select_n3A_805 = arith.select %broadcast_in_dim3A_803, %mul3A_800, %broadcast_in_dim3A_804 : vector<16x256xi1>, vector<16x256xf32>
    %broadcast_in_dim3A_806 = vector.shape_cast %gt3A_754 : vector<16x1xi1> to vector<16x1xi1>
    %broadcast_in_dim3A_807 = vector.broadcast %broadcast_in_dim3A_806 : vector<16x1xi1> to vector<16x256xi1>
    %select_n3A_808 = arith.select %broadcast_in_dim3A_807, %mul3A_800, %select_n3A_670 : vector<16x256xi1>, vector<16x256xf32>
    %broadcast_in_dim3A_809 = vector.shape_cast %gt3A_754 : vector<16x1xi1> to vector<16x1xi1>
    %broadcast_in_dim3A_810 = vector.broadcast %broadcast_in_dim3A_809 : vector<16x1xi1> to vector<16x256xi1>
    %select_n3A_811 = arith.select %broadcast_in_dim3A_810, %add3A_798, %select_n3A_673 : vector<16x256xi1>, vector<16x256xf32>
    %slice3A_812 = vector.extract_strided_slice %add3A_55 {offsets = [160, 0], sizes = [16, 1024], strides = [1, 1]} : vector<256x1024xf32> to vector<16x1024xf32>
    %gt3A_813 = vector.broadcast %sub3A_751 : i32 to vector<16x1xi32>
    %gt3A_814 = arith.cmpi sgt, %get3A_3, %gt3A_813 : vector<16x1xi32>
    %get3A_815 = arith.constant 0 : index
    %get3A_816 = arith.constant 0 : index
    %get3A_817 = vector.load %arg11[%get3A_815, %get3A_816] : memref<256x1024xf32, #tpu.memory_space<vmem>>, vector<256x1024xf32>
    %dot_general3A_818 = arith.constant dense<0.000000e+00> : vector<16x1024xf32>
    %dot_general3A_819 = tpu.matmul %select_n3A_730, %get3A_817, %dot_general3A_818 {dimension_numbers = #tpu.dot_dimension_numbers<[1], [0], [0], [1], [0, 0, 1, 1], [], []>, transpose_lhs_hint = false} : vector<16x256xf32>, vector<256x1024xf32>, vector<16x1024xf32> -> vector<16x1024xf32>
    %add3A_820 = arith.addf %slice3A_812, %dot_general3A_819 : vector<16x1024xf32>
    %slice3A_821 = vector.extract_strided_slice %add3A_820 {offsets = [0, 0], sizes = [16, 256], strides = [1, 1]} : vector<16x1024xf32> to vector<16x256xf32>
    %neg3A_822 = arith.constant 0.000000e+00 : f32
    %neg3A_823 = vector.broadcast %neg3A_822 : f32 to vector<16x256xf32>
    %neg3A_824 = arith.subf %neg3A_823, %slice3A_821 : vector<16x256xf32>
    %exp3A_825 = math.exp %neg3A_824 : vector<16x256xf32>
    %add3A_826 = arith.constant 1.000000e+00 : f32
    %add3A_827 = vector.broadcast %add3A_826 : f32 to vector<16x256xf32>
    %add3A_828 = arith.addf %add3A_827, %exp3A_825 : vector<16x256xf32>
    %div3A_829 = arith.constant 1.000000e+00 : f32
    %div3A_830 = vector.broadcast %div3A_829 : f32 to vector<16x256xf32>
    %div3A_831 = arith.divf %div3A_830, %add3A_828 : vector<16x256xf32>
    %slice3A_832 = vector.extract_strided_slice %add3A_820 {offsets = [0, 256], sizes = [16, 256], strides = [1, 1]} : vector<16x1024xf32> to vector<16x256xf32>
    %neg3A_833 = arith.constant 0.000000e+00 : f32
    %neg3A_834 = vector.broadcast %neg3A_833 : f32 to vector<16x256xf32>
    %neg3A_835 = arith.subf %neg3A_834, %slice3A_832 : vector<16x256xf32>
    %exp3A_836 = math.exp %neg3A_835 : vector<16x256xf32>
    %add3A_837 = arith.constant 1.000000e+00 : f32
    %add3A_838 = vector.broadcast %add3A_837 : f32 to vector<16x256xf32>
    %add3A_839 = arith.addf %add3A_838, %exp3A_836 : vector<16x256xf32>
    %div3A_840 = arith.constant 1.000000e+00 : f32
    %div3A_841 = vector.broadcast %div3A_840 : f32 to vector<16x256xf32>
    %div3A_842 = arith.divf %div3A_841, %add3A_839 : vector<16x256xf32>
    %slice3A_843 = vector.extract_strided_slice %add3A_820 {offsets = [0, 512], sizes = [16, 256], strides = [1, 1]} : vector<16x1024xf32> to vector<16x256xf32>
    %tanh3A_844 = math.tanh %slice3A_843 : vector<16x256xf32>
    %slice3A_845 = vector.extract_strided_slice %add3A_820 {offsets = [0, 768], sizes = [16, 256], strides = [1, 1]} : vector<16x1024xf32> to vector<16x256xf32>
    %neg3A_846 = arith.constant 0.000000e+00 : f32
    %neg3A_847 = vector.broadcast %neg3A_846 : f32 to vector<16x256xf32>
    %neg3A_848 = arith.subf %neg3A_847, %slice3A_845 : vector<16x256xf32>
    %exp3A_849 = math.exp %neg3A_848 : vector<16x256xf32>
    %add3A_850 = arith.constant 1.000000e+00 : f32
    %add3A_851 = vector.broadcast %add3A_850 : f32 to vector<16x256xf32>
    %add3A_852 = arith.addf %add3A_851, %exp3A_849 : vector<16x256xf32>
    %div3A_853 = arith.constant 1.000000e+00 : f32
    %div3A_854 = vector.broadcast %div3A_853 : f32 to vector<16x256xf32>
    %div3A_855 = arith.divf %div3A_854, %add3A_852 : vector<16x256xf32>
    %mul3A_856 = arith.mulf %div3A_842, %select_n3A_733 : vector<16x256xf32>
    %mul3A_857 = arith.mulf %div3A_831, %tanh3A_844 : vector<16x256xf32>
    %add3A_858 = arith.addf %mul3A_856, %mul3A_857 : vector<16x256xf32>
    %tanh3A_859 = math.tanh %add3A_858 : vector<16x256xf32>
    %mul3A_860 = arith.mulf %div3A_855, %tanh3A_859 : vector<16x256xf32>
    %jit3A_861 = arith.constant 0.000000e+00 : f32
    %broadcast_in_dim3A_862 = vector.shape_cast %gt3A_814 : vector<16x1xi1> to vector<16x1xi1>
    %broadcast_in_dim3A_863 = vector.broadcast %broadcast_in_dim3A_862 : vector<16x1xi1> to vector<16x256xi1>
    %broadcast_in_dim3A_864 = vector.broadcast %jit3A_861 : f32 to vector<16x256xf32>
    %select_n3A_865 = arith.select %broadcast_in_dim3A_863, %mul3A_860, %broadcast_in_dim3A_864 : vector<16x256xi1>, vector<16x256xf32>
    %broadcast_in_dim3A_866 = vector.shape_cast %gt3A_814 : vector<16x1xi1> to vector<16x1xi1>
    %broadcast_in_dim3A_867 = vector.broadcast %broadcast_in_dim3A_866 : vector<16x1xi1> to vector<16x256xi1>
    %select_n3A_868 = arith.select %broadcast_in_dim3A_867, %mul3A_860, %select_n3A_730 : vector<16x256xi1>, vector<16x256xf32>
    %broadcast_in_dim3A_869 = vector.shape_cast %gt3A_814 : vector<16x1xi1> to vector<16x1xi1>
    %broadcast_in_dim3A_870 = vector.broadcast %broadcast_in_dim3A_869 : vector<16x1xi1> to vector<16x256xi1>
    %select_n3A_871 = arith.select %broadcast_in_dim3A_870, %add3A_858, %select_n3A_733 : vector<16x256xi1>, vector<16x256xf32>
    %swap3A_872 = arith.constant 5 : index
    %swap3A_873 = arith.constant 0 : index
    %swap3A_874 = arith.constant 0 : index
    %swap3A_875 = vector.load %arg12[%swap3A_872, %swap3A_873, %swap3A_874] : memref<16x16x256xf32, #tpu.memory_space<vmem>>, vector<1x16x256xf32>
    %swap3A_876 = vector.shape_cast %swap3A_875 : vector<1x16x256xf32> to vector<16x256xf32>
    %swap3A_877 = vector.shape_cast %select_n3A_805 : vector<16x256xf32> to vector<1x16x256xf32>
    tpu.vector_store %arg12[%swap3A_872, %swap3A_873, %swap3A_874], %swap3A_877 {strides = array<i32>} : memref<16x16x256xf32, #tpu.memory_space<vmem>>, vector<1x16x256xf32>,
    %swap3A_878 = arith.constant 10 : index
    %swap3A_879 = arith.constant 0 : index
    %swap3A_880 = arith.constant 0 : index
    %swap3A_881 = vector.load %arg13[%swap3A_878, %swap3A_879, %swap3A_880] : memref<16x16x256xf32, #tpu.memory_space<vmem>>, vector<1x16x256xf32>
    %swap3A_882 = vector.shape_cast %swap3A_881 : vector<1x16x256xf32> to vector<16x256xf32>
    %swap3A_883 = vector.shape_cast %select_n3A_865 : vector<16x256xf32> to vector<1x16x256xf32>
    tpu.vector_store %arg13[%swap3A_878, %swap3A_879, %swap3A_880], %swap3A_883 {strides = array<i32>} : memref<16x16x256xf32, #tpu.memory_space<vmem>>, vector<1x16x256xf32>,
    %mul3A_884 = arith.constant 16 : i32
    %mul3A_885 = arith.muli %arg0, %mul3A_884 : i32
    %add3A_886 = arith.constant 6 : i32
    %add3A_887 = arith.addi %mul3A_885, %add3A_886 : i32
    %sub3A_888 = arith.constant 511 : i32
    %sub3A_889 = arith.subi %sub3A_888, %add3A_887 : i32
    %slice3A_890 = vector.extract_strided_slice %add3A_45 {offsets = [96, 0], sizes = [16, 1024], strides = [1, 1]} : vector<256x1024xf32> to vector<16x1024xf32>
    %gt3A_891 = vector.broadcast %add3A_887 : i32 to vector<16x1xi32>
    %gt3A_892 = arith.cmpi sgt, %get3A_3, %gt3A_891 : vector<16x1xi32>
    %get3A_893 = arith.constant 0 : index
    %get3A_894 = arith.constant 0 : index
    %get3A_895 = vector.load %arg10[%get3A_893, %get3A_894] : memref<256x1024xf32, #tpu.memory_space<vmem>>, vector<256x1024xf32>
    %dot_general3A_896 = arith.constant dense<0.000000e+00> : vector<16x1024xf32>
    %dot_general3A_897 = tpu.matmul %select_n3A_808, %get3A_895, %dot_general3A_896 {dimension_numbers = #tpu.dot_dimension_numbers<[1], [0], [0], [1], [0, 0, 1, 1], [], []>, transpose_lhs_hint = false} : vector<16x256xf32>, vector<256x1024xf32>, vector<16x1024xf32> -> vector<16x1024xf32>
    %add3A_898 = arith.addf %slice3A_890, %dot_general3A_897 : vector<16x1024xf32>
    %slice3A_899 = vector.extract_strided_slice %add3A_898 {offsets = [0, 0], sizes = [16, 256], strides = [1, 1]} : vector<16x1024xf32> to vector<16x256xf32>
    %neg3A_900 = arith.constant 0.000000e+00 : f32
    %neg3A_901 = vector.broadcast %neg3A_900 : f32 to vector<16x256xf32>
    %neg3A_902 = arith.subf %neg3A_901, %slice3A_899 : vector<16x256xf32>
    %exp3A_903 = math.exp %neg3A_902 : vector<16x256xf32>
    %add3A_904 = arith.constant 1.000000e+00 : f32
    %add3A_905 = vector.broadcast %add3A_904 : f32 to vector<16x256xf32>
    %add3A_906 = arith.addf %add3A_905, %exp3A_903 : vector<16x256xf32>
    %div3A_907 = arith.constant 1.000000e+00 : f32
    %div3A_908 = vector.broadcast %div3A_907 : f32 to vector<16x256xf32>
    %div3A_909 = arith.divf %div3A_908, %add3A_906 : vector<16x256xf32>
    %slice3A_910 = vector.extract_strided_slice %add3A_898 {offsets = [0, 256], sizes = [16, 256], strides = [1, 1]} : vector<16x1024xf32> to vector<16x256xf32>
    %neg3A_911 = arith.constant 0.000000e+00 : f32
    %neg3A_912 = vector.broadcast %neg3A_911 : f32 to vector<16x256xf32>
    %neg3A_913 = arith.subf %neg3A_912, %slice3A_910 : vector<16x256xf32>
    %exp3A_914 = math.exp %neg3A_913 : vector<16x256xf32>
    %add3A_915 = arith.constant 1.000000e+00 : f32
    %add3A_916 = vector.broadcast %add3A_915 : f32 to vector<16x256xf32>
    %add3A_917 = arith.addf %add3A_916, %exp3A_914 : vector<16x256xf32>
    %div3A_918 = arith.constant 1.000000e+00 : f32
    %div3A_919 = vector.broadcast %div3A_918 : f32 to vector<16x256xf32>
    %div3A_920 = arith.divf %div3A_919, %add3A_917 : vector<16x256xf32>
    %slice3A_921 = vector.extract_strided_slice %add3A_898 {offsets = [0, 512], sizes = [16, 256], strides = [1, 1]} : vector<16x1024xf32> to vector<16x256xf32>
    %tanh3A_922 = math.tanh %slice3A_921 : vector<16x256xf32>
    %slice3A_923 = vector.extract_strided_slice %add3A_898 {offsets = [0, 768], sizes = [16, 256], strides = [1, 1]} : vector<16x1024xf32> to vector<16x256xf32>
    %neg3A_924 = arith.constant 0.000000e+00 : f32
    %neg3A_925 = vector.broadcast %neg3A_924 : f32 to vector<16x256xf32>
    %neg3A_926 = arith.subf %neg3A_925, %slice3A_923 : vector<16x256xf32>
    %exp3A_927 = math.exp %neg3A_926 : vector<16x256xf32>
    %add3A_928 = arith.constant 1.000000e+00 : f32
    %add3A_929 = vector.broadcast %add3A_928 : f32 to vector<16x256xf32>
    %add3A_930 = arith.addf %add3A_929, %exp3A_927 : vector<16x256xf32>
    %div3A_931 = arith.constant 1.000000e+00 : f32
    %div3A_932 = vector.broadcast %div3A_931 : f32 to vector<16x256xf32>
    %div3A_933 = arith.divf %div3A_932, %add3A_930 : vector<16x256xf32>
    %mul3A_934 = arith.mulf %div3A_920, %select_n3A_811 : vector<16x256xf32>
    %mul3A_935 = arith.mulf %div3A_909, %tanh3A_922 : vector<16x256xf32>
    %add3A_936 = arith.addf %mul3A_934, %mul3A_935 : vector<16x256xf32>
    %tanh3A_937 = math.tanh %add3A_936 : vector<16x256xf32>
    %mul3A_938 = arith.mulf %div3A_933, %tanh3A_937 : vector<16x256xf32>
    %jit3A_939 = arith.constant 0.000000e+00 : f32
    %broadcast_in_dim3A_940 = vector.shape_cast %gt3A_892 : vector<16x1xi1> to vector<16x1xi1>
    %broadcast_in_dim3A_941 = vector.broadcast %broadcast_in_dim3A_940 : vector<16x1xi1> to vector<16x256xi1>
    %broadcast_in_dim3A_942 = vector.broadcast %jit3A_939 : f32 to vector<16x256xf32>
    %select_n3A_943 = arith.select %broadcast_in_dim3A_941, %mul3A_938, %broadcast_in_dim3A_942 : vector<16x256xi1>, vector<16x256xf32>
    %broadcast_in_dim3A_944 = vector.shape_cast %gt3A_892 : vector<16x1xi1> to vector<16x1xi1>
    %broadcast_in_dim3A_945 = vector.broadcast %broadcast_in_dim3A_944 : vector<16x1xi1> to vector<16x256xi1>
    %select_n3A_946 = arith.select %broadcast_in_dim3A_945, %mul3A_938, %select_n3A_808 : vector<16x256xi1>, vector<16x256xf32>
    %broadcast_in_dim3A_947 = vector.shape_cast %gt3A_892 : vector<16x1xi1> to vector<16x1xi1>
    %broadcast_in_dim3A_948 = vector.broadcast %broadcast_in_dim3A_947 : vector<16x1xi1> to vector<16x256xi1>
    %select_n3A_949 = arith.select %broadcast_in_dim3A_948, %add3A_936, %select_n3A_811 : vector<16x256xi1>, vector<16x256xf32>
    %slice3A_950 = vector.extract_strided_slice %add3A_55 {offsets = [144, 0], sizes = [16, 1024], strides = [1, 1]} : vector<256x1024xf32> to vector<16x1024xf32>
    %gt3A_951 = vector.broadcast %sub3A_889 : i32 to vector<16x1xi32>
    %gt3A_952 = arith.cmpi sgt, %get3A_3, %gt3A_951 : vector<16x1xi32>
    %get3A_953 = arith.constant 0 : index
    %get3A_954 = arith.constant 0 : index
    %get3A_955 = vector.load %arg11[%get3A_953, %get3A_954] : memref<256x1024xf32, #tpu.memory_space<vmem>>, vector<256x1024xf32>
    %dot_general3A_956 = arith.constant dense<0.000000e+00> : vector<16x1024xf32>
    %dot_general3A_957 = tpu.matmul %select_n3A_868, %get3A_955, %dot_general3A_956 {dimension_numbers = #tpu.dot_dimension_numbers<[1], [0], [0], [1], [0, 0, 1, 1], [], []>, transpose_lhs_hint = false} : vector<16x256xf32>, vector<256x1024xf32>, vector<16x1024xf32> -> vector<16x1024xf32>
    %add3A_958 = arith.addf %slice3A_950, %dot_general3A_957 : vector<16x1024xf32>
    %slice3A_959 = vector.extract_strided_slice %add3A_958 {offsets = [0, 0], sizes = [16, 256], strides = [1, 1]} : vector<16x1024xf32> to vector<16x256xf32>
    %neg3A_960 = arith.constant 0.000000e+00 : f32
    %neg3A_961 = vector.broadcast %neg3A_960 : f32 to vector<16x256xf32>
    %neg3A_962 = arith.subf %neg3A_961, %slice3A_959 : vector<16x256xf32>
    %exp3A_963 = math.exp %neg3A_962 : vector<16x256xf32>
    %add3A_964 = arith.constant 1.000000e+00 : f32
    %add3A_965 = vector.broadcast %add3A_964 : f32 to vector<16x256xf32>
    %add3A_966 = arith.addf %add3A_965, %exp3A_963 : vector<16x256xf32>
    %div3A_967 = arith.constant 1.000000e+00 : f32
    %div3A_968 = vector.broadcast %div3A_967 : f32 to vector<16x256xf32>
    %div3A_969 = arith.divf %div3A_968, %add3A_966 : vector<16x256xf32>
    %slice3A_970 = vector.extract_strided_slice %add3A_958 {offsets = [0, 256], sizes = [16, 256], strides = [1, 1]} : vector<16x1024xf32> to vector<16x256xf32>
    %neg3A_971 = arith.constant 0.000000e+00 : f32
    %neg3A_972 = vector.broadcast %neg3A_971 : f32 to vector<16x256xf32>
    %neg3A_973 = arith.subf %neg3A_972, %slice3A_970 : vector<16x256xf32>
    %exp3A_974 = math.exp %neg3A_973 : vector<16x256xf32>
    %add3A_975 = arith.constant 1.000000e+00 : f32
    %add3A_976 = vector.broadcast %add3A_975 : f32 to vector<16x256xf32>
    %add3A_977 = arith.addf %add3A_976, %exp3A_974 : vector<16x256xf32>
    %div3A_978 = arith.constant 1.000000e+00 : f32
    %div3A_979 = vector.broadcast %div3A_978 : f32 to vector<16x256xf32>
    %div3A_980 = arith.divf %div3A_979, %add3A_977 : vector<16x256xf32>
    %slice3A_981 = vector.extract_strided_slice %add3A_958 {offsets = [0, 512], sizes = [16, 256], strides = [1, 1]} : vector<16x1024xf32> to vector<16x256xf32>
    %tanh3A_982 = math.tanh %slice3A_981 : vector<16x256xf32>
    %slice3A_983 = vector.extract_strided_slice %add3A_958 {offsets = [0, 768], sizes = [16, 256], strides = [1, 1]} : vector<16x1024xf32> to vector<16x256xf32>
    %neg3A_984 = arith.constant 0.000000e+00 : f32
    %neg3A_985 = vector.broadcast %neg3A_984 : f32 to vector<16x256xf32>
    %neg3A_986 = arith.subf %neg3A_985, %slice3A_983 : vector<16x256xf32>
    %exp3A_987 = math.exp %neg3A_986 : vector<16x256xf32>
    %add3A_988 = arith.constant 1.000000e+00 : f32
    %add3A_989 = vector.broadcast %add3A_988 : f32 to vector<16x256xf32>
    %add3A_990 = arith.addf %add3A_989, %exp3A_987 : vector<16x256xf32>
    %div3A_991 = arith.constant 1.000000e+00 : f32
    %div3A_992 = vector.broadcast %div3A_991 : f32 to vector<16x256xf32>
    %div3A_993 = arith.divf %div3A_992, %add3A_990 : vector<16x256xf32>
    %mul3A_994 = arith.mulf %div3A_980, %select_n3A_871 : vector<16x256xf32>
    %mul3A_995 = arith.mulf %div3A_969, %tanh3A_982 : vector<16x256xf32>
    %add3A_996 = arith.addf %mul3A_994, %mul3A_995 : vector<16x256xf32>
    %tanh3A_997 = math.tanh %add3A_996 : vector<16x256xf32>
    %mul3A_998 = arith.mulf %div3A_993, %tanh3A_997 : vector<16x256xf32>
    %jit3A_999 = arith.constant 0.000000e+00 : f32
    %broadcast_in_dim3A_1000 = vector.shape_cast %gt3A_952 : vector<16x1xi1> to vector<16x1xi1>
    %broadcast_in_dim3A_1001 = vector.broadcast %broadcast_in_dim3A_1000 : vector<16x1xi1> to vector<16x256xi1>
    %broadcast_in_dim3A_1002 = vector.broadcast %jit3A_999 : f32 to vector<16x256xf32>
    %select_n3A_1003 = arith.select %broadcast_in_dim3A_1001, %mul3A_998, %broadcast_in_dim3A_1002 : vector<16x256xi1>, vector<16x256xf32>
    %broadcast_in_dim3A_1004 = vector.shape_cast %gt3A_952 : vector<16x1xi1> to vector<16x1xi1>
    %broadcast_in_dim3A_1005 = vector.broadcast %broadcast_in_dim3A_1004 : vector<16x1xi1> to vector<16x256xi1>
    %select_n3A_1006 = arith.select %broadcast_in_dim3A_1005, %mul3A_998, %select_n3A_868 : vector<16x256xi1>, vector<16x256xf32>
    %broadcast_in_dim3A_1007 = vector.shape_cast %gt3A_952 : vector<16x1xi1> to vector<16x1xi1>
    %broadcast_in_dim3A_1008 = vector.broadcast %broadcast_in_dim3A_1007 : vector<16x1xi1> to vector<16x256xi1>
    %select_n3A_1009 = arith.select %broadcast_in_dim3A_1008, %add3A_996, %select_n3A_871 : vector<16x256xi1>, vector<16x256xf32>
    %swap3A_1010 = arith.constant 6 : index
    %swap3A_1011 = arith.constant 0 : index
    %swap3A_1012 = arith.constant 0 : index
    %swap3A_1013 = vector.load %arg12[%swap3A_1010, %swap3A_1011, %swap3A_1012] : memref<16x16x256xf32, #tpu.memory_space<vmem>>, vector<1x16x256xf32>
    %swap3A_1014 = vector.shape_cast %swap3A_1013 : vector<1x16x256xf32> to vector<16x256xf32>
    %swap3A_1015 = vector.shape_cast %select_n3A_943 : vector<16x256xf32> to vector<1x16x256xf32>
    tpu.vector_store %arg12[%swap3A_1010, %swap3A_1011, %swap3A_1012], %swap3A_1015 {strides = array<i32>} : memref<16x16x256xf32, #tpu.memory_space<vmem>>, vector<1x16x256xf32>,
    %swap3A_1016 = arith.constant 9 : index
    %swap3A_1017 = arith.constant 0 : index
    %swap3A_1018 = arith.constant 0 : index
    %swap3A_1019 = vector.load %arg13[%swap3A_1016, %swap3A_1017, %swap3A_1018] : memref<16x16x256xf32, #tpu.memory_space<vmem>>, vector<1x16x256xf32>
    %swap3A_1020 = vector.shape_cast %swap3A_1019 : vector<1x16x256xf32> to vector<16x256xf32>
    %swap3A_1021 = vector.shape_cast %select_n3A_1003 : vector<16x256xf32> to vector<1x16x256xf32>
    tpu.vector_store %arg13[%swap3A_1016, %swap3A_1017, %swap3A_1018], %swap3A_1021 {strides = array<i32>} : memref<16x16x256xf32, #tpu.memory_space<vmem>>, vector<1x16x256xf32>,
    %mul3A_1022 = arith.constant 16 : i32
    %mul3A_1023 = arith.muli %arg0, %mul3A_1022 : i32
    %add3A_1024 = arith.constant 7 : i32
    %add3A_1025 = arith.addi %mul3A_1023, %add3A_1024 : i32
    %sub3A_1026 = arith.constant 511 : i32
    %sub3A_1027 = arith.subi %sub3A_1026, %add3A_1025 : i32
    %slice3A_1028 = vector.extract_strided_slice %add3A_45 {offsets = [112, 0], sizes = [16, 1024], strides = [1, 1]} : vector<256x1024xf32> to vector<16x1024xf32>
    %gt3A_1029 = vector.broadcast %add3A_1025 : i32 to vector<16x1xi32>
    %gt3A_1030 = arith.cmpi sgt, %get3A_3, %gt3A_1029 : vector<16x1xi32>
    %get3A_1031 = arith.constant 0 : index
    %get3A_1032 = arith.constant 0 : index
    %get3A_1033 = vector.load %arg10[%get3A_1031, %get3A_1032] : memref<256x1024xf32, #tpu.memory_space<vmem>>, vector<256x1024xf32>
    %dot_general3A_1034 = arith.constant dense<0.000000e+00> : vector<16x1024xf32>
    %dot_general3A_1035 = tpu.matmul %select_n3A_946, %get3A_1033, %dot_general3A_1034 {dimension_numbers = #tpu.dot_dimension_numbers<[1], [0], [0], [1], [0, 0, 1, 1], [], []>, transpose_lhs_hint = false} : vector<16x256xf32>, vector<256x1024xf32>, vector<16x1024xf32> -> vector<16x1024xf32>
    %add3A_1036 = arith.addf %slice3A_1028, %dot_general3A_1035 : vector<16x1024xf32>
    %slice3A_1037 = vector.extract_strided_slice %add3A_1036 {offsets = [0, 0], sizes = [16, 256], strides = [1, 1]} : vector<16x1024xf32> to vector<16x256xf32>
    %neg3A_1038 = arith.constant 0.000000e+00 : f32
    %neg3A_1039 = vector.broadcast %neg3A_1038 : f32 to vector<16x256xf32>
    %neg3A_1040 = arith.subf %neg3A_1039, %slice3A_1037 : vector<16x256xf32>
    %exp3A_1041 = math.exp %neg3A_1040 : vector<16x256xf32>
    %add3A_1042 = arith.constant 1.000000e+00 : f32
    %add3A_1043 = vector.broadcast %add3A_1042 : f32 to vector<16x256xf32>
    %add3A_1044 = arith.addf %add3A_1043, %exp3A_1041 : vector<16x256xf32>
    %div3A_1045 = arith.constant 1.000000e+00 : f32
    %div3A_1046 = vector.broadcast %div3A_1045 : f32 to vector<16x256xf32>
    %div3A_1047 = arith.divf %div3A_1046, %add3A_1044 : vector<16x256xf32>
    %slice3A_1048 = vector.extract_strided_slice %add3A_1036 {offsets = [0, 256], sizes = [16, 256], strides = [1, 1]} : vector<16x1024xf32> to vector<16x256xf32>
    %neg3A_1049 = arith.constant 0.000000e+00 : f32
    %neg3A_1050 = vector.broadcast %neg3A_1049 : f32 to vector<16x256xf32>
    %neg3A_1051 = arith.subf %neg3A_1050, %slice3A_1048 : vector<16x256xf32>
    %exp3A_1052 = math.exp %neg3A_1051 : vector<16x256xf32>
    %add3A_1053 = arith.constant 1.000000e+00 : f32
    %add3A_1054 = vector.broadcast %add3A_1053 : f32 to vector<16x256xf32>
    %add3A_1055 = arith.addf %add3A_1054, %exp3A_1052 : vector<16x256xf32>
    %div3A_1056 = arith.constant 1.000000e+00 : f32
    %div3A_1057 = vector.broadcast %div3A_1056 : f32 to vector<16x256xf32>
    %div3A_1058 = arith.divf %div3A_1057, %add3A_1055 : vector<16x256xf32>
    %slice3A_1059 = vector.extract_strided_slice %add3A_1036 {offsets = [0, 512], sizes = [16, 256], strides = [1, 1]} : vector<16x1024xf32> to vector<16x256xf32>
    %tanh3A_1060 = math.tanh %slice3A_1059 : vector<16x256xf32>
    %slice3A_1061 = vector.extract_strided_slice %add3A_1036 {offsets = [0, 768], sizes = [16, 256], strides = [1, 1]} : vector<16x1024xf32> to vector<16x256xf32>
    %neg3A_1062 = arith.constant 0.000000e+00 : f32
    %neg3A_1063 = vector.broadcast %neg3A_1062 : f32 to vector<16x256xf32>
    %neg3A_1064 = arith.subf %neg3A_1063, %slice3A_1061 : vector<16x256xf32>
    %exp3A_1065 = math.exp %neg3A_1064 : vector<16x256xf32>
    %add3A_1066 = arith.constant 1.000000e+00 : f32
    %add3A_1067 = vector.broadcast %add3A_1066 : f32 to vector<16x256xf32>
    %add3A_1068 = arith.addf %add3A_1067, %exp3A_1065 : vector<16x256xf32>
    %div3A_1069 = arith.constant 1.000000e+00 : f32
    %div3A_1070 = vector.broadcast %div3A_1069 : f32 to vector<16x256xf32>
    %div3A_1071 = arith.divf %div3A_1070, %add3A_1068 : vector<16x256xf32>
    %mul3A_1072 = arith.mulf %div3A_1058, %select_n3A_949 : vector<16x256xf32>
    %mul3A_1073 = arith.mulf %div3A_1047, %tanh3A_1060 : vector<16x256xf32>
    %add3A_1074 = arith.addf %mul3A_1072, %mul3A_1073 : vector<16x256xf32>
    %tanh3A_1075 = math.tanh %add3A_1074 : vector<16x256xf32>
    %mul3A_1076 = arith.mulf %div3A_1071, %tanh3A_1075 : vector<16x256xf32>
    %jit3A_1077 = arith.constant 0.000000e+00 : f32
    %broadcast_in_dim3A_1078 = vector.shape_cast %gt3A_1030 : vector<16x1xi1> to vector<16x1xi1>
    %broadcast_in_dim3A_1079 = vector.broadcast %broadcast_in_dim3A_1078 : vector<16x1xi1> to vector<16x256xi1>
    %broadcast_in_dim3A_1080 = vector.broadcast %jit3A_1077 : f32 to vector<16x256xf32>
    %select_n3A_1081 = arith.select %broadcast_in_dim3A_1079, %mul3A_1076, %broadcast_in_dim3A_1080 : vector<16x256xi1>, vector<16x256xf32>
    %broadcast_in_dim3A_1082 = vector.shape_cast %gt3A_1030 : vector<16x1xi1> to vector<16x1xi1>
    %broadcast_in_dim3A_1083 = vector.broadcast %broadcast_in_dim3A_1082 : vector<16x1xi1> to vector<16x256xi1>
    %select_n3A_1084 = arith.select %broadcast_in_dim3A_1083, %mul3A_1076, %select_n3A_946 : vector<16x256xi1>, vector<16x256xf32>
    %broadcast_in_dim3A_1085 = vector.shape_cast %gt3A_1030 : vector<16x1xi1> to vector<16x1xi1>
    %broadcast_in_dim3A_1086 = vector.broadcast %broadcast_in_dim3A_1085 : vector<16x1xi1> to vector<16x256xi1>
    %select_n3A_1087 = arith.select %broadcast_in_dim3A_1086, %add3A_1074, %select_n3A_949 : vector<16x256xi1>, vector<16x256xf32>
    %slice3A_1088 = vector.extract_strided_slice %add3A_55 {offsets = [128, 0], sizes = [16, 1024], strides = [1, 1]} : vector<256x1024xf32> to vector<16x1024xf32>
    %gt3A_1089 = vector.broadcast %sub3A_1027 : i32 to vector<16x1xi32>
    %gt3A_1090 = arith.cmpi sgt, %get3A_3, %gt3A_1089 : vector<16x1xi32>
    %get3A_1091 = arith.constant 0 : index
    %get3A_1092 = arith.constant 0 : index
    %get3A_1093 = vector.load %arg11[%get3A_1091, %get3A_1092] : memref<256x1024xf32, #tpu.memory_space<vmem>>, vector<256x1024xf32>
    %dot_general3A_1094 = arith.constant dense<0.000000e+00> : vector<16x1024xf32>
    %dot_general3A_1095 = tpu.matmul %select_n3A_1006, %get3A_1093, %dot_general3A_1094 {dimension_numbers = #tpu.dot_dimension_numbers<[1], [0], [0], [1], [0, 0, 1, 1], [], []>, transpose_lhs_hint = false} : vector<16x256xf32>, vector<256x1024xf32>, vector<16x1024xf32> -> vector<16x1024xf32>
    %add3A_1096 = arith.addf %slice3A_1088, %dot_general3A_1095 : vector<16x1024xf32>
    %slice3A_1097 = vector.extract_strided_slice %add3A_1096 {offsets = [0, 0], sizes = [16, 256], strides = [1, 1]} : vector<16x1024xf32> to vector<16x256xf32>
    %neg3A_1098 = arith.constant 0.000000e+00 : f32
    %neg3A_1099 = vector.broadcast %neg3A_1098 : f32 to vector<16x256xf32>
    %neg3A_1100 = arith.subf %neg3A_1099, %slice3A_1097 : vector<16x256xf32>
    %exp3A_1101 = math.exp %neg3A_1100 : vector<16x256xf32>
    %add3A_1102 = arith.constant 1.000000e+00 : f32
    %add3A_1103 = vector.broadcast %add3A_1102 : f32 to vector<16x256xf32>
    %add3A_1104 = arith.addf %add3A_1103, %exp3A_1101 : vector<16x256xf32>
    %div3A_1105 = arith.constant 1.000000e+00 : f32
    %div3A_1106 = vector.broadcast %div3A_1105 : f32 to vector<16x256xf32>
    %div3A_1107 = arith.divf %div3A_1106, %add3A_1104 : vector<16x256xf32>
    %slice3A_1108 = vector.extract_strided_slice %add3A_1096 {offsets = [0, 256], sizes = [16, 256], strides = [1, 1]} : vector<16x1024xf32> to vector<16x256xf32>
    %neg3A_1109 = arith.constant 0.000000e+00 : f32
    %neg3A_1110 = vector.broadcast %neg3A_1109 : f32 to vector<16x256xf32>
    %neg3A_1111 = arith.subf %neg3A_1110, %slice3A_1108 : vector<16x256xf32>
    %exp3A_1112 = math.exp %neg3A_1111 : vector<16x256xf32>
    %add3A_1113 = arith.constant 1.000000e+00 : f32
    %add3A_1114 = vector.broadcast %add3A_1113 : f32 to vector<16x256xf32>
    %add3A_1115 = arith.addf %add3A_1114, %exp3A_1112 : vector<16x256xf32>
    %div3A_1116 = arith.constant 1.000000e+00 : f32
    %div3A_1117 = vector.broadcast %div3A_1116 : f32 to vector<16x256xf32>
    %div3A_1118 = arith.divf %div3A_1117, %add3A_1115 : vector<16x256xf32>
    %slice3A_1119 = vector.extract_strided_slice %add3A_1096 {offsets = [0, 512], sizes = [16, 256], strides = [1, 1]} : vector<16x1024xf32> to vector<16x256xf32>
    %tanh3A_1120 = math.tanh %slice3A_1119 : vector<16x256xf32>
    %slice3A_1121 = vector.extract_strided_slice %add3A_1096 {offsets = [0, 768], sizes = [16, 256], strides = [1, 1]} : vector<16x1024xf32> to vector<16x256xf32>
    %neg3A_1122 = arith.constant 0.000000e+00 : f32
    %neg3A_1123 = vector.broadcast %neg3A_1122 : f32 to vector<16x256xf32>
    %neg3A_1124 = arith.subf %neg3A_1123, %slice3A_1121 : vector<16x256xf32>
    %exp3A_1125 = math.exp %neg3A_1124 : vector<16x256xf32>
    %add3A_1126 = arith.constant 1.000000e+00 : f32
    %add3A_1127 = vector.broadcast %add3A_1126 : f32 to vector<16x256xf32>
    %add3A_1128 = arith.addf %add3A_1127, %exp3A_1125 : vector<16x256xf32>
    %div3A_1129 = arith.constant 1.000000e+00 : f32
    %div3A_1130 = vector.broadcast %div3A_1129 : f32 to vector<16x256xf32>
    %div3A_1131 = arith.divf %div3A_1130, %add3A_1128 : vector<16x256xf32>
    %mul3A_1132 = arith.mulf %div3A_1118, %select_n3A_1009 : vector<16x256xf32>
    %mul3A_1133 = arith.mulf %div3A_1107, %tanh3A_1120 : vector<16x256xf32>
    %add3A_1134 = arith.addf %mul3A_1132, %mul3A_1133 : vector<16x256xf32>
    %tanh3A_1135 = math.tanh %add3A_1134 : vector<16x256xf32>
    %mul3A_1136 = arith.mulf %div3A_1131, %tanh3A_1135 : vector<16x256xf32>
    %jit3A_1137 = arith.constant 0.000000e+00 : f32
    %broadcast_in_dim3A_1138 = vector.shape_cast %gt3A_1090 : vector<16x1xi1> to vector<16x1xi1>
    %broadcast_in_dim3A_1139 = vector.broadcast %broadcast_in_dim3A_1138 : vector<16x1xi1> to vector<16x256xi1>
    %broadcast_in_dim3A_1140 = vector.broadcast %jit3A_1137 : f32 to vector<16x256xf32>
    %select_n3A_1141 = arith.select %broadcast_in_dim3A_1139, %mul3A_1136, %broadcast_in_dim3A_1140 : vector<16x256xi1>, vector<16x256xf32>
    %broadcast_in_dim3A_1142 = vector.shape_cast %gt3A_1090 : vector<16x1xi1> to vector<16x1xi1>
    %broadcast_in_dim3A_1143 = vector.broadcast %broadcast_in_dim3A_1142 : vector<16x1xi1> to vector<16x256xi1>
    %select_n3A_1144 = arith.select %broadcast_in_dim3A_1143, %mul3A_1136, %select_n3A_1006 : vector<16x256xi1>, vector<16x256xf32>
    %broadcast_in_dim3A_1145 = vector.shape_cast %gt3A_1090 : vector<16x1xi1> to vector<16x1xi1>
    %broadcast_in_dim3A_1146 = vector.broadcast %broadcast_in_dim3A_1145 : vector<16x1xi1> to vector<16x256xi1>
    %select_n3A_1147 = arith.select %broadcast_in_dim3A_1146, %add3A_1134, %select_n3A_1009 : vector<16x256xi1>, vector<16x256xf32>
    %swap3A_1148 = arith.constant 7 : index
    %swap3A_1149 = arith.constant 0 : index
    %swap3A_1150 = arith.constant 0 : index
    %swap3A_1151 = vector.load %arg12[%swap3A_1148, %swap3A_1149, %swap3A_1150] : memref<16x16x256xf32, #tpu.memory_space<vmem>>, vector<1x16x256xf32>
    %swap3A_1152 = vector.shape_cast %swap3A_1151 : vector<1x16x256xf32> to vector<16x256xf32>
    %swap3A_1153 = vector.shape_cast %select_n3A_1081 : vector<16x256xf32> to vector<1x16x256xf32>
    tpu.vector_store %arg12[%swap3A_1148, %swap3A_1149, %swap3A_1150], %swap3A_1153 {strides = array<i32>} : memref<16x16x256xf32, #tpu.memory_space<vmem>>, vector<1x16x256xf32>,
    %swap3A_1154 = arith.constant 8 : index
    %swap3A_1155 = arith.constant 0 : index
    %swap3A_1156 = arith.constant 0 : index
    %swap3A_1157 = vector.load %arg13[%swap3A_1154, %swap3A_1155, %swap3A_1156] : memref<16x16x256xf32, #tpu.memory_space<vmem>>, vector<1x16x256xf32>
    %swap3A_1158 = vector.shape_cast %swap3A_1157 : vector<1x16x256xf32> to vector<16x256xf32>
    %swap3A_1159 = vector.shape_cast %select_n3A_1141 : vector<16x256xf32> to vector<1x16x256xf32>
    tpu.vector_store %arg13[%swap3A_1154, %swap3A_1155, %swap3A_1156], %swap3A_1159 {strides = array<i32>} : memref<16x16x256xf32, #tpu.memory_space<vmem>>, vector<1x16x256xf32>,
    %mul3A_1160 = arith.constant 16 : i32
    %mul3A_1161 = arith.muli %arg0, %mul3A_1160 : i32
    %add3A_1162 = arith.constant 8 : i32
    %add3A_1163 = arith.addi %mul3A_1161, %add3A_1162 : i32
    %sub3A_1164 = arith.constant 511 : i32
    %sub3A_1165 = arith.subi %sub3A_1164, %add3A_1163 : i32
    %slice3A_1166 = vector.extract_strided_slice %add3A_45 {offsets = [128, 0], sizes = [16, 1024], strides = [1, 1]} : vector<256x1024xf32> to vector<16x1024xf32>
    %gt3A_1167 = vector.broadcast %add3A_1163 : i32 to vector<16x1xi32>
    %gt3A_1168 = arith.cmpi sgt, %get3A_3, %gt3A_1167 : vector<16x1xi32>
    %get3A_1169 = arith.constant 0 : index
    %get3A_1170 = arith.constant 0 : index
    %get3A_1171 = vector.load %arg10[%get3A_1169, %get3A_1170] : memref<256x1024xf32, #tpu.memory_space<vmem>>, vector<256x1024xf32>
    %dot_general3A_1172 = arith.constant dense<0.000000e+00> : vector<16x1024xf32>
    %dot_general3A_1173 = tpu.matmul %select_n3A_1084, %get3A_1171, %dot_general3A_1172 {dimension_numbers = #tpu.dot_dimension_numbers<[1], [0], [0], [1], [0, 0, 1, 1], [], []>, transpose_lhs_hint = false} : vector<16x256xf32>, vector<256x1024xf32>, vector<16x1024xf32> -> vector<16x1024xf32>
    %add3A_1174 = arith.addf %slice3A_1166, %dot_general3A_1173 : vector<16x1024xf32>
    %slice3A_1175 = vector.extract_strided_slice %add3A_1174 {offsets = [0, 0], sizes = [16, 256], strides = [1, 1]} : vector<16x1024xf32> to vector<16x256xf32>
    %neg3A_1176 = arith.constant 0.000000e+00 : f32
    %neg3A_1177 = vector.broadcast %neg3A_1176 : f32 to vector<16x256xf32>
    %neg3A_1178 = arith.subf %neg3A_1177, %slice3A_1175 : vector<16x256xf32>
    %exp3A_1179 = math.exp %neg3A_1178 : vector<16x256xf32>
    %add3A_1180 = arith.constant 1.000000e+00 : f32
    %add3A_1181 = vector.broadcast %add3A_1180 : f32 to vector<16x256xf32>
    %add3A_1182 = arith.addf %add3A_1181, %exp3A_1179 : vector<16x256xf32>
    %div3A_1183 = arith.constant 1.000000e+00 : f32
    %div3A_1184 = vector.broadcast %div3A_1183 : f32 to vector<16x256xf32>
    %div3A_1185 = arith.divf %div3A_1184, %add3A_1182 : vector<16x256xf32>
    %slice3A_1186 = vector.extract_strided_slice %add3A_1174 {offsets = [0, 256], sizes = [16, 256], strides = [1, 1]} : vector<16x1024xf32> to vector<16x256xf32>
    %neg3A_1187 = arith.constant 0.000000e+00 : f32
    %neg3A_1188 = vector.broadcast %neg3A_1187 : f32 to vector<16x256xf32>
    %neg3A_1189 = arith.subf %neg3A_1188, %slice3A_1186 : vector<16x256xf32>
    %exp3A_1190 = math.exp %neg3A_1189 : vector<16x256xf32>
    %add3A_1191 = arith.constant 1.000000e+00 : f32
    %add3A_1192 = vector.broadcast %add3A_1191 : f32 to vector<16x256xf32>
    %add3A_1193 = arith.addf %add3A_1192, %exp3A_1190 : vector<16x256xf32>
    %div3A_1194 = arith.constant 1.000000e+00 : f32
    %div3A_1195 = vector.broadcast %div3A_1194 : f32 to vector<16x256xf32>
    %div3A_1196 = arith.divf %div3A_1195, %add3A_1193 : vector<16x256xf32>
    %slice3A_1197 = vector.extract_strided_slice %add3A_1174 {offsets = [0, 512], sizes = [16, 256], strides = [1, 1]} : vector<16x1024xf32> to vector<16x256xf32>
    %tanh3A_1198 = math.tanh %slice3A_1197 : vector<16x256xf32>
    %slice3A_1199 = vector.extract_strided_slice %add3A_1174 {offsets = [0, 768], sizes = [16, 256], strides = [1, 1]} : vector<16x1024xf32> to vector<16x256xf32>
    %neg3A_1200 = arith.constant 0.000000e+00 : f32
    %neg3A_1201 = vector.broadcast %neg3A_1200 : f32 to vector<16x256xf32>
    %neg3A_1202 = arith.subf %neg3A_1201, %slice3A_1199 : vector<16x256xf32>
    %exp3A_1203 = math.exp %neg3A_1202 : vector<16x256xf32>
    %add3A_1204 = arith.constant 1.000000e+00 : f32
    %add3A_1205 = vector.broadcast %add3A_1204 : f32 to vector<16x256xf32>
    %add3A_1206 = arith.addf %add3A_1205, %exp3A_1203 : vector<16x256xf32>
    %div3A_1207 = arith.constant 1.000000e+00 : f32
    %div3A_1208 = vector.broadcast %div3A_1207 : f32 to vector<16x256xf32>
    %div3A_1209 = arith.divf %div3A_1208, %add3A_1206 : vector<16x256xf32>
    %mul3A_1210 = arith.mulf %div3A_1196, %select_n3A_1087 : vector<16x256xf32>
    %mul3A_1211 = arith.mulf %div3A_1185, %tanh3A_1198 : vector<16x256xf32>
    %add3A_1212 = arith.addf %mul3A_1210, %mul3A_1211 : vector<16x256xf32>
    %tanh3A_1213 = math.tanh %add3A_1212 : vector<16x256xf32>
    %mul3A_1214 = arith.mulf %div3A_1209, %tanh3A_1213 : vector<16x256xf32>
    %jit3A_1215 = arith.constant 0.000000e+00 : f32
    %broadcast_in_dim3A_1216 = vector.shape_cast %gt3A_1168 : vector<16x1xi1> to vector<16x1xi1>
    %broadcast_in_dim3A_1217 = vector.broadcast %broadcast_in_dim3A_1216 : vector<16x1xi1> to vector<16x256xi1>
    %broadcast_in_dim3A_1218 = vector.broadcast %jit3A_1215 : f32 to vector<16x256xf32>
    %select_n3A_1219 = arith.select %broadcast_in_dim3A_1217, %mul3A_1214, %broadcast_in_dim3A_1218 : vector<16x256xi1>, vector<16x256xf32>
    %broadcast_in_dim3A_1220 = vector.shape_cast %gt3A_1168 : vector<16x1xi1> to vector<16x1xi1>
    %broadcast_in_dim3A_1221 = vector.broadcast %broadcast_in_dim3A_1220 : vector<16x1xi1> to vector<16x256xi1>
    %select_n3A_1222 = arith.select %broadcast_in_dim3A_1221, %mul3A_1214, %select_n3A_1084 : vector<16x256xi1>, vector<16x256xf32>
    %broadcast_in_dim3A_1223 = vector.shape_cast %gt3A_1168 : vector<16x1xi1> to vector<16x1xi1>
    %broadcast_in_dim3A_1224 = vector.broadcast %broadcast_in_dim3A_1223 : vector<16x1xi1> to vector<16x256xi1>
    %select_n3A_1225 = arith.select %broadcast_in_dim3A_1224, %add3A_1212, %select_n3A_1087 : vector<16x256xi1>, vector<16x256xf32>
    %slice3A_1226 = vector.extract_strided_slice %add3A_55 {offsets = [112, 0], sizes = [16, 1024], strides = [1, 1]} : vector<256x1024xf32> to vector<16x1024xf32>
    %gt3A_1227 = vector.broadcast %sub3A_1165 : i32 to vector<16x1xi32>
    %gt3A_1228 = arith.cmpi sgt, %get3A_3, %gt3A_1227 : vector<16x1xi32>
    %get3A_1229 = arith.constant 0 : index
    %get3A_1230 = arith.constant 0 : index
    %get3A_1231 = vector.load %arg11[%get3A_1229, %get3A_1230] : memref<256x1024xf32, #tpu.memory_space<vmem>>, vector<256x1024xf32>
    %dot_general3A_1232 = arith.constant dense<0.000000e+00> : vector<16x1024xf32>
    %dot_general3A_1233 = tpu.matmul %select_n3A_1144, %get3A_1231, %dot_general3A_1232 {dimension_numbers = #tpu.dot_dimension_numbers<[1], [0], [0], [1], [0, 0, 1, 1], [], []>, transpose_lhs_hint = false} : vector<16x256xf32>, vector<256x1024xf32>, vector<16x1024xf32> -> vector<16x1024xf32>
    %add3A_1234 = arith.addf %slice3A_1226, %dot_general3A_1233 : vector<16x1024xf32>
    %slice3A_1235 = vector.extract_strided_slice %add3A_1234 {offsets = [0, 0], sizes = [16, 256], strides = [1, 1]} : vector<16x1024xf32> to vector<16x256xf32>
    %neg3A_1236 = arith.constant 0.000000e+00 : f32
    %neg3A_1237 = vector.broadcast %neg3A_1236 : f32 to vector<16x256xf32>
    %neg3A_1238 = arith.subf %neg3A_1237, %slice3A_1235 : vector<16x256xf32>
    %exp3A_1239 = math.exp %neg3A_1238 : vector<16x256xf32>
    %add3A_1240 = arith.constant 1.000000e+00 : f32
    %add3A_1241 = vector.broadcast %add3A_1240 : f32 to vector<16x256xf32>
    %add3A_1242 = arith.addf %add3A_1241, %exp3A_1239 : vector<16x256xf32>
    %div3A_1243 = arith.constant 1.000000e+00 : f32
    %div3A_1244 = vector.broadcast %div3A_1243 : f32 to vector<16x256xf32>
    %div3A_1245 = arith.divf %div3A_1244, %add3A_1242 : vector<16x256xf32>
    %slice3A_1246 = vector.extract_strided_slice %add3A_1234 {offsets = [0, 256], sizes = [16, 256], strides = [1, 1]} : vector<16x1024xf32> to vector<16x256xf32>
    %neg3A_1247 = arith.constant 0.000000e+00 : f32
    %neg3A_1248 = vector.broadcast %neg3A_1247 : f32 to vector<16x256xf32>
    %neg3A_1249 = arith.subf %neg3A_1248, %slice3A_1246 : vector<16x256xf32>
    %exp3A_1250 = math.exp %neg3A_1249 : vector<16x256xf32>
    %add3A_1251 = arith.constant 1.000000e+00 : f32
    %add3A_1252 = vector.broadcast %add3A_1251 : f32 to vector<16x256xf32>
    %add3A_1253 = arith.addf %add3A_1252, %exp3A_1250 : vector<16x256xf32>
    %div3A_1254 = arith.constant 1.000000e+00 : f32
    %div3A_1255 = vector.broadcast %div3A_1254 : f32 to vector<16x256xf32>
    %div3A_1256 = arith.divf %div3A_1255, %add3A_1253 : vector<16x256xf32>
    %slice3A_1257 = vector.extract_strided_slice %add3A_1234 {offsets = [0, 512], sizes = [16, 256], strides = [1, 1]} : vector<16x1024xf32> to vector<16x256xf32>
    %tanh3A_1258 = math.tanh %slice3A_1257 : vector<16x256xf32>
    %slice3A_1259 = vector.extract_strided_slice %add3A_1234 {offsets = [0, 768], sizes = [16, 256], strides = [1, 1]} : vector<16x1024xf32> to vector<16x256xf32>
    %neg3A_1260 = arith.constant 0.000000e+00 : f32
    %neg3A_1261 = vector.broadcast %neg3A_1260 : f32 to vector<16x256xf32>
    %neg3A_1262 = arith.subf %neg3A_1261, %slice3A_1259 : vector<16x256xf32>
    %exp3A_1263 = math.exp %neg3A_1262 : vector<16x256xf32>
    %add3A_1264 = arith.constant 1.000000e+00 : f32
    %add3A_1265 = vector.broadcast %add3A_1264 : f32 to vector<16x256xf32>
    %add3A_1266 = arith.addf %add3A_1265, %exp3A_1263 : vector<16x256xf32>
    %div3A_1267 = arith.constant 1.000000e+00 : f32
    %div3A_1268 = vector.broadcast %div3A_1267 : f32 to vector<16x256xf32>
    %div3A_1269 = arith.divf %div3A_1268, %add3A_1266 : vector<16x256xf32>
    %mul3A_1270 = arith.mulf %div3A_1256, %select_n3A_1147 : vector<16x256xf32>
    %mul3A_1271 = arith.mulf %div3A_1245, %tanh3A_1258 : vector<16x256xf32>
    %add3A_1272 = arith.addf %mul3A_1270, %mul3A_1271 : vector<16x256xf32>
    %tanh3A_1273 = math.tanh %add3A_1272 : vector<16x256xf32>
    %mul3A_1274 = arith.mulf %div3A_1269, %tanh3A_1273 : vector<16x256xf32>
    %jit3A_1275 = arith.constant 0.000000e+00 : f32
    %broadcast_in_dim3A_1276 = vector.shape_cast %gt3A_1228 : vector<16x1xi1> to vector<16x1xi1>
    %broadcast_in_dim3A_1277 = vector.broadcast %broadcast_in_dim3A_1276 : vector<16x1xi1> to vector<16x256xi1>
    %broadcast_in_dim3A_1278 = vector.broadcast %jit3A_1275 : f32 to vector<16x256xf32>
    %select_n3A_1279 = arith.select %broadcast_in_dim3A_1277, %mul3A_1274, %broadcast_in_dim3A_1278 : vector<16x256xi1>, vector<16x256xf32>
    %broadcast_in_dim3A_1280 = vector.shape_cast %gt3A_1228 : vector<16x1xi1> to vector<16x1xi1>
    %broadcast_in_dim3A_1281 = vector.broadcast %broadcast_in_dim3A_1280 : vector<16x1xi1> to vector<16x256xi1>
    %select_n3A_1282 = arith.select %broadcast_in_dim3A_1281, %mul3A_1274, %select_n3A_1144 : vector<16x256xi1>, vector<16x256xf32>
    %broadcast_in_dim3A_1283 = vector.shape_cast %gt3A_1228 : vector<16x1xi1> to vector<16x1xi1>
    %broadcast_in_dim3A_1284 = vector.broadcast %broadcast_in_dim3A_1283 : vector<16x1xi1> to vector<16x256xi1>
    %select_n3A_1285 = arith.select %broadcast_in_dim3A_1284, %add3A_1272, %select_n3A_1147 : vector<16x256xi1>, vector<16x256xf32>
    %swap3A_1286 = arith.constant 8 : index
    %swap3A_1287 = arith.constant 0 : index
    %swap3A_1288 = arith.constant 0 : index
    %swap3A_1289 = vector.load %arg12[%swap3A_1286, %swap3A_1287, %swap3A_1288] : memref<16x16x256xf32, #tpu.memory_space<vmem>>, vector<1x16x256xf32>
    %swap3A_1290 = vector.shape_cast %swap3A_1289 : vector<1x16x256xf32> to vector<16x256xf32>
    %swap3A_1291 = vector.shape_cast %select_n3A_1219 : vector<16x256xf32> to vector<1x16x256xf32>
    tpu.vector_store %arg12[%swap3A_1286, %swap3A_1287, %swap3A_1288], %swap3A_1291 {strides = array<i32>} : memref<16x16x256xf32, #tpu.memory_space<vmem>>, vector<1x16x256xf32>,
    %swap3A_1292 = arith.constant 7 : index
    %swap3A_1293 = arith.constant 0 : index
    %swap3A_1294 = arith.constant 0 : index
    %swap3A_1295 = vector.load %arg13[%swap3A_1292, %swap3A_1293, %swap3A_1294] : memref<16x16x256xf32, #tpu.memory_space<vmem>>, vector<1x16x256xf32>
    %swap3A_1296 = vector.shape_cast %swap3A_1295 : vector<1x16x256xf32> to vector<16x256xf32>
    %swap3A_1297 = vector.shape_cast %select_n3A_1279 : vector<16x256xf32> to vector<1x16x256xf32>
    tpu.vector_store %arg13[%swap3A_1292, %swap3A_1293, %swap3A_1294], %swap3A_1297 {strides = array<i32>} : memref<16x16x256xf32, #tpu.memory_space<vmem>>, vector<1x16x256xf32>,
    %mul3A_1298 = arith.constant 16 : i32
    %mul3A_1299 = arith.muli %arg0, %mul3A_1298 : i32
    %add3A_1300 = arith.constant 9 : i32
    %add3A_1301 = arith.addi %mul3A_1299, %add3A_1300 : i32
    %sub3A_1302 = arith.constant 511 : i32
    %sub3A_1303 = arith.subi %sub3A_1302, %add3A_1301 : i32
    %slice3A_1304 = vector.extract_strided_slice %add3A_45 {offsets = [144, 0], sizes = [16, 1024], strides = [1, 1]} : vector<256x1024xf32> to vector<16x1024xf32>
    %gt3A_1305 = vector.broadcast %add3A_1301 : i32 to vector<16x1xi32>
    %gt3A_1306 = arith.cmpi sgt, %get3A_3, %gt3A_1305 : vector<16x1xi32>
    %get3A_1307 = arith.constant 0 : index
    %get3A_1308 = arith.constant 0 : index
    %get3A_1309 = vector.load %arg10[%get3A_1307, %get3A_1308] : memref<256x1024xf32, #tpu.memory_space<vmem>>, vector<256x1024xf32>
    %dot_general3A_1310 = arith.constant dense<0.000000e+00> : vector<16x1024xf32>
    %dot_general3A_1311 = tpu.matmul %select_n3A_1222, %get3A_1309, %dot_general3A_1310 {dimension_numbers = #tpu.dot_dimension_numbers<[1], [0], [0], [1], [0, 0, 1, 1], [], []>, transpose_lhs_hint = false} : vector<16x256xf32>, vector<256x1024xf32>, vector<16x1024xf32> -> vector<16x1024xf32>
    %add3A_1312 = arith.addf %slice3A_1304, %dot_general3A_1311 : vector<16x1024xf32>
    %slice3A_1313 = vector.extract_strided_slice %add3A_1312 {offsets = [0, 0], sizes = [16, 256], strides = [1, 1]} : vector<16x1024xf32> to vector<16x256xf32>
    %neg3A_1314 = arith.constant 0.000000e+00 : f32
    %neg3A_1315 = vector.broadcast %neg3A_1314 : f32 to vector<16x256xf32>
    %neg3A_1316 = arith.subf %neg3A_1315, %slice3A_1313 : vector<16x256xf32>
    %exp3A_1317 = math.exp %neg3A_1316 : vector<16x256xf32>
    %add3A_1318 = arith.constant 1.000000e+00 : f32
    %add3A_1319 = vector.broadcast %add3A_1318 : f32 to vector<16x256xf32>
    %add3A_1320 = arith.addf %add3A_1319, %exp3A_1317 : vector<16x256xf32>
    %div3A_1321 = arith.constant 1.000000e+00 : f32
    %div3A_1322 = vector.broadcast %div3A_1321 : f32 to vector<16x256xf32>
    %div3A_1323 = arith.divf %div3A_1322, %add3A_1320 : vector<16x256xf32>
    %slice3A_1324 = vector.extract_strided_slice %add3A_1312 {offsets = [0, 256], sizes = [16, 256], strides = [1, 1]} : vector<16x1024xf32> to vector<16x256xf32>
    %neg3A_1325 = arith.constant 0.000000e+00 : f32
    %neg3A_1326 = vector.broadcast %neg3A_1325 : f32 to vector<16x256xf32>
    %neg3A_1327 = arith.subf %neg3A_1326, %slice3A_1324 : vector<16x256xf32>
    %exp3A_1328 = math.exp %neg3A_1327 : vector<16x256xf32>
    %add3A_1329 = arith.constant 1.000000e+00 : f32
    %add3A_1330 = vector.broadcast %add3A_1329 : f32 to vector<16x256xf32>
    %add3A_1331 = arith.addf %add3A_1330, %exp3A_1328 : vector<16x256xf32>
    %div3A_1332 = arith.constant 1.000000e+00 : f32
    %div3A_1333 = vector.broadcast %div3A_1332 : f32 to vector<16x256xf32>
    %div3A_1334 = arith.divf %div3A_1333, %add3A_1331 : vector<16x256xf32>
    %slice3A_1335 = vector.extract_strided_slice %add3A_1312 {offsets = [0, 512], sizes = [16, 256], strides = [1, 1]} : vector<16x1024xf32> to vector<16x256xf32>
    %tanh3A_1336 = math.tanh %slice3A_1335 : vector<16x256xf32>
    %slice3A_1337 = vector.extract_strided_slice %add3A_1312 {offsets = [0, 768], sizes = [16, 256], strides = [1, 1]} : vector<16x1024xf32> to vector<16x256xf32>
    %neg3A_1338 = arith.constant 0.000000e+00 : f32
    %neg3A_1339 = vector.broadcast %neg3A_1338 : f32 to vector<16x256xf32>
    %neg3A_1340 = arith.subf %neg3A_1339, %slice3A_1337 : vector<16x256xf32>
    %exp3A_1341 = math.exp %neg3A_1340 : vector<16x256xf32>
    %add3A_1342 = arith.constant 1.000000e+00 : f32
    %add3A_1343 = vector.broadcast %add3A_1342 : f32 to vector<16x256xf32>
    %add3A_1344 = arith.addf %add3A_1343, %exp3A_1341 : vector<16x256xf32>
    %div3A_1345 = arith.constant 1.000000e+00 : f32
    %div3A_1346 = vector.broadcast %div3A_1345 : f32 to vector<16x256xf32>
    %div3A_1347 = arith.divf %div3A_1346, %add3A_1344 : vector<16x256xf32>
    %mul3A_1348 = arith.mulf %div3A_1334, %select_n3A_1225 : vector<16x256xf32>
    %mul3A_1349 = arith.mulf %div3A_1323, %tanh3A_1336 : vector<16x256xf32>
    %add3A_1350 = arith.addf %mul3A_1348, %mul3A_1349 : vector<16x256xf32>
    %tanh3A_1351 = math.tanh %add3A_1350 : vector<16x256xf32>
    %mul3A_1352 = arith.mulf %div3A_1347, %tanh3A_1351 : vector<16x256xf32>
    %jit3A_1353 = arith.constant 0.000000e+00 : f32
    %broadcast_in_dim3A_1354 = vector.shape_cast %gt3A_1306 : vector<16x1xi1> to vector<16x1xi1>
    %broadcast_in_dim3A_1355 = vector.broadcast %broadcast_in_dim3A_1354 : vector<16x1xi1> to vector<16x256xi1>
    %broadcast_in_dim3A_1356 = vector.broadcast %jit3A_1353 : f32 to vector<16x256xf32>
    %select_n3A_1357 = arith.select %broadcast_in_dim3A_1355, %mul3A_1352, %broadcast_in_dim3A_1356 : vector<16x256xi1>, vector<16x256xf32>
    %broadcast_in_dim3A_1358 = vector.shape_cast %gt3A_1306 : vector<16x1xi1> to vector<16x1xi1>
    %broadcast_in_dim3A_1359 = vector.broadcast %broadcast_in_dim3A_1358 : vector<16x1xi1> to vector<16x256xi1>
    %select_n3A_1360 = arith.select %broadcast_in_dim3A_1359, %mul3A_1352, %select_n3A_1222 : vector<16x256xi1>, vector<16x256xf32>
    %broadcast_in_dim3A_1361 = vector.shape_cast %gt3A_1306 : vector<16x1xi1> to vector<16x1xi1>
    %broadcast_in_dim3A_1362 = vector.broadcast %broadcast_in_dim3A_1361 : vector<16x1xi1> to vector<16x256xi1>
    %select_n3A_1363 = arith.select %broadcast_in_dim3A_1362, %add3A_1350, %select_n3A_1225 : vector<16x256xi1>, vector<16x256xf32>
    %slice3A_1364 = vector.extract_strided_slice %add3A_55 {offsets = [96, 0], sizes = [16, 1024], strides = [1, 1]} : vector<256x1024xf32> to vector<16x1024xf32>
    %gt3A_1365 = vector.broadcast %sub3A_1303 : i32 to vector<16x1xi32>
    %gt3A_1366 = arith.cmpi sgt, %get3A_3, %gt3A_1365 : vector<16x1xi32>
    %get3A_1367 = arith.constant 0 : index
    %get3A_1368 = arith.constant 0 : index
    %get3A_1369 = vector.load %arg11[%get3A_1367, %get3A_1368] : memref<256x1024xf32, #tpu.memory_space<vmem>>, vector<256x1024xf32>
    %dot_general3A_1370 = arith.constant dense<0.000000e+00> : vector<16x1024xf32>
    %dot_general3A_1371 = tpu.matmul %select_n3A_1282, %get3A_1369, %dot_general3A_1370 {dimension_numbers = #tpu.dot_dimension_numbers<[1], [0], [0], [1], [0, 0, 1, 1], [], []>, transpose_lhs_hint = false} : vector<16x256xf32>, vector<256x1024xf32>, vector<16x1024xf32> -> vector<16x1024xf32>
    %add3A_1372 = arith.addf %slice3A_1364, %dot_general3A_1371 : vector<16x1024xf32>
    %slice3A_1373 = vector.extract_strided_slice %add3A_1372 {offsets = [0, 0], sizes = [16, 256], strides = [1, 1]} : vector<16x1024xf32> to vector<16x256xf32>
    %neg3A_1374 = arith.constant 0.000000e+00 : f32
    %neg3A_1375 = vector.broadcast %neg3A_1374 : f32 to vector<16x256xf32>
    %neg3A_1376 = arith.subf %neg3A_1375, %slice3A_1373 : vector<16x256xf32>
    %exp3A_1377 = math.exp %neg3A_1376 : vector<16x256xf32>
    %add3A_1378 = arith.constant 1.000000e+00 : f32
    %add3A_1379 = vector.broadcast %add3A_1378 : f32 to vector<16x256xf32>
    %add3A_1380 = arith.addf %add3A_1379, %exp3A_1377 : vector<16x256xf32>
    %div3A_1381 = arith.constant 1.000000e+00 : f32
    %div3A_1382 = vector.broadcast %div3A_1381 : f32 to vector<16x256xf32>
    %div3A_1383 = arith.divf %div3A_1382, %add3A_1380 : vector<16x256xf32>
    %slice3A_1384 = vector.extract_strided_slice %add3A_1372 {offsets = [0, 256], sizes = [16, 256], strides = [1, 1]} : vector<16x1024xf32> to vector<16x256xf32>
    %neg3A_1385 = arith.constant 0.000000e+00 : f32
    %neg3A_1386 = vector.broadcast %neg3A_1385 : f32 to vector<16x256xf32>
    %neg3A_1387 = arith.subf %neg3A_1386, %slice3A_1384 : vector<16x256xf32>
    %exp3A_1388 = math.exp %neg3A_1387 : vector<16x256xf32>
    %add3A_1389 = arith.constant 1.000000e+00 : f32
    %add3A_1390 = vector.broadcast %add3A_1389 : f32 to vector<16x256xf32>
    %add3A_1391 = arith.addf %add3A_1390, %exp3A_1388 : vector<16x256xf32>
    %div3A_1392 = arith.constant 1.000000e+00 : f32
    %div3A_1393 = vector.broadcast %div3A_1392 : f32 to vector<16x256xf32>
    %div3A_1394 = arith.divf %div3A_1393, %add3A_1391 : vector<16x256xf32>
    %slice3A_1395 = vector.extract_strided_slice %add3A_1372 {offsets = [0, 512], sizes = [16, 256], strides = [1, 1]} : vector<16x1024xf32> to vector<16x256xf32>
    %tanh3A_1396 = math.tanh %slice3A_1395 : vector<16x256xf32>
    %slice3A_1397 = vector.extract_strided_slice %add3A_1372 {offsets = [0, 768], sizes = [16, 256], strides = [1, 1]} : vector<16x1024xf32> to vector<16x256xf32>
    %neg3A_1398 = arith.constant 0.000000e+00 : f32
    %neg3A_1399 = vector.broadcast %neg3A_1398 : f32 to vector<16x256xf32>
    %neg3A_1400 = arith.subf %neg3A_1399, %slice3A_1397 : vector<16x256xf32>
    %exp3A_1401 = math.exp %neg3A_1400 : vector<16x256xf32>
    %add3A_1402 = arith.constant 1.000000e+00 : f32
    %add3A_1403 = vector.broadcast %add3A_1402 : f32 to vector<16x256xf32>
    %add3A_1404 = arith.addf %add3A_1403, %exp3A_1401 : vector<16x256xf32>
    %div3A_1405 = arith.constant 1.000000e+00 : f32
    %div3A_1406 = vector.broadcast %div3A_1405 : f32 to vector<16x256xf32>
    %div3A_1407 = arith.divf %div3A_1406, %add3A_1404 : vector<16x256xf32>
    %mul3A_1408 = arith.mulf %div3A_1394, %select_n3A_1285 : vector<16x256xf32>
    %mul3A_1409 = arith.mulf %div3A_1383, %tanh3A_1396 : vector<16x256xf32>
    %add3A_1410 = arith.addf %mul3A_1408, %mul3A_1409 : vector<16x256xf32>
    %tanh3A_1411 = math.tanh %add3A_1410 : vector<16x256xf32>
    %mul3A_1412 = arith.mulf %div3A_1407, %tanh3A_1411 : vector<16x256xf32>
    %jit3A_1413 = arith.constant 0.000000e+00 : f32
    %broadcast_in_dim3A_1414 = vector.shape_cast %gt3A_1366 : vector<16x1xi1> to vector<16x1xi1>
    %broadcast_in_dim3A_1415 = vector.broadcast %broadcast_in_dim3A_1414 : vector<16x1xi1> to vector<16x256xi1>
    %broadcast_in_dim3A_1416 = vector.broadcast %jit3A_1413 : f32 to vector<16x256xf32>
    %select_n3A_1417 = arith.select %broadcast_in_dim3A_1415, %mul3A_1412, %broadcast_in_dim3A_1416 : vector<16x256xi1>, vector<16x256xf32>
    %broadcast_in_dim3A_1418 = vector.shape_cast %gt3A_1366 : vector<16x1xi1> to vector<16x1xi1>
    %broadcast_in_dim3A_1419 = vector.broadcast %broadcast_in_dim3A_1418 : vector<16x1xi1> to vector<16x256xi1>
    %select_n3A_1420 = arith.select %broadcast_in_dim3A_1419, %mul3A_1412, %select_n3A_1282 : vector<16x256xi1>, vector<16x256xf32>
    %broadcast_in_dim3A_1421 = vector.shape_cast %gt3A_1366 : vector<16x1xi1> to vector<16x1xi1>
    %broadcast_in_dim3A_1422 = vector.broadcast %broadcast_in_dim3A_1421 : vector<16x1xi1> to vector<16x256xi1>
    %select_n3A_1423 = arith.select %broadcast_in_dim3A_1422, %add3A_1410, %select_n3A_1285 : vector<16x256xi1>, vector<16x256xf32>
    %swap3A_1424 = arith.constant 9 : index
    %swap3A_1425 = arith.constant 0 : index
    %swap3A_1426 = arith.constant 0 : index
    %swap3A_1427 = vector.load %arg12[%swap3A_1424, %swap3A_1425, %swap3A_1426] : memref<16x16x256xf32, #tpu.memory_space<vmem>>, vector<1x16x256xf32>
    %swap3A_1428 = vector.shape_cast %swap3A_1427 : vector<1x16x256xf32> to vector<16x256xf32>
    %swap3A_1429 = vector.shape_cast %select_n3A_1357 : vector<16x256xf32> to vector<1x16x256xf32>
    tpu.vector_store %arg12[%swap3A_1424, %swap3A_1425, %swap3A_1426], %swap3A_1429 {strides = array<i32>} : memref<16x16x256xf32, #tpu.memory_space<vmem>>, vector<1x16x256xf32>,
    %swap3A_1430 = arith.constant 6 : index
    %swap3A_1431 = arith.constant 0 : index
    %swap3A_1432 = arith.constant 0 : index
    %swap3A_1433 = vector.load %arg13[%swap3A_1430, %swap3A_1431, %swap3A_1432] : memref<16x16x256xf32, #tpu.memory_space<vmem>>, vector<1x16x256xf32>
    %swap3A_1434 = vector.shape_cast %swap3A_1433 : vector<1x16x256xf32> to vector<16x256xf32>
    %swap3A_1435 = vector.shape_cast %select_n3A_1417 : vector<16x256xf32> to vector<1x16x256xf32>
    tpu.vector_store %arg13[%swap3A_1430, %swap3A_1431, %swap3A_1432], %swap3A_1435 {strides = array<i32>} : memref<16x16x256xf32, #tpu.memory_space<vmem>>, vector<1x16x256xf32>,
    %mul3A_1436 = arith.constant 16 : i32
    %mul3A_1437 = arith.muli %arg0, %mul3A_1436 : i32
    %add3A_1438 = arith.constant 10 : i32
    %add3A_1439 = arith.addi %mul3A_1437, %add3A_1438 : i32
    %sub3A_1440 = arith.constant 511 : i32
    %sub3A_1441 = arith.subi %sub3A_1440, %add3A_1439 : i32
    %slice3A_1442 = vector.extract_strided_slice %add3A_45 {offsets = [160, 0], sizes = [16, 1024], strides = [1, 1]} : vector<256x1024xf32> to vector<16x1024xf32>
    %gt3A_1443 = vector.broadcast %add3A_1439 : i32 to vector<16x1xi32>
    %gt3A_1444 = arith.cmpi sgt, %get3A_3, %gt3A_1443 : vector<16x1xi32>
    %get3A_1445 = arith.constant 0 : index
    %get3A_1446 = arith.constant 0 : index
    %get3A_1447 = vector.load %arg10[%get3A_1445, %get3A_1446] : memref<256x1024xf32, #tpu.memory_space<vmem>>, vector<256x1024xf32>
    %dot_general3A_1448 = arith.constant dense<0.000000e+00> : vector<16x1024xf32>
    %dot_general3A_1449 = tpu.matmul %select_n3A_1360, %get3A_1447, %dot_general3A_1448 {dimension_numbers = #tpu.dot_dimension_numbers<[1], [0], [0], [1], [0, 0, 1, 1], [], []>, transpose_lhs_hint = false} : vector<16x256xf32>, vector<256x1024xf32>, vector<16x1024xf32> -> vector<16x1024xf32>
    %add3A_1450 = arith.addf %slice3A_1442, %dot_general3A_1449 : vector<16x1024xf32>
    %slice3A_1451 = vector.extract_strided_slice %add3A_1450 {offsets = [0, 0], sizes = [16, 256], strides = [1, 1]} : vector<16x1024xf32> to vector<16x256xf32>
    %neg3A_1452 = arith.constant 0.000000e+00 : f32
    %neg3A_1453 = vector.broadcast %neg3A_1452 : f32 to vector<16x256xf32>
    %neg3A_1454 = arith.subf %neg3A_1453, %slice3A_1451 : vector<16x256xf32>
    %exp3A_1455 = math.exp %neg3A_1454 : vector<16x256xf32>
    %add3A_1456 = arith.constant 1.000000e+00 : f32
    %add3A_1457 = vector.broadcast %add3A_1456 : f32 to vector<16x256xf32>
    %add3A_1458 = arith.addf %add3A_1457, %exp3A_1455 : vector<16x256xf32>
    %div3A_1459 = arith.constant 1.000000e+00 : f32
    %div3A_1460 = vector.broadcast %div3A_1459 : f32 to vector<16x256xf32>
    %div3A_1461 = arith.divf %div3A_1460, %add3A_1458 : vector<16x256xf32>
    %slice3A_1462 = vector.extract_strided_slice %add3A_1450 {offsets = [0, 256], sizes = [16, 256], strides = [1, 1]} : vector<16x1024xf32> to vector<16x256xf32>
    %neg3A_1463 = arith.constant 0.000000e+00 : f32
    %neg3A_1464 = vector.broadcast %neg3A_1463 : f32 to vector<16x256xf32>
    %neg3A_1465 = arith.subf %neg3A_1464, %slice3A_1462 : vector<16x256xf32>
    %exp3A_1466 = math.exp %neg3A_1465 : vector<16x256xf32>
    %add3A_1467 = arith.constant 1.000000e+00 : f32
    %add3A_1468 = vector.broadcast %add3A_1467 : f32 to vector<16x256xf32>
    %add3A_1469 = arith.addf %add3A_1468, %exp3A_1466 : vector<16x256xf32>
    %div3A_1470 = arith.constant 1.000000e+00 : f32
    %div3A_1471 = vector.broadcast %div3A_1470 : f32 to vector<16x256xf32>
    %div3A_1472 = arith.divf %div3A_1471, %add3A_1469 : vector<16x256xf32>
    %slice3A_1473 = vector.extract_strided_slice %add3A_1450 {offsets = [0, 512], sizes = [16, 256], strides = [1, 1]} : vector<16x1024xf32> to vector<16x256xf32>
    %tanh3A_1474 = math.tanh %slice3A_1473 : vector<16x256xf32>
    %slice3A_1475 = vector.extract_strided_slice %add3A_1450 {offsets = [0, 768], sizes = [16, 256], strides = [1, 1]} : vector<16x1024xf32> to vector<16x256xf32>
    %neg3A_1476 = arith.constant 0.000000e+00 : f32
    %neg3A_1477 = vector.broadcast %neg3A_1476 : f32 to vector<16x256xf32>
    %neg3A_1478 = arith.subf %neg3A_1477, %slice3A_1475 : vector<16x256xf32>
    %exp3A_1479 = math.exp %neg3A_1478 : vector<16x256xf32>
    %add3A_1480 = arith.constant 1.000000e+00 : f32
    %add3A_1481 = vector.broadcast %add3A_1480 : f32 to vector<16x256xf32>
    %add3A_1482 = arith.addf %add3A_1481, %exp3A_1479 : vector<16x256xf32>
    %div3A_1483 = arith.constant 1.000000e+00 : f32
    %div3A_1484 = vector.broadcast %div3A_1483 : f32 to vector<16x256xf32>
    %div3A_1485 = arith.divf %div3A_1484, %add3A_1482 : vector<16x256xf32>
    %mul3A_1486 = arith.mulf %div3A_1472, %select_n3A_1363 : vector<16x256xf32>
    %mul3A_1487 = arith.mulf %div3A_1461, %tanh3A_1474 : vector<16x256xf32>
    %add3A_1488 = arith.addf %mul3A_1486, %mul3A_1487 : vector<16x256xf32>
    %tanh3A_1489 = math.tanh %add3A_1488 : vector<16x256xf32>
    %mul3A_1490 = arith.mulf %div3A_1485, %tanh3A_1489 : vector<16x256xf32>
    %jit3A_1491 = arith.constant 0.000000e+00 : f32
    %broadcast_in_dim3A_1492 = vector.shape_cast %gt3A_1444 : vector<16x1xi1> to vector<16x1xi1>
    %broadcast_in_dim3A_1493 = vector.broadcast %broadcast_in_dim3A_1492 : vector<16x1xi1> to vector<16x256xi1>
    %broadcast_in_dim3A_1494 = vector.broadcast %jit3A_1491 : f32 to vector<16x256xf32>
    %select_n3A_1495 = arith.select %broadcast_in_dim3A_1493, %mul3A_1490, %broadcast_in_dim3A_1494 : vector<16x256xi1>, vector<16x256xf32>
    %broadcast_in_dim3A_1496 = vector.shape_cast %gt3A_1444 : vector<16x1xi1> to vector<16x1xi1>
    %broadcast_in_dim3A_1497 = vector.broadcast %broadcast_in_dim3A_1496 : vector<16x1xi1> to vector<16x256xi1>
    %select_n3A_1498 = arith.select %broadcast_in_dim3A_1497, %mul3A_1490, %select_n3A_1360 : vector<16x256xi1>, vector<16x256xf32>
    %broadcast_in_dim3A_1499 = vector.shape_cast %gt3A_1444 : vector<16x1xi1> to vector<16x1xi1>
    %broadcast_in_dim3A_1500 = vector.broadcast %broadcast_in_dim3A_1499 : vector<16x1xi1> to vector<16x256xi1>
    %select_n3A_1501 = arith.select %broadcast_in_dim3A_1500, %add3A_1488, %select_n3A_1363 : vector<16x256xi1>, vector<16x256xf32>
    %slice3A_1502 = vector.extract_strided_slice %add3A_55 {offsets = [80, 0], sizes = [16, 1024], strides = [1, 1]} : vector<256x1024xf32> to vector<16x1024xf32>
    %gt3A_1503 = vector.broadcast %sub3A_1441 : i32 to vector<16x1xi32>
    %gt3A_1504 = arith.cmpi sgt, %get3A_3, %gt3A_1503 : vector<16x1xi32>
    %get3A_1505 = arith.constant 0 : index
    %get3A_1506 = arith.constant 0 : index
    %get3A_1507 = vector.load %arg11[%get3A_1505, %get3A_1506] : memref<256x1024xf32, #tpu.memory_space<vmem>>, vector<256x1024xf32>
    %dot_general3A_1508 = arith.constant dense<0.000000e+00> : vector<16x1024xf32>
    %dot_general3A_1509 = tpu.matmul %select_n3A_1420, %get3A_1507, %dot_general3A_1508 {dimension_numbers = #tpu.dot_dimension_numbers<[1], [0], [0], [1], [0, 0, 1, 1], [], []>, transpose_lhs_hint = false} : vector<16x256xf32>, vector<256x1024xf32>, vector<16x1024xf32> -> vector<16x1024xf32>
    %add3A_1510 = arith.addf %slice3A_1502, %dot_general3A_1509 : vector<16x1024xf32>
    %slice3A_1511 = vector.extract_strided_slice %add3A_1510 {offsets = [0, 0], sizes = [16, 256], strides = [1, 1]} : vector<16x1024xf32> to vector<16x256xf32>
    %neg3A_1512 = arith.constant 0.000000e+00 : f32
    %neg3A_1513 = vector.broadcast %neg3A_1512 : f32 to vector<16x256xf32>
    %neg3A_1514 = arith.subf %neg3A_1513, %slice3A_1511 : vector<16x256xf32>
    %exp3A_1515 = math.exp %neg3A_1514 : vector<16x256xf32>
    %add3A_1516 = arith.constant 1.000000e+00 : f32
    %add3A_1517 = vector.broadcast %add3A_1516 : f32 to vector<16x256xf32>
    %add3A_1518 = arith.addf %add3A_1517, %exp3A_1515 : vector<16x256xf32>
    %div3A_1519 = arith.constant 1.000000e+00 : f32
    %div3A_1520 = vector.broadcast %div3A_1519 : f32 to vector<16x256xf32>
    %div3A_1521 = arith.divf %div3A_1520, %add3A_1518 : vector<16x256xf32>
    %slice3A_1522 = vector.extract_strided_slice %add3A_1510 {offsets = [0, 256], sizes = [16, 256], strides = [1, 1]} : vector<16x1024xf32> to vector<16x256xf32>
    %neg3A_1523 = arith.constant 0.000000e+00 : f32
    %neg3A_1524 = vector.broadcast %neg3A_1523 : f32 to vector<16x256xf32>
    %neg3A_1525 = arith.subf %neg3A_1524, %slice3A_1522 : vector<16x256xf32>
    %exp3A_1526 = math.exp %neg3A_1525 : vector<16x256xf32>
    %add3A_1527 = arith.constant 1.000000e+00 : f32
    %add3A_1528 = vector.broadcast %add3A_1527 : f32 to vector<16x256xf32>
    %add3A_1529 = arith.addf %add3A_1528, %exp3A_1526 : vector<16x256xf32>
    %div3A_1530 = arith.constant 1.000000e+00 : f32
    %div3A_1531 = vector.broadcast %div3A_1530 : f32 to vector<16x256xf32>
    %div3A_1532 = arith.divf %div3A_1531, %add3A_1529 : vector<16x256xf32>
    %slice3A_1533 = vector.extract_strided_slice %add3A_1510 {offsets = [0, 512], sizes = [16, 256], strides = [1, 1]} : vector<16x1024xf32> to vector<16x256xf32>
    %tanh3A_1534 = math.tanh %slice3A_1533 : vector<16x256xf32>
    %slice3A_1535 = vector.extract_strided_slice %add3A_1510 {offsets = [0, 768], sizes = [16, 256], strides = [1, 1]} : vector<16x1024xf32> to vector<16x256xf32>
    %neg3A_1536 = arith.constant 0.000000e+00 : f32
    %neg3A_1537 = vector.broadcast %neg3A_1536 : f32 to vector<16x256xf32>
    %neg3A_1538 = arith.subf %neg3A_1537, %slice3A_1535 : vector<16x256xf32>
    %exp3A_1539 = math.exp %neg3A_1538 : vector<16x256xf32>
    %add3A_1540 = arith.constant 1.000000e+00 : f32
    %add3A_1541 = vector.broadcast %add3A_1540 : f32 to vector<16x256xf32>
    %add3A_1542 = arith.addf %add3A_1541, %exp3A_1539 : vector<16x256xf32>
    %div3A_1543 = arith.constant 1.000000e+00 : f32
    %div3A_1544 = vector.broadcast %div3A_1543 : f32 to vector<16x256xf32>
    %div3A_1545 = arith.divf %div3A_1544, %add3A_1542 : vector<16x256xf32>
    %mul3A_1546 = arith.mulf %div3A_1532, %select_n3A_1423 : vector<16x256xf32>
    %mul3A_1547 = arith.mulf %div3A_1521, %tanh3A_1534 : vector<16x256xf32>
    %add3A_1548 = arith.addf %mul3A_1546, %mul3A_1547 : vector<16x256xf32>
    %tanh3A_1549 = math.tanh %add3A_1548 : vector<16x256xf32>
    %mul3A_1550 = arith.mulf %div3A_1545, %tanh3A_1549 : vector<16x256xf32>
    %jit3A_1551 = arith.constant 0.000000e+00 : f32
    %broadcast_in_dim3A_1552 = vector.shape_cast %gt3A_1504 : vector<16x1xi1> to vector<16x1xi1>
    %broadcast_in_dim3A_1553 = vector.broadcast %broadcast_in_dim3A_1552 : vector<16x1xi1> to vector<16x256xi1>
    %broadcast_in_dim3A_1554 = vector.broadcast %jit3A_1551 : f32 to vector<16x256xf32>
    %select_n3A_1555 = arith.select %broadcast_in_dim3A_1553, %mul3A_1550, %broadcast_in_dim3A_1554 : vector<16x256xi1>, vector<16x256xf32>
    %broadcast_in_dim3A_1556 = vector.shape_cast %gt3A_1504 : vector<16x1xi1> to vector<16x1xi1>
    %broadcast_in_dim3A_1557 = vector.broadcast %broadcast_in_dim3A_1556 : vector<16x1xi1> to vector<16x256xi1>
    %select_n3A_1558 = arith.select %broadcast_in_dim3A_1557, %mul3A_1550, %select_n3A_1420 : vector<16x256xi1>, vector<16x256xf32>
    %broadcast_in_dim3A_1559 = vector.shape_cast %gt3A_1504 : vector<16x1xi1> to vector<16x1xi1>
    %broadcast_in_dim3A_1560 = vector.broadcast %broadcast_in_dim3A_1559 : vector<16x1xi1> to vector<16x256xi1>
    %select_n3A_1561 = arith.select %broadcast_in_dim3A_1560, %add3A_1548, %select_n3A_1423 : vector<16x256xi1>, vector<16x256xf32>
    %swap3A_1562 = arith.constant 10 : index
    %swap3A_1563 = arith.constant 0 : index
    %swap3A_1564 = arith.constant 0 : index
    %swap3A_1565 = vector.load %arg12[%swap3A_1562, %swap3A_1563, %swap3A_1564] : memref<16x16x256xf32, #tpu.memory_space<vmem>>, vector<1x16x256xf32>
    %swap3A_1566 = vector.shape_cast %swap3A_1565 : vector<1x16x256xf32> to vector<16x256xf32>
    %swap3A_1567 = vector.shape_cast %select_n3A_1495 : vector<16x256xf32> to vector<1x16x256xf32>
    tpu.vector_store %arg12[%swap3A_1562, %swap3A_1563, %swap3A_1564], %swap3A_1567 {strides = array<i32>} : memref<16x16x256xf32, #tpu.memory_space<vmem>>, vector<1x16x256xf32>,
    %swap3A_1568 = arith.constant 5 : index
    %swap3A_1569 = arith.constant 0 : index
    %swap3A_1570 = arith.constant 0 : index
    %swap3A_1571 = vector.load %arg13[%swap3A_1568, %swap3A_1569, %swap3A_1570] : memref<16x16x256xf32, #tpu.memory_space<vmem>>, vector<1x16x256xf32>
    %swap3A_1572 = vector.shape_cast %swap3A_1571 : vector<1x16x256xf32> to vector<16x256xf32>
    %swap3A_1573 = vector.shape_cast %select_n3A_1555 : vector<16x256xf32> to vector<1x16x256xf32>
    tpu.vector_store %arg13[%swap3A_1568, %swap3A_1569, %swap3A_1570], %swap3A_1573 {strides = array<i32>} : memref<16x16x256xf32, #tpu.memory_space<vmem>>, vector<1x16x256xf32>,
    %mul3A_1574 = arith.constant 16 : i32
    %mul3A_1575 = arith.muli %arg0, %mul3A_1574 : i32
    %add3A_1576 = arith.constant 11 : i32
    %add3A_1577 = arith.addi %mul3A_1575, %add3A_1576 : i32
    %sub3A_1578 = arith.constant 511 : i32
    %sub3A_1579 = arith.subi %sub3A_1578, %add3A_1577 : i32
    %slice3A_1580 = vector.extract_strided_slice %add3A_45 {offsets = [176, 0], sizes = [16, 1024], strides = [1, 1]} : vector<256x1024xf32> to vector<16x1024xf32>
    %gt3A_1581 = vector.broadcast %add3A_1577 : i32 to vector<16x1xi32>
    %gt3A_1582 = arith.cmpi sgt, %get3A_3, %gt3A_1581 : vector<16x1xi32>
    %get3A_1583 = arith.constant 0 : index
    %get3A_1584 = arith.constant 0 : index
    %get3A_1585 = vector.load %arg10[%get3A_1583, %get3A_1584] : memref<256x1024xf32, #tpu.memory_space<vmem>>, vector<256x1024xf32>
    %dot_general3A_1586 = arith.constant dense<0.000000e+00> : vector<16x1024xf32>
    %dot_general3A_1587 = tpu.matmul %select_n3A_1498, %get3A_1585, %dot_general3A_1586 {dimension_numbers = #tpu.dot_dimension_numbers<[1], [0], [0], [1], [0, 0, 1, 1], [], []>, transpose_lhs_hint = false} : vector<16x256xf32>, vector<256x1024xf32>, vector<16x1024xf32> -> vector<16x1024xf32>
    %add3A_1588 = arith.addf %slice3A_1580, %dot_general3A_1587 : vector<16x1024xf32>
    %slice3A_1589 = vector.extract_strided_slice %add3A_1588 {offsets = [0, 0], sizes = [16, 256], strides = [1, 1]} : vector<16x1024xf32> to vector<16x256xf32>
    %neg3A_1590 = arith.constant 0.000000e+00 : f32
    %neg3A_1591 = vector.broadcast %neg3A_1590 : f32 to vector<16x256xf32>
    %neg3A_1592 = arith.subf %neg3A_1591, %slice3A_1589 : vector<16x256xf32>
    %exp3A_1593 = math.exp %neg3A_1592 : vector<16x256xf32>
    %add3A_1594 = arith.constant 1.000000e+00 : f32
    %add3A_1595 = vector.broadcast %add3A_1594 : f32 to vector<16x256xf32>
    %add3A_1596 = arith.addf %add3A_1595, %exp3A_1593 : vector<16x256xf32>
    %div3A_1597 = arith.constant 1.000000e+00 : f32
    %div3A_1598 = vector.broadcast %div3A_1597 : f32 to vector<16x256xf32>
    %div3A_1599 = arith.divf %div3A_1598, %add3A_1596 : vector<16x256xf32>
    %slice3A_1600 = vector.extract_strided_slice %add3A_1588 {offsets = [0, 256], sizes = [16, 256], strides = [1, 1]} : vector<16x1024xf32> to vector<16x256xf32>
    %neg3A_1601 = arith.constant 0.000000e+00 : f32
    %neg3A_1602 = vector.broadcast %neg3A_1601 : f32 to vector<16x256xf32>
    %neg3A_1603 = arith.subf %neg3A_1602, %slice3A_1600 : vector<16x256xf32>
    %exp3A_1604 = math.exp %neg3A_1603 : vector<16x256xf32>
    %add3A_1605 = arith.constant 1.000000e+00 : f32
    %add3A_1606 = vector.broadcast %add3A_1605 : f32 to vector<16x256xf32>
    %add3A_1607 = arith.addf %add3A_1606, %exp3A_1604 : vector<16x256xf32>
    %div3A_1608 = arith.constant 1.000000e+00 : f32
    %div3A_1609 = vector.broadcast %div3A_1608 : f32 to vector<16x256xf32>
    %div3A_1610 = arith.divf %div3A_1609, %add3A_1607 : vector<16x256xf32>
    %slice3A_1611 = vector.extract_strided_slice %add3A_1588 {offsets = [0, 512], sizes = [16, 256], strides = [1, 1]} : vector<16x1024xf32> to vector<16x256xf32>
    %tanh3A_1612 = math.tanh %slice3A_1611 : vector<16x256xf32>
    %slice3A_1613 = vector.extract_strided_slice %add3A_1588 {offsets = [0, 768], sizes = [16, 256], strides = [1, 1]} : vector<16x1024xf32> to vector<16x256xf32>
    %neg3A_1614 = arith.constant 0.000000e+00 : f32
    %neg3A_1615 = vector.broadcast %neg3A_1614 : f32 to vector<16x256xf32>
    %neg3A_1616 = arith.subf %neg3A_1615, %slice3A_1613 : vector<16x256xf32>
    %exp3A_1617 = math.exp %neg3A_1616 : vector<16x256xf32>
    %add3A_1618 = arith.constant 1.000000e+00 : f32
    %add3A_1619 = vector.broadcast %add3A_1618 : f32 to vector<16x256xf32>
    %add3A_1620 = arith.addf %add3A_1619, %exp3A_1617 : vector<16x256xf32>
    %div3A_1621 = arith.constant 1.000000e+00 : f32
    %div3A_1622 = vector.broadcast %div3A_1621 : f32 to vector<16x256xf32>
    %div3A_1623 = arith.divf %div3A_1622, %add3A_1620 : vector<16x256xf32>
    %mul3A_1624 = arith.mulf %div3A_1610, %select_n3A_1501 : vector<16x256xf32>
    %mul3A_1625 = arith.mulf %div3A_1599, %tanh3A_1612 : vector<16x256xf32>
    %add3A_1626 = arith.addf %mul3A_1624, %mul3A_1625 : vector<16x256xf32>
    %tanh3A_1627 = math.tanh %add3A_1626 : vector<16x256xf32>
    %mul3A_1628 = arith.mulf %div3A_1623, %tanh3A_1627 : vector<16x256xf32>
    %jit3A_1629 = arith.constant 0.000000e+00 : f32
    %broadcast_in_dim3A_1630 = vector.shape_cast %gt3A_1582 : vector<16x1xi1> to vector<16x1xi1>
    %broadcast_in_dim3A_1631 = vector.broadcast %broadcast_in_dim3A_1630 : vector<16x1xi1> to vector<16x256xi1>
    %broadcast_in_dim3A_1632 = vector.broadcast %jit3A_1629 : f32 to vector<16x256xf32>
    %select_n3A_1633 = arith.select %broadcast_in_dim3A_1631, %mul3A_1628, %broadcast_in_dim3A_1632 : vector<16x256xi1>, vector<16x256xf32>
    %broadcast_in_dim3A_1634 = vector.shape_cast %gt3A_1582 : vector<16x1xi1> to vector<16x1xi1>
    %broadcast_in_dim3A_1635 = vector.broadcast %broadcast_in_dim3A_1634 : vector<16x1xi1> to vector<16x256xi1>
    %select_n3A_1636 = arith.select %broadcast_in_dim3A_1635, %mul3A_1628, %select_n3A_1498 : vector<16x256xi1>, vector<16x256xf32>
    %broadcast_in_dim3A_1637 = vector.shape_cast %gt3A_1582 : vector<16x1xi1> to vector<16x1xi1>
    %broadcast_in_dim3A_1638 = vector.broadcast %broadcast_in_dim3A_1637 : vector<16x1xi1> to vector<16x256xi1>
    %select_n3A_1639 = arith.select %broadcast_in_dim3A_1638, %add3A_1626, %select_n3A_1501 : vector<16x256xi1>, vector<16x256xf32>
    %slice3A_1640 = vector.extract_strided_slice %add3A_55 {offsets = [64, 0], sizes = [16, 1024], strides = [1, 1]} : vector<256x1024xf32> to vector<16x1024xf32>
    %gt3A_1641 = vector.broadcast %sub3A_1579 : i32 to vector<16x1xi32>
    %gt3A_1642 = arith.cmpi sgt, %get3A_3, %gt3A_1641 : vector<16x1xi32>
    %get3A_1643 = arith.constant 0 : index
    %get3A_1644 = arith.constant 0 : index
    %get3A_1645 = vector.load %arg11[%get3A_1643, %get3A_1644] : memref<256x1024xf32, #tpu.memory_space<vmem>>, vector<256x1024xf32>
    %dot_general3A_1646 = arith.constant dense<0.000000e+00> : vector<16x1024xf32>
    %dot_general3A_1647 = tpu.matmul %select_n3A_1558, %get3A_1645, %dot_general3A_1646 {dimension_numbers = #tpu.dot_dimension_numbers<[1], [0], [0], [1], [0, 0, 1, 1], [], []>, transpose_lhs_hint = false} : vector<16x256xf32>, vector<256x1024xf32>, vector<16x1024xf32> -> vector<16x1024xf32>
    %add3A_1648 = arith.addf %slice3A_1640, %dot_general3A_1647 : vector<16x1024xf32>
    %slice3A_1649 = vector.extract_strided_slice %add3A_1648 {offsets = [0, 0], sizes = [16, 256], strides = [1, 1]} : vector<16x1024xf32> to vector<16x256xf32>
    %neg3A_1650 = arith.constant 0.000000e+00 : f32
    %neg3A_1651 = vector.broadcast %neg3A_1650 : f32 to vector<16x256xf32>
    %neg3A_1652 = arith.subf %neg3A_1651, %slice3A_1649 : vector<16x256xf32>
    %exp3A_1653 = math.exp %neg3A_1652 : vector<16x256xf32>
    %add3A_1654 = arith.constant 1.000000e+00 : f32
    %add3A_1655 = vector.broadcast %add3A_1654 : f32 to vector<16x256xf32>
    %add3A_1656 = arith.addf %add3A_1655, %exp3A_1653 : vector<16x256xf32>
    %div3A_1657 = arith.constant 1.000000e+00 : f32
    %div3A_1658 = vector.broadcast %div3A_1657 : f32 to vector<16x256xf32>
    %div3A_1659 = arith.divf %div3A_1658, %add3A_1656 : vector<16x256xf32>
    %slice3A_1660 = vector.extract_strided_slice %add3A_1648 {offsets = [0, 256], sizes = [16, 256], strides = [1, 1]} : vector<16x1024xf32> to vector<16x256xf32>
    %neg3A_1661 = arith.constant 0.000000e+00 : f32
    %neg3A_1662 = vector.broadcast %neg3A_1661 : f32 to vector<16x256xf32>
    %neg3A_1663 = arith.subf %neg3A_1662, %slice3A_1660 : vector<16x256xf32>
    %exp3A_1664 = math.exp %neg3A_1663 : vector<16x256xf32>
    %add3A_1665 = arith.constant 1.000000e+00 : f32
    %add3A_1666 = vector.broadcast %add3A_1665 : f32 to vector<16x256xf32>
    %add3A_1667 = arith.addf %add3A_1666, %exp3A_1664 : vector<16x256xf32>
    %div3A_1668 = arith.constant 1.000000e+00 : f32
    %div3A_1669 = vector.broadcast %div3A_1668 : f32 to vector<16x256xf32>
    %div3A_1670 = arith.divf %div3A_1669, %add3A_1667 : vector<16x256xf32>
    %slice3A_1671 = vector.extract_strided_slice %add3A_1648 {offsets = [0, 512], sizes = [16, 256], strides = [1, 1]} : vector<16x1024xf32> to vector<16x256xf32>
    %tanh3A_1672 = math.tanh %slice3A_1671 : vector<16x256xf32>
    %slice3A_1673 = vector.extract_strided_slice %add3A_1648 {offsets = [0, 768], sizes = [16, 256], strides = [1, 1]} : vector<16x1024xf32> to vector<16x256xf32>
    %neg3A_1674 = arith.constant 0.000000e+00 : f32
    %neg3A_1675 = vector.broadcast %neg3A_1674 : f32 to vector<16x256xf32>
    %neg3A_1676 = arith.subf %neg3A_1675, %slice3A_1673 : vector<16x256xf32>
    %exp3A_1677 = math.exp %neg3A_1676 : vector<16x256xf32>
    %add3A_1678 = arith.constant 1.000000e+00 : f32
    %add3A_1679 = vector.broadcast %add3A_1678 : f32 to vector<16x256xf32>
    %add3A_1680 = arith.addf %add3A_1679, %exp3A_1677 : vector<16x256xf32>
    %div3A_1681 = arith.constant 1.000000e+00 : f32
    %div3A_1682 = vector.broadcast %div3A_1681 : f32 to vector<16x256xf32>
    %div3A_1683 = arith.divf %div3A_1682, %add3A_1680 : vector<16x256xf32>
    %mul3A_1684 = arith.mulf %div3A_1670, %select_n3A_1561 : vector<16x256xf32>
    %mul3A_1685 = arith.mulf %div3A_1659, %tanh3A_1672 : vector<16x256xf32>
    %add3A_1686 = arith.addf %mul3A_1684, %mul3A_1685 : vector<16x256xf32>
    %tanh3A_1687 = math.tanh %add3A_1686 : vector<16x256xf32>
    %mul3A_1688 = arith.mulf %div3A_1683, %tanh3A_1687 : vector<16x256xf32>
    %jit3A_1689 = arith.constant 0.000000e+00 : f32
    %broadcast_in_dim3A_1690 = vector.shape_cast %gt3A_1642 : vector<16x1xi1> to vector<16x1xi1>
    %broadcast_in_dim3A_1691 = vector.broadcast %broadcast_in_dim3A_1690 : vector<16x1xi1> to vector<16x256xi1>
    %broadcast_in_dim3A_1692 = vector.broadcast %jit3A_1689 : f32 to vector<16x256xf32>
    %select_n3A_1693 = arith.select %broadcast_in_dim3A_1691, %mul3A_1688, %broadcast_in_dim3A_1692 : vector<16x256xi1>, vector<16x256xf32>
    %broadcast_in_dim3A_1694 = vector.shape_cast %gt3A_1642 : vector<16x1xi1> to vector<16x1xi1>
    %broadcast_in_dim3A_1695 = vector.broadcast %broadcast_in_dim3A_1694 : vector<16x1xi1> to vector<16x256xi1>
    %select_n3A_1696 = arith.select %broadcast_in_dim3A_1695, %mul3A_1688, %select_n3A_1558 : vector<16x256xi1>, vector<16x256xf32>
    %broadcast_in_dim3A_1697 = vector.shape_cast %gt3A_1642 : vector<16x1xi1> to vector<16x1xi1>
    %broadcast_in_dim3A_1698 = vector.broadcast %broadcast_in_dim3A_1697 : vector<16x1xi1> to vector<16x256xi1>
    %select_n3A_1699 = arith.select %broadcast_in_dim3A_1698, %add3A_1686, %select_n3A_1561 : vector<16x256xi1>, vector<16x256xf32>
    %swap3A_1700 = arith.constant 11 : index
    %swap3A_1701 = arith.constant 0 : index
    %swap3A_1702 = arith.constant 0 : index
    %swap3A_1703 = vector.load %arg12[%swap3A_1700, %swap3A_1701, %swap3A_1702] : memref<16x16x256xf32, #tpu.memory_space<vmem>>, vector<1x16x256xf32>
    %swap3A_1704 = vector.shape_cast %swap3A_1703 : vector<1x16x256xf32> to vector<16x256xf32>
    %swap3A_1705 = vector.shape_cast %select_n3A_1633 : vector<16x256xf32> to vector<1x16x256xf32>
    tpu.vector_store %arg12[%swap3A_1700, %swap3A_1701, %swap3A_1702], %swap3A_1705 {strides = array<i32>} : memref<16x16x256xf32, #tpu.memory_space<vmem>>, vector<1x16x256xf32>,
    %swap3A_1706 = arith.constant 4 : index
    %swap3A_1707 = arith.constant 0 : index
    %swap3A_1708 = arith.constant 0 : index
    %swap3A_1709 = vector.load %arg13[%swap3A_1706, %swap3A_1707, %swap3A_1708] : memref<16x16x256xf32, #tpu.memory_space<vmem>>, vector<1x16x256xf32>
    %swap3A_1710 = vector.shape_cast %swap3A_1709 : vector<1x16x256xf32> to vector<16x256xf32>
    %swap3A_1711 = vector.shape_cast %select_n3A_1693 : vector<16x256xf32> to vector<1x16x256xf32>
    tpu.vector_store %arg13[%swap3A_1706, %swap3A_1707, %swap3A_1708], %swap3A_1711 {strides = array<i32>} : memref<16x16x256xf32, #tpu.memory_space<vmem>>, vector<1x16x256xf32>,
    %mul3A_1712 = arith.constant 16 : i32
    %mul3A_1713 = arith.muli %arg0, %mul3A_1712 : i32
    %add3A_1714 = arith.constant 12 : i32
    %add3A_1715 = arith.addi %mul3A_1713, %add3A_1714 : i32
    %sub3A_1716 = arith.constant 511 : i32
    %sub3A_1717 = arith.subi %sub3A_1716, %add3A_1715 : i32
    %slice3A_1718 = vector.extract_strided_slice %add3A_45 {offsets = [192, 0], sizes = [16, 1024], strides = [1, 1]} : vector<256x1024xf32> to vector<16x1024xf32>
    %gt3A_1719 = vector.broadcast %add3A_1715 : i32 to vector<16x1xi32>
    %gt3A_1720 = arith.cmpi sgt, %get3A_3, %gt3A_1719 : vector<16x1xi32>
    %get3A_1721 = arith.constant 0 : index
    %get3A_1722 = arith.constant 0 : index
    %get3A_1723 = vector.load %arg10[%get3A_1721, %get3A_1722] : memref<256x1024xf32, #tpu.memory_space<vmem>>, vector<256x1024xf32>
    %dot_general3A_1724 = arith.constant dense<0.000000e+00> : vector<16x1024xf32>
    %dot_general3A_1725 = tpu.matmul %select_n3A_1636, %get3A_1723, %dot_general3A_1724 {dimension_numbers = #tpu.dot_dimension_numbers<[1], [0], [0], [1], [0, 0, 1, 1], [], []>, transpose_lhs_hint = false} : vector<16x256xf32>, vector<256x1024xf32>, vector<16x1024xf32> -> vector<16x1024xf32>
    %add3A_1726 = arith.addf %slice3A_1718, %dot_general3A_1725 : vector<16x1024xf32>
    %slice3A_1727 = vector.extract_strided_slice %add3A_1726 {offsets = [0, 0], sizes = [16, 256], strides = [1, 1]} : vector<16x1024xf32> to vector<16x256xf32>
    %neg3A_1728 = arith.constant 0.000000e+00 : f32
    %neg3A_1729 = vector.broadcast %neg3A_1728 : f32 to vector<16x256xf32>
    %neg3A_1730 = arith.subf %neg3A_1729, %slice3A_1727 : vector<16x256xf32>
    %exp3A_1731 = math.exp %neg3A_1730 : vector<16x256xf32>
    %add3A_1732 = arith.constant 1.000000e+00 : f32
    %add3A_1733 = vector.broadcast %add3A_1732 : f32 to vector<16x256xf32>
    %add3A_1734 = arith.addf %add3A_1733, %exp3A_1731 : vector<16x256xf32>
    %div3A_1735 = arith.constant 1.000000e+00 : f32
    %div3A_1736 = vector.broadcast %div3A_1735 : f32 to vector<16x256xf32>
    %div3A_1737 = arith.divf %div3A_1736, %add3A_1734 : vector<16x256xf32>
    %slice3A_1738 = vector.extract_strided_slice %add3A_1726 {offsets = [0, 256], sizes = [16, 256], strides = [1, 1]} : vector<16x1024xf32> to vector<16x256xf32>
    %neg3A_1739 = arith.constant 0.000000e+00 : f32
    %neg3A_1740 = vector.broadcast %neg3A_1739 : f32 to vector<16x256xf32>
    %neg3A_1741 = arith.subf %neg3A_1740, %slice3A_1738 : vector<16x256xf32>
    %exp3A_1742 = math.exp %neg3A_1741 : vector<16x256xf32>
    %add3A_1743 = arith.constant 1.000000e+00 : f32
    %add3A_1744 = vector.broadcast %add3A_1743 : f32 to vector<16x256xf32>
    %add3A_1745 = arith.addf %add3A_1744, %exp3A_1742 : vector<16x256xf32>
    %div3A_1746 = arith.constant 1.000000e+00 : f32
    %div3A_1747 = vector.broadcast %div3A_1746 : f32 to vector<16x256xf32>
    %div3A_1748 = arith.divf %div3A_1747, %add3A_1745 : vector<16x256xf32>
    %slice3A_1749 = vector.extract_strided_slice %add3A_1726 {offsets = [0, 512], sizes = [16, 256], strides = [1, 1]} : vector<16x1024xf32> to vector<16x256xf32>
    %tanh3A_1750 = math.tanh %slice3A_1749 : vector<16x256xf32>
    %slice3A_1751 = vector.extract_strided_slice %add3A_1726 {offsets = [0, 768], sizes = [16, 256], strides = [1, 1]} : vector<16x1024xf32> to vector<16x256xf32>
    %neg3A_1752 = arith.constant 0.000000e+00 : f32
    %neg3A_1753 = vector.broadcast %neg3A_1752 : f32 to vector<16x256xf32>
    %neg3A_1754 = arith.subf %neg3A_1753, %slice3A_1751 : vector<16x256xf32>
    %exp3A_1755 = math.exp %neg3A_1754 : vector<16x256xf32>
    %add3A_1756 = arith.constant 1.000000e+00 : f32
    %add3A_1757 = vector.broadcast %add3A_1756 : f32 to vector<16x256xf32>
    %add3A_1758 = arith.addf %add3A_1757, %exp3A_1755 : vector<16x256xf32>
    %div3A_1759 = arith.constant 1.000000e+00 : f32
    %div3A_1760 = vector.broadcast %div3A_1759 : f32 to vector<16x256xf32>
    %div3A_1761 = arith.divf %div3A_1760, %add3A_1758 : vector<16x256xf32>
    %mul3A_1762 = arith.mulf %div3A_1748, %select_n3A_1639 : vector<16x256xf32>
    %mul3A_1763 = arith.mulf %div3A_1737, %tanh3A_1750 : vector<16x256xf32>
    %add3A_1764 = arith.addf %mul3A_1762, %mul3A_1763 : vector<16x256xf32>
    %tanh3A_1765 = math.tanh %add3A_1764 : vector<16x256xf32>
    %mul3A_1766 = arith.mulf %div3A_1761, %tanh3A_1765 : vector<16x256xf32>
    %jit3A_1767 = arith.constant 0.000000e+00 : f32
    %broadcast_in_dim3A_1768 = vector.shape_cast %gt3A_1720 : vector<16x1xi1> to vector<16x1xi1>
    %broadcast_in_dim3A_1769 = vector.broadcast %broadcast_in_dim3A_1768 : vector<16x1xi1> to vector<16x256xi1>
    %broadcast_in_dim3A_1770 = vector.broadcast %jit3A_1767 : f32 to vector<16x256xf32>
    %select_n3A_1771 = arith.select %broadcast_in_dim3A_1769, %mul3A_1766, %broadcast_in_dim3A_1770 : vector<16x256xi1>, vector<16x256xf32>
    %broadcast_in_dim3A_1772 = vector.shape_cast %gt3A_1720 : vector<16x1xi1> to vector<16x1xi1>
    %broadcast_in_dim3A_1773 = vector.broadcast %broadcast_in_dim3A_1772 : vector<16x1xi1> to vector<16x256xi1>
    %select_n3A_1774 = arith.select %broadcast_in_dim3A_1773, %mul3A_1766, %select_n3A_1636 : vector<16x256xi1>, vector<16x256xf32>
    %broadcast_in_dim3A_1775 = vector.shape_cast %gt3A_1720 : vector<16x1xi1> to vector<16x1xi1>
    %broadcast_in_dim3A_1776 = vector.broadcast %broadcast_in_dim3A_1775 : vector<16x1xi1> to vector<16x256xi1>
    %select_n3A_1777 = arith.select %broadcast_in_dim3A_1776, %add3A_1764, %select_n3A_1639 : vector<16x256xi1>, vector<16x256xf32>
    %slice3A_1778 = vector.extract_strided_slice %add3A_55 {offsets = [48, 0], sizes = [16, 1024], strides = [1, 1]} : vector<256x1024xf32> to vector<16x1024xf32>
    %gt3A_1779 = vector.broadcast %sub3A_1717 : i32 to vector<16x1xi32>
    %gt3A_1780 = arith.cmpi sgt, %get3A_3, %gt3A_1779 : vector<16x1xi32>
    %get3A_1781 = arith.constant 0 : index
    %get3A_1782 = arith.constant 0 : index
    %get3A_1783 = vector.load %arg11[%get3A_1781, %get3A_1782] : memref<256x1024xf32, #tpu.memory_space<vmem>>, vector<256x1024xf32>
    %dot_general3A_1784 = arith.constant dense<0.000000e+00> : vector<16x1024xf32>
    %dot_general3A_1785 = tpu.matmul %select_n3A_1696, %get3A_1783, %dot_general3A_1784 {dimension_numbers = #tpu.dot_dimension_numbers<[1], [0], [0], [1], [0, 0, 1, 1], [], []>, transpose_lhs_hint = false} : vector<16x256xf32>, vector<256x1024xf32>, vector<16x1024xf32> -> vector<16x1024xf32>
    %add3A_1786 = arith.addf %slice3A_1778, %dot_general3A_1785 : vector<16x1024xf32>
    %slice3A_1787 = vector.extract_strided_slice %add3A_1786 {offsets = [0, 0], sizes = [16, 256], strides = [1, 1]} : vector<16x1024xf32> to vector<16x256xf32>
    %neg3A_1788 = arith.constant 0.000000e+00 : f32
    %neg3A_1789 = vector.broadcast %neg3A_1788 : f32 to vector<16x256xf32>
    %neg3A_1790 = arith.subf %neg3A_1789, %slice3A_1787 : vector<16x256xf32>
    %exp3A_1791 = math.exp %neg3A_1790 : vector<16x256xf32>
    %add3A_1792 = arith.constant 1.000000e+00 : f32
    %add3A_1793 = vector.broadcast %add3A_1792 : f32 to vector<16x256xf32>
    %add3A_1794 = arith.addf %add3A_1793, %exp3A_1791 : vector<16x256xf32>
    %div3A_1795 = arith.constant 1.000000e+00 : f32
    %div3A_1796 = vector.broadcast %div3A_1795 : f32 to vector<16x256xf32>
    %div3A_1797 = arith.divf %div3A_1796, %add3A_1794 : vector<16x256xf32>
    %slice3A_1798 = vector.extract_strided_slice %add3A_1786 {offsets = [0, 256], sizes = [16, 256], strides = [1, 1]} : vector<16x1024xf32> to vector<16x256xf32>
    %neg3A_1799 = arith.constant 0.000000e+00 : f32
    %neg3A_1800 = vector.broadcast %neg3A_1799 : f32 to vector<16x256xf32>
    %neg3A_1801 = arith.subf %neg3A_1800, %slice3A_1798 : vector<16x256xf32>
    %exp3A_1802 = math.exp %neg3A_1801 : vector<16x256xf32>
    %add3A_1803 = arith.constant 1.000000e+00 : f32
    %add3A_1804 = vector.broadcast %add3A_1803 : f32 to vector<16x256xf32>
    %add3A_1805 = arith.addf %add3A_1804, %exp3A_1802 : vector<16x256xf32>
    %div3A_1806 = arith.constant 1.000000e+00 : f32
    %div3A_1807 = vector.broadcast %div3A_1806 : f32 to vector<16x256xf32>
    %div3A_1808 = arith.divf %div3A_1807, %add3A_1805 : vector<16x256xf32>
    %slice3A_1809 = vector.extract_strided_slice %add3A_1786 {offsets = [0, 512], sizes = [16, 256], strides = [1, 1]} : vector<16x1024xf32> to vector<16x256xf32>
    %tanh3A_1810 = math.tanh %slice3A_1809 : vector<16x256xf32>
    %slice3A_1811 = vector.extract_strided_slice %add3A_1786 {offsets = [0, 768], sizes = [16, 256], strides = [1, 1]} : vector<16x1024xf32> to vector<16x256xf32>
    %neg3A_1812 = arith.constant 0.000000e+00 : f32
    %neg3A_1813 = vector.broadcast %neg3A_1812 : f32 to vector<16x256xf32>
    %neg3A_1814 = arith.subf %neg3A_1813, %slice3A_1811 : vector<16x256xf32>
    %exp3A_1815 = math.exp %neg3A_1814 : vector<16x256xf32>
    %add3A_1816 = arith.constant 1.000000e+00 : f32
    %add3A_1817 = vector.broadcast %add3A_1816 : f32 to vector<16x256xf32>
    %add3A_1818 = arith.addf %add3A_1817, %exp3A_1815 : vector<16x256xf32>
    %div3A_1819 = arith.constant 1.000000e+00 : f32
    %div3A_1820 = vector.broadcast %div3A_1819 : f32 to vector<16x256xf32>
    %div3A_1821 = arith.divf %div3A_1820, %add3A_1818 : vector<16x256xf32>
    %mul3A_1822 = arith.mulf %div3A_1808, %select_n3A_1699 : vector<16x256xf32>
    %mul3A_1823 = arith.mulf %div3A_1797, %tanh3A_1810 : vector<16x256xf32>
    %add3A_1824 = arith.addf %mul3A_1822, %mul3A_1823 : vector<16x256xf32>
    %tanh3A_1825 = math.tanh %add3A_1824 : vector<16x256xf32>
    %mul3A_1826 = arith.mulf %div3A_1821, %tanh3A_1825 : vector<16x256xf32>
    %jit3A_1827 = arith.constant 0.000000e+00 : f32
    %broadcast_in_dim3A_1828 = vector.shape_cast %gt3A_1780 : vector<16x1xi1> to vector<16x1xi1>
    %broadcast_in_dim3A_1829 = vector.broadcast %broadcast_in_dim3A_1828 : vector<16x1xi1> to vector<16x256xi1>
    %broadcast_in_dim3A_1830 = vector.broadcast %jit3A_1827 : f32 to vector<16x256xf32>
    %select_n3A_1831 = arith.select %broadcast_in_dim3A_1829, %mul3A_1826, %broadcast_in_dim3A_1830 : vector<16x256xi1>, vector<16x256xf32>
    %broadcast_in_dim3A_1832 = vector.shape_cast %gt3A_1780 : vector<16x1xi1> to vector<16x1xi1>
    %broadcast_in_dim3A_1833 = vector.broadcast %broadcast_in_dim3A_1832 : vector<16x1xi1> to vector<16x256xi1>
    %select_n3A_1834 = arith.select %broadcast_in_dim3A_1833, %mul3A_1826, %select_n3A_1696 : vector<16x256xi1>, vector<16x256xf32>
    %broadcast_in_dim3A_1835 = vector.shape_cast %gt3A_1780 : vector<16x1xi1> to vector<16x1xi1>
    %broadcast_in_dim3A_1836 = vector.broadcast %broadcast_in_dim3A_1835 : vector<16x1xi1> to vector<16x256xi1>
    %select_n3A_1837 = arith.select %broadcast_in_dim3A_1836, %add3A_1824, %select_n3A_1699 : vector<16x256xi1>, vector<16x256xf32>
    %swap3A_1838 = arith.constant 12 : index
    %swap3A_1839 = arith.constant 0 : index
    %swap3A_1840 = arith.constant 0 : index
    %swap3A_1841 = vector.load %arg12[%swap3A_1838, %swap3A_1839, %swap3A_1840] : memref<16x16x256xf32, #tpu.memory_space<vmem>>, vector<1x16x256xf32>
    %swap3A_1842 = vector.shape_cast %swap3A_1841 : vector<1x16x256xf32> to vector<16x256xf32>
    %swap3A_1843 = vector.shape_cast %select_n3A_1771 : vector<16x256xf32> to vector<1x16x256xf32>
    tpu.vector_store %arg12[%swap3A_1838, %swap3A_1839, %swap3A_1840], %swap3A_1843 {strides = array<i32>} : memref<16x16x256xf32, #tpu.memory_space<vmem>>, vector<1x16x256xf32>,
    %swap3A_1844 = arith.constant 3 : index
    %swap3A_1845 = arith.constant 0 : index
    %swap3A_1846 = arith.constant 0 : index
    %swap3A_1847 = vector.load %arg13[%swap3A_1844, %swap3A_1845, %swap3A_1846] : memref<16x16x256xf32, #tpu.memory_space<vmem>>, vector<1x16x256xf32>
    %swap3A_1848 = vector.shape_cast %swap3A_1847 : vector<1x16x256xf32> to vector<16x256xf32>
    %swap3A_1849 = vector.shape_cast %select_n3A_1831 : vector<16x256xf32> to vector<1x16x256xf32>
    tpu.vector_store %arg13[%swap3A_1844, %swap3A_1845, %swap3A_1846], %swap3A_1849 {strides = array<i32>} : memref<16x16x256xf32, #tpu.memory_space<vmem>>, vector<1x16x256xf32>,
    %mul3A_1850 = arith.constant 16 : i32
    %mul3A_1851 = arith.muli %arg0, %mul3A_1850 : i32
    %add3A_1852 = arith.constant 13 : i32
    %add3A_1853 = arith.addi %mul3A_1851, %add3A_1852 : i32
    %sub3A_1854 = arith.constant 511 : i32
    %sub3A_1855 = arith.subi %sub3A_1854, %add3A_1853 : i32
    %slice3A_1856 = vector.extract_strided_slice %add3A_45 {offsets = [208, 0], sizes = [16, 1024], strides = [1, 1]} : vector<256x1024xf32> to vector<16x1024xf32>
    %gt3A_1857 = vector.broadcast %add3A_1853 : i32 to vector<16x1xi32>
    %gt3A_1858 = arith.cmpi sgt, %get3A_3, %gt3A_1857 : vector<16x1xi32>
    %get3A_1859 = arith.constant 0 : index
    %get3A_1860 = arith.constant 0 : index
    %get3A_1861 = vector.load %arg10[%get3A_1859, %get3A_1860] : memref<256x1024xf32, #tpu.memory_space<vmem>>, vector<256x1024xf32>
    %dot_general3A_1862 = arith.constant dense<0.000000e+00> : vector<16x1024xf32>
    %dot_general3A_1863 = tpu.matmul %select_n3A_1774, %get3A_1861, %dot_general3A_1862 {dimension_numbers = #tpu.dot_dimension_numbers<[1], [0], [0], [1], [0, 0, 1, 1], [], []>, transpose_lhs_hint = false} : vector<16x256xf32>, vector<256x1024xf32>, vector<16x1024xf32> -> vector<16x1024xf32>
    %add3A_1864 = arith.addf %slice3A_1856, %dot_general3A_1863 : vector<16x1024xf32>
    %slice3A_1865 = vector.extract_strided_slice %add3A_1864 {offsets = [0, 0], sizes = [16, 256], strides = [1, 1]} : vector<16x1024xf32> to vector<16x256xf32>
    %neg3A_1866 = arith.constant 0.000000e+00 : f32
    %neg3A_1867 = vector.broadcast %neg3A_1866 : f32 to vector<16x256xf32>
    %neg3A_1868 = arith.subf %neg3A_1867, %slice3A_1865 : vector<16x256xf32>
    %exp3A_1869 = math.exp %neg3A_1868 : vector<16x256xf32>
    %add3A_1870 = arith.constant 1.000000e+00 : f32
    %add3A_1871 = vector.broadcast %add3A_1870 : f32 to vector<16x256xf32>
    %add3A_1872 = arith.addf %add3A_1871, %exp3A_1869 : vector<16x256xf32>
    %div3A_1873 = arith.constant 1.000000e+00 : f32
    %div3A_1874 = vector.broadcast %div3A_1873 : f32 to vector<16x256xf32>
    %div3A_1875 = arith.divf %div3A_1874, %add3A_1872 : vector<16x256xf32>
    %slice3A_1876 = vector.extract_strided_slice %add3A_1864 {offsets = [0, 256], sizes = [16, 256], strides = [1, 1]} : vector<16x1024xf32> to vector<16x256xf32>
    %neg3A_1877 = arith.constant 0.000000e+00 : f32
    %neg3A_1878 = vector.broadcast %neg3A_1877 : f32 to vector<16x256xf32>
    %neg3A_1879 = arith.subf %neg3A_1878, %slice3A_1876 : vector<16x256xf32>
    %exp3A_1880 = math.exp %neg3A_1879 : vector<16x256xf32>
    %add3A_1881 = arith.constant 1.000000e+00 : f32
    %add3A_1882 = vector.broadcast %add3A_1881 : f32 to vector<16x256xf32>
    %add3A_1883 = arith.addf %add3A_1882, %exp3A_1880 : vector<16x256xf32>
    %div3A_1884 = arith.constant 1.000000e+00 : f32
    %div3A_1885 = vector.broadcast %div3A_1884 : f32 to vector<16x256xf32>
    %div3A_1886 = arith.divf %div3A_1885, %add3A_1883 : vector<16x256xf32>
    %slice3A_1887 = vector.extract_strided_slice %add3A_1864 {offsets = [0, 512], sizes = [16, 256], strides = [1, 1]} : vector<16x1024xf32> to vector<16x256xf32>
    %tanh3A_1888 = math.tanh %slice3A_1887 : vector<16x256xf32>
    %slice3A_1889 = vector.extract_strided_slice %add3A_1864 {offsets = [0, 768], sizes = [16, 256], strides = [1, 1]} : vector<16x1024xf32> to vector<16x256xf32>
    %neg3A_1890 = arith.constant 0.000000e+00 : f32
    %neg3A_1891 = vector.broadcast %neg3A_1890 : f32 to vector<16x256xf32>
    %neg3A_1892 = arith.subf %neg3A_1891, %slice3A_1889 : vector<16x256xf32>
    %exp3A_1893 = math.exp %neg3A_1892 : vector<16x256xf32>
    %add3A_1894 = arith.constant 1.000000e+00 : f32
    %add3A_1895 = vector.broadcast %add3A_1894 : f32 to vector<16x256xf32>
    %add3A_1896 = arith.addf %add3A_1895, %exp3A_1893 : vector<16x256xf32>
    %div3A_1897 = arith.constant 1.000000e+00 : f32
    %div3A_1898 = vector.broadcast %div3A_1897 : f32 to vector<16x256xf32>
    %div3A_1899 = arith.divf %div3A_1898, %add3A_1896 : vector<16x256xf32>
    %mul3A_1900 = arith.mulf %div3A_1886, %select_n3A_1777 : vector<16x256xf32>
    %mul3A_1901 = arith.mulf %div3A_1875, %tanh3A_1888 : vector<16x256xf32>
    %add3A_1902 = arith.addf %mul3A_1900, %mul3A_1901 : vector<16x256xf32>
    %tanh3A_1903 = math.tanh %add3A_1902 : vector<16x256xf32>
    %mul3A_1904 = arith.mulf %div3A_1899, %tanh3A_1903 : vector<16x256xf32>
    %jit3A_1905 = arith.constant 0.000000e+00 : f32
    %broadcast_in_dim3A_1906 = vector.shape_cast %gt3A_1858 : vector<16x1xi1> to vector<16x1xi1>
    %broadcast_in_dim3A_1907 = vector.broadcast %broadcast_in_dim3A_1906 : vector<16x1xi1> to vector<16x256xi1>
    %broadcast_in_dim3A_1908 = vector.broadcast %jit3A_1905 : f32 to vector<16x256xf32>
    %select_n3A_1909 = arith.select %broadcast_in_dim3A_1907, %mul3A_1904, %broadcast_in_dim3A_1908 : vector<16x256xi1>, vector<16x256xf32>
    %broadcast_in_dim3A_1910 = vector.shape_cast %gt3A_1858 : vector<16x1xi1> to vector<16x1xi1>
    %broadcast_in_dim3A_1911 = vector.broadcast %broadcast_in_dim3A_1910 : vector<16x1xi1> to vector<16x256xi1>
    %select_n3A_1912 = arith.select %broadcast_in_dim3A_1911, %mul3A_1904, %select_n3A_1774 : vector<16x256xi1>, vector<16x256xf32>
    %broadcast_in_dim3A_1913 = vector.shape_cast %gt3A_1858 : vector<16x1xi1> to vector<16x1xi1>
    %broadcast_in_dim3A_1914 = vector.broadcast %broadcast_in_dim3A_1913 : vector<16x1xi1> to vector<16x256xi1>
    %select_n3A_1915 = arith.select %broadcast_in_dim3A_1914, %add3A_1902, %select_n3A_1777 : vector<16x256xi1>, vector<16x256xf32>
    %slice3A_1916 = vector.extract_strided_slice %add3A_55 {offsets = [32, 0], sizes = [16, 1024], strides = [1, 1]} : vector<256x1024xf32> to vector<16x1024xf32>
    %gt3A_1917 = vector.broadcast %sub3A_1855 : i32 to vector<16x1xi32>
    %gt3A_1918 = arith.cmpi sgt, %get3A_3, %gt3A_1917 : vector<16x1xi32>
    %get3A_1919 = arith.constant 0 : index
    %get3A_1920 = arith.constant 0 : index
    %get3A_1921 = vector.load %arg11[%get3A_1919, %get3A_1920] : memref<256x1024xf32, #tpu.memory_space<vmem>>, vector<256x1024xf32>
    %dot_general3A_1922 = arith.constant dense<0.000000e+00> : vector<16x1024xf32>
    %dot_general3A_1923 = tpu.matmul %select_n3A_1834, %get3A_1921, %dot_general3A_1922 {dimension_numbers = #tpu.dot_dimension_numbers<[1], [0], [0], [1], [0, 0, 1, 1], [], []>, transpose_lhs_hint = false} : vector<16x256xf32>, vector<256x1024xf32>, vector<16x1024xf32> -> vector<16x1024xf32>
    %add3A_1924 = arith.addf %slice3A_1916, %dot_general3A_1923 : vector<16x1024xf32>
    %slice3A_1925 = vector.extract_strided_slice %add3A_1924 {offsets = [0, 0], sizes = [16, 256], strides = [1, 1]} : vector<16x1024xf32> to vector<16x256xf32>
    %neg3A_1926 = arith.constant 0.000000e+00 : f32
    %neg3A_1927 = vector.broadcast %neg3A_1926 : f32 to vector<16x256xf32>
    %neg3A_1928 = arith.subf %neg3A_1927, %slice3A_1925 : vector<16x256xf32>
    %exp3A_1929 = math.exp %neg3A_1928 : vector<16x256xf32>
    %add3A_1930 = arith.constant 1.000000e+00 : f32
    %add3A_1931 = vector.broadcast %add3A_1930 : f32 to vector<16x256xf32>
    %add3A_1932 = arith.addf %add3A_1931, %exp3A_1929 : vector<16x256xf32>
    %div3A_1933 = arith.constant 1.000000e+00 : f32
    %div3A_1934 = vector.broadcast %div3A_1933 : f32 to vector<16x256xf32>
    %div3A_1935 = arith.divf %div3A_1934, %add3A_1932 : vector<16x256xf32>
    %slice3A_1936 = vector.extract_strided_slice %add3A_1924 {offsets = [0, 256], sizes = [16, 256], strides = [1, 1]} : vector<16x1024xf32> to vector<16x256xf32>
    %neg3A_1937 = arith.constant 0.000000e+00 : f32
    %neg3A_1938 = vector.broadcast %neg3A_1937 : f32 to vector<16x256xf32>
    %neg3A_1939 = arith.subf %neg3A_1938, %slice3A_1936 : vector<16x256xf32>
    %exp3A_1940 = math.exp %neg3A_1939 : vector<16x256xf32>
    %add3A_1941 = arith.constant 1.000000e+00 : f32
    %add3A_1942 = vector.broadcast %add3A_1941 : f32 to vector<16x256xf32>
    %add3A_1943 = arith.addf %add3A_1942, %exp3A_1940 : vector<16x256xf32>
    %div3A_1944 = arith.constant 1.000000e+00 : f32
    %div3A_1945 = vector.broadcast %div3A_1944 : f32 to vector<16x256xf32>
    %div3A_1946 = arith.divf %div3A_1945, %add3A_1943 : vector<16x256xf32>
    %slice3A_1947 = vector.extract_strided_slice %add3A_1924 {offsets = [0, 512], sizes = [16, 256], strides = [1, 1]} : vector<16x1024xf32> to vector<16x256xf32>
    %tanh3A_1948 = math.tanh %slice3A_1947 : vector<16x256xf32>
    %slice3A_1949 = vector.extract_strided_slice %add3A_1924 {offsets = [0, 768], sizes = [16, 256], strides = [1, 1]} : vector<16x1024xf32> to vector<16x256xf32>
    %neg3A_1950 = arith.constant 0.000000e+00 : f32
    %neg3A_1951 = vector.broadcast %neg3A_1950 : f32 to vector<16x256xf32>
    %neg3A_1952 = arith.subf %neg3A_1951, %slice3A_1949 : vector<16x256xf32>
    %exp3A_1953 = math.exp %neg3A_1952 : vector<16x256xf32>
    %add3A_1954 = arith.constant 1.000000e+00 : f32
    %add3A_1955 = vector.broadcast %add3A_1954 : f32 to vector<16x256xf32>
    %add3A_1956 = arith.addf %add3A_1955, %exp3A_1953 : vector<16x256xf32>
    %div3A_1957 = arith.constant 1.000000e+00 : f32
    %div3A_1958 = vector.broadcast %div3A_1957 : f32 to vector<16x256xf32>
    %div3A_1959 = arith.divf %div3A_1958, %add3A_1956 : vector<16x256xf32>
    %mul3A_1960 = arith.mulf %div3A_1946, %select_n3A_1837 : vector<16x256xf32>
    %mul3A_1961 = arith.mulf %div3A_1935, %tanh3A_1948 : vector<16x256xf32>
    %add3A_1962 = arith.addf %mul3A_1960, %mul3A_1961 : vector<16x256xf32>
    %tanh3A_1963 = math.tanh %add3A_1962 : vector<16x256xf32>
    %mul3A_1964 = arith.mulf %div3A_1959, %tanh3A_1963 : vector<16x256xf32>
    %jit3A_1965 = arith.constant 0.000000e+00 : f32
    %broadcast_in_dim3A_1966 = vector.shape_cast %gt3A_1918 : vector<16x1xi1> to vector<16x1xi1>
    %broadcast_in_dim3A_1967 = vector.broadcast %broadcast_in_dim3A_1966 : vector<16x1xi1> to vector<16x256xi1>
    %broadcast_in_dim3A_1968 = vector.broadcast %jit3A_1965 : f32 to vector<16x256xf32>
    %select_n3A_1969 = arith.select %broadcast_in_dim3A_1967, %mul3A_1964, %broadcast_in_dim3A_1968 : vector<16x256xi1>, vector<16x256xf32>
    %broadcast_in_dim3A_1970 = vector.shape_cast %gt3A_1918 : vector<16x1xi1> to vector<16x1xi1>
    %broadcast_in_dim3A_1971 = vector.broadcast %broadcast_in_dim3A_1970 : vector<16x1xi1> to vector<16x256xi1>
    %select_n3A_1972 = arith.select %broadcast_in_dim3A_1971, %mul3A_1964, %select_n3A_1834 : vector<16x256xi1>, vector<16x256xf32>
    %broadcast_in_dim3A_1973 = vector.shape_cast %gt3A_1918 : vector<16x1xi1> to vector<16x1xi1>
    %broadcast_in_dim3A_1974 = vector.broadcast %broadcast_in_dim3A_1973 : vector<16x1xi1> to vector<16x256xi1>
    %select_n3A_1975 = arith.select %broadcast_in_dim3A_1974, %add3A_1962, %select_n3A_1837 : vector<16x256xi1>, vector<16x256xf32>
    %swap3A_1976 = arith.constant 13 : index
    %swap3A_1977 = arith.constant 0 : index
    %swap3A_1978 = arith.constant 0 : index
    %swap3A_1979 = vector.load %arg12[%swap3A_1976, %swap3A_1977, %swap3A_1978] : memref<16x16x256xf32, #tpu.memory_space<vmem>>, vector<1x16x256xf32>
    %swap3A_1980 = vector.shape_cast %swap3A_1979 : vector<1x16x256xf32> to vector<16x256xf32>
    %swap3A_1981 = vector.shape_cast %select_n3A_1909 : vector<16x256xf32> to vector<1x16x256xf32>
    tpu.vector_store %arg12[%swap3A_1976, %swap3A_1977, %swap3A_1978], %swap3A_1981 {strides = array<i32>} : memref<16x16x256xf32, #tpu.memory_space<vmem>>, vector<1x16x256xf32>,
    %swap3A_1982 = arith.constant 2 : index
    %swap3A_1983 = arith.constant 0 : index
    %swap3A_1984 = arith.constant 0 : index
    %swap3A_1985 = vector.load %arg13[%swap3A_1982, %swap3A_1983, %swap3A_1984] : memref<16x16x256xf32, #tpu.memory_space<vmem>>, vector<1x16x256xf32>
    %swap3A_1986 = vector.shape_cast %swap3A_1985 : vector<1x16x256xf32> to vector<16x256xf32>
    %swap3A_1987 = vector.shape_cast %select_n3A_1969 : vector<16x256xf32> to vector<1x16x256xf32>
    tpu.vector_store %arg13[%swap3A_1982, %swap3A_1983, %swap3A_1984], %swap3A_1987 {strides = array<i32>} : memref<16x16x256xf32, #tpu.memory_space<vmem>>, vector<1x16x256xf32>,
    %mul3A_1988 = arith.constant 16 : i32
    %mul3A_1989 = arith.muli %arg0, %mul3A_1988 : i32
    %add3A_1990 = arith.constant 14 : i32
    %add3A_1991 = arith.addi %mul3A_1989, %add3A_1990 : i32
    %sub3A_1992 = arith.constant 511 : i32
    %sub3A_1993 = arith.subi %sub3A_1992, %add3A_1991 : i32
    %slice3A_1994 = vector.extract_strided_slice %add3A_45 {offsets = [224, 0], sizes = [16, 1024], strides = [1, 1]} : vector<256x1024xf32> to vector<16x1024xf32>
    %gt3A_1995 = vector.broadcast %add3A_1991 : i32 to vector<16x1xi32>
    %gt3A_1996 = arith.cmpi sgt, %get3A_3, %gt3A_1995 : vector<16x1xi32>
    %get3A_1997 = arith.constant 0 : index
    %get3A_1998 = arith.constant 0 : index
    %get3A_1999 = vector.load %arg10[%get3A_1997, %get3A_1998] : memref<256x1024xf32, #tpu.memory_space<vmem>>, vector<256x1024xf32>
    %dot_general3A_2000 = arith.constant dense<0.000000e+00> : vector<16x1024xf32>
    %dot_general3A_2001 = tpu.matmul %select_n3A_1912, %get3A_1999, %dot_general3A_2000 {dimension_numbers = #tpu.dot_dimension_numbers<[1], [0], [0], [1], [0, 0, 1, 1], [], []>, transpose_lhs_hint = false} : vector<16x256xf32>, vector<256x1024xf32>, vector<16x1024xf32> -> vector<16x1024xf32>
    %add3A_2002 = arith.addf %slice3A_1994, %dot_general3A_2001 : vector<16x1024xf32>
    %slice3A_2003 = vector.extract_strided_slice %add3A_2002 {offsets = [0, 0], sizes = [16, 256], strides = [1, 1]} : vector<16x1024xf32> to vector<16x256xf32>
    %neg3A_2004 = arith.constant 0.000000e+00 : f32
    %neg3A_2005 = vector.broadcast %neg3A_2004 : f32 to vector<16x256xf32>
    %neg3A_2006 = arith.subf %neg3A_2005, %slice3A_2003 : vector<16x256xf32>
    %exp3A_2007 = math.exp %neg3A_2006 : vector<16x256xf32>
    %add3A_2008 = arith.constant 1.000000e+00 : f32
    %add3A_2009 = vector.broadcast %add3A_2008 : f32 to vector<16x256xf32>
    %add3A_2010 = arith.addf %add3A_2009, %exp3A_2007 : vector<16x256xf32>
    %div3A_2011 = arith.constant 1.000000e+00 : f32
    %div3A_2012 = vector.broadcast %div3A_2011 : f32 to vector<16x256xf32>
    %div3A_2013 = arith.divf %div3A_2012, %add3A_2010 : vector<16x256xf32>
    %slice3A_2014 = vector.extract_strided_slice %add3A_2002 {offsets = [0, 256], sizes = [16, 256], strides = [1, 1]} : vector<16x1024xf32> to vector<16x256xf32>
    %neg3A_2015 = arith.constant 0.000000e+00 : f32
    %neg3A_2016 = vector.broadcast %neg3A_2015 : f32 to vector<16x256xf32>
    %neg3A_2017 = arith.subf %neg3A_2016, %slice3A_2014 : vector<16x256xf32>
    %exp3A_2018 = math.exp %neg3A_2017 : vector<16x256xf32>
    %add3A_2019 = arith.constant 1.000000e+00 : f32
    %add3A_2020 = vector.broadcast %add3A_2019 : f32 to vector<16x256xf32>
    %add3A_2021 = arith.addf %add3A_2020, %exp3A_2018 : vector<16x256xf32>
    %div3A_2022 = arith.constant 1.000000e+00 : f32
    %div3A_2023 = vector.broadcast %div3A_2022 : f32 to vector<16x256xf32>
    %div3A_2024 = arith.divf %div3A_2023, %add3A_2021 : vector<16x256xf32>
    %slice3A_2025 = vector.extract_strided_slice %add3A_2002 {offsets = [0, 512], sizes = [16, 256], strides = [1, 1]} : vector<16x1024xf32> to vector<16x256xf32>
    %tanh3A_2026 = math.tanh %slice3A_2025 : vector<16x256xf32>
    %slice3A_2027 = vector.extract_strided_slice %add3A_2002 {offsets = [0, 768], sizes = [16, 256], strides = [1, 1]} : vector<16x1024xf32> to vector<16x256xf32>
    %neg3A_2028 = arith.constant 0.000000e+00 : f32
    %neg3A_2029 = vector.broadcast %neg3A_2028 : f32 to vector<16x256xf32>
    %neg3A_2030 = arith.subf %neg3A_2029, %slice3A_2027 : vector<16x256xf32>
    %exp3A_2031 = math.exp %neg3A_2030 : vector<16x256xf32>
    %add3A_2032 = arith.constant 1.000000e+00 : f32
    %add3A_2033 = vector.broadcast %add3A_2032 : f32 to vector<16x256xf32>
    %add3A_2034 = arith.addf %add3A_2033, %exp3A_2031 : vector<16x256xf32>
    %div3A_2035 = arith.constant 1.000000e+00 : f32
    %div3A_2036 = vector.broadcast %div3A_2035 : f32 to vector<16x256xf32>
    %div3A_2037 = arith.divf %div3A_2036, %add3A_2034 : vector<16x256xf32>
    %mul3A_2038 = arith.mulf %div3A_2024, %select_n3A_1915 : vector<16x256xf32>
    %mul3A_2039 = arith.mulf %div3A_2013, %tanh3A_2026 : vector<16x256xf32>
    %add3A_2040 = arith.addf %mul3A_2038, %mul3A_2039 : vector<16x256xf32>
    %tanh3A_2041 = math.tanh %add3A_2040 : vector<16x256xf32>
    %mul3A_2042 = arith.mulf %div3A_2037, %tanh3A_2041 : vector<16x256xf32>
    %jit3A_2043 = arith.constant 0.000000e+00 : f32
    %broadcast_in_dim3A_2044 = vector.shape_cast %gt3A_1996 : vector<16x1xi1> to vector<16x1xi1>
    %broadcast_in_dim3A_2045 = vector.broadcast %broadcast_in_dim3A_2044 : vector<16x1xi1> to vector<16x256xi1>
    %broadcast_in_dim3A_2046 = vector.broadcast %jit3A_2043 : f32 to vector<16x256xf32>
    %select_n3A_2047 = arith.select %broadcast_in_dim3A_2045, %mul3A_2042, %broadcast_in_dim3A_2046 : vector<16x256xi1>, vector<16x256xf32>
    %broadcast_in_dim3A_2048 = vector.shape_cast %gt3A_1996 : vector<16x1xi1> to vector<16x1xi1>
    %broadcast_in_dim3A_2049 = vector.broadcast %broadcast_in_dim3A_2048 : vector<16x1xi1> to vector<16x256xi1>
    %select_n3A_2050 = arith.select %broadcast_in_dim3A_2049, %mul3A_2042, %select_n3A_1912 : vector<16x256xi1>, vector<16x256xf32>
    %broadcast_in_dim3A_2051 = vector.shape_cast %gt3A_1996 : vector<16x1xi1> to vector<16x1xi1>
    %broadcast_in_dim3A_2052 = vector.broadcast %broadcast_in_dim3A_2051 : vector<16x1xi1> to vector<16x256xi1>
    %select_n3A_2053 = arith.select %broadcast_in_dim3A_2052, %add3A_2040, %select_n3A_1915 : vector<16x256xi1>, vector<16x256xf32>
    %slice3A_2054 = vector.extract_strided_slice %add3A_55 {offsets = [16, 0], sizes = [16, 1024], strides = [1, 1]} : vector<256x1024xf32> to vector<16x1024xf32>
    %gt3A_2055 = vector.broadcast %sub3A_1993 : i32 to vector<16x1xi32>
    %gt3A_2056 = arith.cmpi sgt, %get3A_3, %gt3A_2055 : vector<16x1xi32>
    %get3A_2057 = arith.constant 0 : index
    %get3A_2058 = arith.constant 0 : index
    %get3A_2059 = vector.load %arg11[%get3A_2057, %get3A_2058] : memref<256x1024xf32, #tpu.memory_space<vmem>>, vector<256x1024xf32>
    %dot_general3A_2060 = arith.constant dense<0.000000e+00> : vector<16x1024xf32>
    %dot_general3A_2061 = tpu.matmul %select_n3A_1972, %get3A_2059, %dot_general3A_2060 {dimension_numbers = #tpu.dot_dimension_numbers<[1], [0], [0], [1], [0, 0, 1, 1], [], []>, transpose_lhs_hint = false} : vector<16x256xf32>, vector<256x1024xf32>, vector<16x1024xf32> -> vector<16x1024xf32>
    %add3A_2062 = arith.addf %slice3A_2054, %dot_general3A_2061 : vector<16x1024xf32>
    %slice3A_2063 = vector.extract_strided_slice %add3A_2062 {offsets = [0, 0], sizes = [16, 256], strides = [1, 1]} : vector<16x1024xf32> to vector<16x256xf32>
    %neg3A_2064 = arith.constant 0.000000e+00 : f32
    %neg3A_2065 = vector.broadcast %neg3A_2064 : f32 to vector<16x256xf32>
    %neg3A_2066 = arith.subf %neg3A_2065, %slice3A_2063 : vector<16x256xf32>
    %exp3A_2067 = math.exp %neg3A_2066 : vector<16x256xf32>
    %add3A_2068 = arith.constant 1.000000e+00 : f32
    %add3A_2069 = vector.broadcast %add3A_2068 : f32 to vector<16x256xf32>
    %add3A_2070 = arith.addf %add3A_2069, %exp3A_2067 : vector<16x256xf32>
    %div3A_2071 = arith.constant 1.000000e+00 : f32
    %div3A_2072 = vector.broadcast %div3A_2071 : f32 to vector<16x256xf32>
    %div3A_2073 = arith.divf %div3A_2072, %add3A_2070 : vector<16x256xf32>
    %slice3A_2074 = vector.extract_strided_slice %add3A_2062 {offsets = [0, 256], sizes = [16, 256], strides = [1, 1]} : vector<16x1024xf32> to vector<16x256xf32>
    %neg3A_2075 = arith.constant 0.000000e+00 : f32
    %neg3A_2076 = vector.broadcast %neg3A_2075 : f32 to vector<16x256xf32>
    %neg3A_2077 = arith.subf %neg3A_2076, %slice3A_2074 : vector<16x256xf32>
    %exp3A_2078 = math.exp %neg3A_2077 : vector<16x256xf32>
    %add3A_2079 = arith.constant 1.000000e+00 : f32
    %add3A_2080 = vector.broadcast %add3A_2079 : f32 to vector<16x256xf32>
    %add3A_2081 = arith.addf %add3A_2080, %exp3A_2078 : vector<16x256xf32>
    %div3A_2082 = arith.constant 1.000000e+00 : f32
    %div3A_2083 = vector.broadcast %div3A_2082 : f32 to vector<16x256xf32>
    %div3A_2084 = arith.divf %div3A_2083, %add3A_2081 : vector<16x256xf32>
    %slice3A_2085 = vector.extract_strided_slice %add3A_2062 {offsets = [0, 512], sizes = [16, 256], strides = [1, 1]} : vector<16x1024xf32> to vector<16x256xf32>
    %tanh3A_2086 = math.tanh %slice3A_2085 : vector<16x256xf32>
    %slice3A_2087 = vector.extract_strided_slice %add3A_2062 {offsets = [0, 768], sizes = [16, 256], strides = [1, 1]} : vector<16x1024xf32> to vector<16x256xf32>
    %neg3A_2088 = arith.constant 0.000000e+00 : f32
    %neg3A_2089 = vector.broadcast %neg3A_2088 : f32 to vector<16x256xf32>
    %neg3A_2090 = arith.subf %neg3A_2089, %slice3A_2087 : vector<16x256xf32>
    %exp3A_2091 = math.exp %neg3A_2090 : vector<16x256xf32>
    %add3A_2092 = arith.constant 1.000000e+00 : f32
    %add3A_2093 = vector.broadcast %add3A_2092 : f32 to vector<16x256xf32>
    %add3A_2094 = arith.addf %add3A_2093, %exp3A_2091 : vector<16x256xf32>
    %div3A_2095 = arith.constant 1.000000e+00 : f32
    %div3A_2096 = vector.broadcast %div3A_2095 : f32 to vector<16x256xf32>
    %div3A_2097 = arith.divf %div3A_2096, %add3A_2094 : vector<16x256xf32>
    %mul3A_2098 = arith.mulf %div3A_2084, %select_n3A_1975 : vector<16x256xf32>
    %mul3A_2099 = arith.mulf %div3A_2073, %tanh3A_2086 : vector<16x256xf32>
    %add3A_2100 = arith.addf %mul3A_2098, %mul3A_2099 : vector<16x256xf32>
    %tanh3A_2101 = math.tanh %add3A_2100 : vector<16x256xf32>
    %mul3A_2102 = arith.mulf %div3A_2097, %tanh3A_2101 : vector<16x256xf32>
    %jit3A_2103 = arith.constant 0.000000e+00 : f32
    %broadcast_in_dim3A_2104 = vector.shape_cast %gt3A_2056 : vector<16x1xi1> to vector<16x1xi1>
    %broadcast_in_dim3A_2105 = vector.broadcast %broadcast_in_dim3A_2104 : vector<16x1xi1> to vector<16x256xi1>
    %broadcast_in_dim3A_2106 = vector.broadcast %jit3A_2103 : f32 to vector<16x256xf32>
    %select_n3A_2107 = arith.select %broadcast_in_dim3A_2105, %mul3A_2102, %broadcast_in_dim3A_2106 : vector<16x256xi1>, vector<16x256xf32>
    %broadcast_in_dim3A_2108 = vector.shape_cast %gt3A_2056 : vector<16x1xi1> to vector<16x1xi1>
    %broadcast_in_dim3A_2109 = vector.broadcast %broadcast_in_dim3A_2108 : vector<16x1xi1> to vector<16x256xi1>
    %select_n3A_2110 = arith.select %broadcast_in_dim3A_2109, %mul3A_2102, %select_n3A_1972 : vector<16x256xi1>, vector<16x256xf32>
    %broadcast_in_dim3A_2111 = vector.shape_cast %gt3A_2056 : vector<16x1xi1> to vector<16x1xi1>
    %broadcast_in_dim3A_2112 = vector.broadcast %broadcast_in_dim3A_2111 : vector<16x1xi1> to vector<16x256xi1>
    %select_n3A_2113 = arith.select %broadcast_in_dim3A_2112, %add3A_2100, %select_n3A_1975 : vector<16x256xi1>, vector<16x256xf32>
    %swap3A_2114 = arith.constant 14 : index
    %swap3A_2115 = arith.constant 0 : index
    %swap3A_2116 = arith.constant 0 : index
    %swap3A_2117 = vector.load %arg12[%swap3A_2114, %swap3A_2115, %swap3A_2116] : memref<16x16x256xf32, #tpu.memory_space<vmem>>, vector<1x16x256xf32>
    %swap3A_2118 = vector.shape_cast %swap3A_2117 : vector<1x16x256xf32> to vector<16x256xf32>
    %swap3A_2119 = vector.shape_cast %select_n3A_2047 : vector<16x256xf32> to vector<1x16x256xf32>
    tpu.vector_store %arg12[%swap3A_2114, %swap3A_2115, %swap3A_2116], %swap3A_2119 {strides = array<i32>} : memref<16x16x256xf32, #tpu.memory_space<vmem>>, vector<1x16x256xf32>,
    %swap3A_2120 = arith.constant 1 : index
    %swap3A_2121 = arith.constant 0 : index
    %swap3A_2122 = arith.constant 0 : index
    %swap3A_2123 = vector.load %arg13[%swap3A_2120, %swap3A_2121, %swap3A_2122] : memref<16x16x256xf32, #tpu.memory_space<vmem>>, vector<1x16x256xf32>
    %swap3A_2124 = vector.shape_cast %swap3A_2123 : vector<1x16x256xf32> to vector<16x256xf32>
    %swap3A_2125 = vector.shape_cast %select_n3A_2107 : vector<16x256xf32> to vector<1x16x256xf32>
    tpu.vector_store %arg13[%swap3A_2120, %swap3A_2121, %swap3A_2122], %swap3A_2125 {strides = array<i32>} : memref<16x16x256xf32, #tpu.memory_space<vmem>>, vector<1x16x256xf32>,
    %mul3A_2126 = arith.constant 16 : i32
    %mul3A_2127 = arith.muli %arg0, %mul3A_2126 : i32
    %add3A_2128 = arith.constant 15 : i32
    %add3A_2129 = arith.addi %mul3A_2127, %add3A_2128 : i32
    %sub3A_2130 = arith.constant 511 : i32
    %sub3A_2131 = arith.subi %sub3A_2130, %add3A_2129 : i32
    %slice3A_2132 = vector.extract_strided_slice %add3A_45 {offsets = [240, 0], sizes = [16, 1024], strides = [1, 1]} : vector<256x1024xf32> to vector<16x1024xf32>
    %gt3A_2133 = vector.broadcast %add3A_2129 : i32 to vector<16x1xi32>
    %gt3A_2134 = arith.cmpi sgt, %get3A_3, %gt3A_2133 : vector<16x1xi32>
    %get3A_2135 = arith.constant 0 : index
    %get3A_2136 = arith.constant 0 : index
    %get3A_2137 = vector.load %arg10[%get3A_2135, %get3A_2136] : memref<256x1024xf32, #tpu.memory_space<vmem>>, vector<256x1024xf32>
    %dot_general3A_2138 = arith.constant dense<0.000000e+00> : vector<16x1024xf32>
    %dot_general3A_2139 = tpu.matmul %select_n3A_2050, %get3A_2137, %dot_general3A_2138 {dimension_numbers = #tpu.dot_dimension_numbers<[1], [0], [0], [1], [0, 0, 1, 1], [], []>, transpose_lhs_hint = false} : vector<16x256xf32>, vector<256x1024xf32>, vector<16x1024xf32> -> vector<16x1024xf32>
    %add3A_2140 = arith.addf %slice3A_2132, %dot_general3A_2139 : vector<16x1024xf32>
    %slice3A_2141 = vector.extract_strided_slice %add3A_2140 {offsets = [0, 0], sizes = [16, 256], strides = [1, 1]} : vector<16x1024xf32> to vector<16x256xf32>
    %neg3A_2142 = arith.constant 0.000000e+00 : f32
    %neg3A_2143 = vector.broadcast %neg3A_2142 : f32 to vector<16x256xf32>
    %neg3A_2144 = arith.subf %neg3A_2143, %slice3A_2141 : vector<16x256xf32>
    %exp3A_2145 = math.exp %neg3A_2144 : vector<16x256xf32>
    %add3A_2146 = arith.constant 1.000000e+00 : f32
    %add3A_2147 = vector.broadcast %add3A_2146 : f32 to vector<16x256xf32>
    %add3A_2148 = arith.addf %add3A_2147, %exp3A_2145 : vector<16x256xf32>
    %div3A_2149 = arith.constant 1.000000e+00 : f32
    %div3A_2150 = vector.broadcast %div3A_2149 : f32 to vector<16x256xf32>
    %div3A_2151 = arith.divf %div3A_2150, %add3A_2148 : vector<16x256xf32>
    %slice3A_2152 = vector.extract_strided_slice %add3A_2140 {offsets = [0, 256], sizes = [16, 256], strides = [1, 1]} : vector<16x1024xf32> to vector<16x256xf32>
    %neg3A_2153 = arith.constant 0.000000e+00 : f32
    %neg3A_2154 = vector.broadcast %neg3A_2153 : f32 to vector<16x256xf32>
    %neg3A_2155 = arith.subf %neg3A_2154, %slice3A_2152 : vector<16x256xf32>
    %exp3A_2156 = math.exp %neg3A_2155 : vector<16x256xf32>
    %add3A_2157 = arith.constant 1.000000e+00 : f32
    %add3A_2158 = vector.broadcast %add3A_2157 : f32 to vector<16x256xf32>
    %add3A_2159 = arith.addf %add3A_2158, %exp3A_2156 : vector<16x256xf32>
    %div3A_2160 = arith.constant 1.000000e+00 : f32
    %div3A_2161 = vector.broadcast %div3A_2160 : f32 to vector<16x256xf32>
    %div3A_2162 = arith.divf %div3A_2161, %add3A_2159 : vector<16x256xf32>
    %slice3A_2163 = vector.extract_strided_slice %add3A_2140 {offsets = [0, 512], sizes = [16, 256], strides = [1, 1]} : vector<16x1024xf32> to vector<16x256xf32>
    %tanh3A_2164 = math.tanh %slice3A_2163 : vector<16x256xf32>
    %slice3A_2165 = vector.extract_strided_slice %add3A_2140 {offsets = [0, 768], sizes = [16, 256], strides = [1, 1]} : vector<16x1024xf32> to vector<16x256xf32>
    %neg3A_2166 = arith.constant 0.000000e+00 : f32
    %neg3A_2167 = vector.broadcast %neg3A_2166 : f32 to vector<16x256xf32>
    %neg3A_2168 = arith.subf %neg3A_2167, %slice3A_2165 : vector<16x256xf32>
    %exp3A_2169 = math.exp %neg3A_2168 : vector<16x256xf32>
    %add3A_2170 = arith.constant 1.000000e+00 : f32
    %add3A_2171 = vector.broadcast %add3A_2170 : f32 to vector<16x256xf32>
    %add3A_2172 = arith.addf %add3A_2171, %exp3A_2169 : vector<16x256xf32>
    %div3A_2173 = arith.constant 1.000000e+00 : f32
    %div3A_2174 = vector.broadcast %div3A_2173 : f32 to vector<16x256xf32>
    %div3A_2175 = arith.divf %div3A_2174, %add3A_2172 : vector<16x256xf32>
    %mul3A_2176 = arith.mulf %div3A_2162, %select_n3A_2053 : vector<16x256xf32>
    %mul3A_2177 = arith.mulf %div3A_2151, %tanh3A_2164 : vector<16x256xf32>
    %add3A_2178 = arith.addf %mul3A_2176, %mul3A_2177 : vector<16x256xf32>
    %tanh3A_2179 = math.tanh %add3A_2178 : vector<16x256xf32>
    %mul3A_2180 = arith.mulf %div3A_2175, %tanh3A_2179 : vector<16x256xf32>
    %jit3A_2181 = arith.constant 0.000000e+00 : f32
    %broadcast_in_dim3A_2182 = vector.shape_cast %gt3A_2134 : vector<16x1xi1> to vector<16x1xi1>
    %broadcast_in_dim3A_2183 = vector.broadcast %broadcast_in_dim3A_2182 : vector<16x1xi1> to vector<16x256xi1>
    %broadcast_in_dim3A_2184 = vector.broadcast %jit3A_2181 : f32 to vector<16x256xf32>
    %select_n3A_2185 = arith.select %broadcast_in_dim3A_2183, %mul3A_2180, %broadcast_in_dim3A_2184 : vector<16x256xi1>, vector<16x256xf32>
    %broadcast_in_dim3A_2186 = vector.shape_cast %gt3A_2134 : vector<16x1xi1> to vector<16x1xi1>
    %broadcast_in_dim3A_2187 = vector.broadcast %broadcast_in_dim3A_2186 : vector<16x1xi1> to vector<16x256xi1>
    %select_n3A_2188 = arith.select %broadcast_in_dim3A_2187, %mul3A_2180, %select_n3A_2050 : vector<16x256xi1>, vector<16x256xf32>
    %broadcast_in_dim3A_2189 = vector.shape_cast %gt3A_2134 : vector<16x1xi1> to vector<16x1xi1>
    %broadcast_in_dim3A_2190 = vector.broadcast %broadcast_in_dim3A_2189 : vector<16x1xi1> to vector<16x256xi1>
    %select_n3A_2191 = arith.select %broadcast_in_dim3A_2190, %add3A_2178, %select_n3A_2053 : vector<16x256xi1>, vector<16x256xf32>
    %slice3A_2192 = vector.extract_strided_slice %add3A_55 {offsets = [0, 0], sizes = [16, 1024], strides = [1, 1]} : vector<256x1024xf32> to vector<16x1024xf32>
    %gt3A_2193 = vector.broadcast %sub3A_2131 : i32 to vector<16x1xi32>
    %gt3A_2194 = arith.cmpi sgt, %get3A_3, %gt3A_2193 : vector<16x1xi32>
    %get3A_2195 = arith.constant 0 : index
    %get3A_2196 = arith.constant 0 : index
    %get3A_2197 = vector.load %arg11[%get3A_2195, %get3A_2196] : memref<256x1024xf32, #tpu.memory_space<vmem>>, vector<256x1024xf32>
    %dot_general3A_2198 = arith.constant dense<0.000000e+00> : vector<16x1024xf32>
    %dot_general3A_2199 = tpu.matmul %select_n3A_2110, %get3A_2197, %dot_general3A_2198 {dimension_numbers = #tpu.dot_dimension_numbers<[1], [0], [0], [1], [0, 0, 1, 1], [], []>, transpose_lhs_hint = false} : vector<16x256xf32>, vector<256x1024xf32>, vector<16x1024xf32> -> vector<16x1024xf32>
    %add3A_2200 = arith.addf %slice3A_2192, %dot_general3A_2199 : vector<16x1024xf32>
    %slice3A_2201 = vector.extract_strided_slice %add3A_2200 {offsets = [0, 0], sizes = [16, 256], strides = [1, 1]} : vector<16x1024xf32> to vector<16x256xf32>
    %neg3A_2202 = arith.constant 0.000000e+00 : f32
    %neg3A_2203 = vector.broadcast %neg3A_2202 : f32 to vector<16x256xf32>
    %neg3A_2204 = arith.subf %neg3A_2203, %slice3A_2201 : vector<16x256xf32>
    %exp3A_2205 = math.exp %neg3A_2204 : vector<16x256xf32>
    %add3A_2206 = arith.constant 1.000000e+00 : f32
    %add3A_2207 = vector.broadcast %add3A_2206 : f32 to vector<16x256xf32>
    %add3A_2208 = arith.addf %add3A_2207, %exp3A_2205 : vector<16x256xf32>
    %div3A_2209 = arith.constant 1.000000e+00 : f32
    %div3A_2210 = vector.broadcast %div3A_2209 : f32 to vector<16x256xf32>
    %div3A_2211 = arith.divf %div3A_2210, %add3A_2208 : vector<16x256xf32>
    %slice3A_2212 = vector.extract_strided_slice %add3A_2200 {offsets = [0, 256], sizes = [16, 256], strides = [1, 1]} : vector<16x1024xf32> to vector<16x256xf32>
    %neg3A_2213 = arith.constant 0.000000e+00 : f32
    %neg3A_2214 = vector.broadcast %neg3A_2213 : f32 to vector<16x256xf32>
    %neg3A_2215 = arith.subf %neg3A_2214, %slice3A_2212 : vector<16x256xf32>
    %exp3A_2216 = math.exp %neg3A_2215 : vector<16x256xf32>
    %add3A_2217 = arith.constant 1.000000e+00 : f32
    %add3A_2218 = vector.broadcast %add3A_2217 : f32 to vector<16x256xf32>
    %add3A_2219 = arith.addf %add3A_2218, %exp3A_2216 : vector<16x256xf32>
    %div3A_2220 = arith.constant 1.000000e+00 : f32
    %div3A_2221 = vector.broadcast %div3A_2220 : f32 to vector<16x256xf32>
    %div3A_2222 = arith.divf %div3A_2221, %add3A_2219 : vector<16x256xf32>
    %slice3A_2223 = vector.extract_strided_slice %add3A_2200 {offsets = [0, 512], sizes = [16, 256], strides = [1, 1]} : vector<16x1024xf32> to vector<16x256xf32>
    %tanh3A_2224 = math.tanh %slice3A_2223 : vector<16x256xf32>
    %slice3A_2225 = vector.extract_strided_slice %add3A_2200 {offsets = [0, 768], sizes = [16, 256], strides = [1, 1]} : vector<16x1024xf32> to vector<16x256xf32>
    %neg3A_2226 = arith.constant 0.000000e+00 : f32
    %neg3A_2227 = vector.broadcast %neg3A_2226 : f32 to vector<16x256xf32>
    %neg3A_2228 = arith.subf %neg3A_2227, %slice3A_2225 : vector<16x256xf32>
    %exp3A_2229 = math.exp %neg3A_2228 : vector<16x256xf32>
    %add3A_2230 = arith.constant 1.000000e+00 : f32
    %add3A_2231 = vector.broadcast %add3A_2230 : f32 to vector<16x256xf32>
    %add3A_2232 = arith.addf %add3A_2231, %exp3A_2229 : vector<16x256xf32>
    %div3A_2233 = arith.constant 1.000000e+00 : f32
    %div3A_2234 = vector.broadcast %div3A_2233 : f32 to vector<16x256xf32>
    %div3A_2235 = arith.divf %div3A_2234, %add3A_2232 : vector<16x256xf32>
    %mul3A_2236 = arith.mulf %div3A_2222, %select_n3A_2113 : vector<16x256xf32>
    %mul3A_2237 = arith.mulf %div3A_2211, %tanh3A_2224 : vector<16x256xf32>
    %add3A_2238 = arith.addf %mul3A_2236, %mul3A_2237 : vector<16x256xf32>
    %tanh3A_2239 = math.tanh %add3A_2238 : vector<16x256xf32>
    %mul3A_2240 = arith.mulf %div3A_2235, %tanh3A_2239 : vector<16x256xf32>
    %jit3A_2241 = arith.constant 0.000000e+00 : f32
    %broadcast_in_dim3A_2242 = vector.shape_cast %gt3A_2194 : vector<16x1xi1> to vector<16x1xi1>
    %broadcast_in_dim3A_2243 = vector.broadcast %broadcast_in_dim3A_2242 : vector<16x1xi1> to vector<16x256xi1>
    %broadcast_in_dim3A_2244 = vector.broadcast %jit3A_2241 : f32 to vector<16x256xf32>
    %select_n3A_2245 = arith.select %broadcast_in_dim3A_2243, %mul3A_2240, %broadcast_in_dim3A_2244 : vector<16x256xi1>, vector<16x256xf32>
    %broadcast_in_dim3A_2246 = vector.shape_cast %gt3A_2194 : vector<16x1xi1> to vector<16x1xi1>
    %broadcast_in_dim3A_2247 = vector.broadcast %broadcast_in_dim3A_2246 : vector<16x1xi1> to vector<16x256xi1>
    %select_n3A_2248 = arith.select %broadcast_in_dim3A_2247, %mul3A_2240, %select_n3A_2110 : vector<16x256xi1>, vector<16x256xf32>
    %broadcast_in_dim3A_2249 = vector.shape_cast %gt3A_2194 : vector<16x1xi1> to vector<16x1xi1>
    %broadcast_in_dim3A_2250 = vector.broadcast %broadcast_in_dim3A_2249 : vector<16x1xi1> to vector<16x256xi1>
    %select_n3A_2251 = arith.select %broadcast_in_dim3A_2250, %add3A_2238, %select_n3A_2113 : vector<16x256xi1>, vector<16x256xf32>
    %swap3A_2252 = arith.constant 15 : index
    %swap3A_2253 = arith.constant 0 : index
    %swap3A_2254 = arith.constant 0 : index
    %swap3A_2255 = vector.load %arg12[%swap3A_2252, %swap3A_2253, %swap3A_2254] : memref<16x16x256xf32, #tpu.memory_space<vmem>>, vector<1x16x256xf32>
    %swap3A_2256 = vector.shape_cast %swap3A_2255 : vector<1x16x256xf32> to vector<16x256xf32>
    %swap3A_2257 = vector.shape_cast %select_n3A_2185 : vector<16x256xf32> to vector<1x16x256xf32>
    tpu.vector_store %arg12[%swap3A_2252, %swap3A_2253, %swap3A_2254], %swap3A_2257 {strides = array<i32>} : memref<16x16x256xf32, #tpu.memory_space<vmem>>, vector<1x16x256xf32>,
    %swap3A_2258 = arith.constant 0 : index
    %swap3A_2259 = arith.constant 0 : index
    %swap3A_2260 = arith.constant 0 : index
    %swap3A_2261 = vector.load %arg13[%swap3A_2258, %swap3A_2259, %swap3A_2260] : memref<16x16x256xf32, #tpu.memory_space<vmem>>, vector<1x16x256xf32>
    %swap3A_2262 = vector.shape_cast %swap3A_2261 : vector<1x16x256xf32> to vector<16x256xf32>
    %swap3A_2263 = vector.shape_cast %select_n3A_2245 : vector<16x256xf32> to vector<1x16x256xf32>
    tpu.vector_store %arg13[%swap3A_2258, %swap3A_2259, %swap3A_2260], %swap3A_2263 {strides = array<i32>} : memref<16x16x256xf32, #tpu.memory_space<vmem>>, vector<1x16x256xf32>,
    %swap3A_2264 = arith.constant 0 : index
    %swap3A_2265 = arith.constant 0 : index
    %swap3A_2266 = vector.load %arg14[%swap3A_2264, %swap3A_2265] : memref<16x256xf32, #tpu.memory_space<vmem>>, vector<16x256xf32>
    tpu.vector_store %arg14[%swap3A_2264, %swap3A_2265], %select_n3A_2188 {strides = array<i32>} : memref<16x256xf32, #tpu.memory_space<vmem>>, vector<16x256xf32>,
    %swap3A_2267 = arith.constant 0 : index
    %swap3A_2268 = arith.constant 0 : index
    %swap3A_2269 = vector.load %arg15[%swap3A_2267, %swap3A_2268] : memref<16x256xf32, #tpu.memory_space<vmem>>, vector<16x256xf32>
    tpu.vector_store %arg15[%swap3A_2267, %swap3A_2268], %select_n3A_2191 {strides = array<i32>} : memref<16x256xf32, #tpu.memory_space<vmem>>, vector<16x256xf32>,
    %swap3A_2270 = arith.constant 0 : index
    %swap3A_2271 = arith.constant 0 : index
    %swap3A_2272 = vector.load %arg16[%swap3A_2270, %swap3A_2271] : memref<16x256xf32, #tpu.memory_space<vmem>>, vector<16x256xf32>
    tpu.vector_store %arg16[%swap3A_2270, %swap3A_2271], %select_n3A_2248 {strides = array<i32>} : memref<16x256xf32, #tpu.memory_space<vmem>>, vector<16x256xf32>,
    %swap3A_2273 = arith.constant 0 : index
    %swap3A_2274 = arith.constant 0 : index
    %swap3A_2275 = vector.load %arg17[%swap3A_2273, %swap3A_2274] : memref<16x256xf32, #tpu.memory_space<vmem>>, vector<16x256xf32>
    tpu.vector_store %arg17[%swap3A_2273, %swap3A_2274], %select_n3A_2251 {strides = array<i32>} : memref<16x256xf32, #tpu.memory_space<vmem>>, vector<16x256xf32>,
    return
  }
  func.func @transform_0(%arg0: i32) -> (i32, i32) {
    %c0_i32 = arith.constant 0 : i32
    %c0_i32_0 = arith.constant 0 : i32
    %c0_i32_1 = arith.constant 0 : i32
    return %c0_i32, %c0_i32_0 : i32, i32
  }
  func.func @transform_1(%arg0: i32) -> (i32, i32, i32) {
    %c0_i32 = arith.constant 0 : i32
    %c0_i32_0 = arith.constant 0 : i32
    %c0_i32_1 = arith.constant 0 : i32
    return %arg0, %c0_i32, %c0_i32_0 : i32, i32, i32
  }
  func.func @transform_2(%arg0: i32) -> (i32, i32, i32) {
    %sub3A = arith.constant 31 : i32
    %sub3A_0 = arith.subi %sub3A, %arg0 : i32
    %c0_i32 = arith.constant 0 : i32
    %c0_i32_1 = arith.constant 0 : i32
    %c0_i32_2 = arith.constant 0 : i32
    return %sub3A_0, %c0_i32, %c0_i32_1 : i32, i32, i32
  }
  func.func @transform_3(%arg0: i32) -> (i32, i32) {
    %c0_i32 = arith.constant 0 : i32
    %c0_i32_0 = arith.constant 0 : i32
    %c0_i32_1 = arith.constant 0 : i32
    return %c0_i32, %c0_i32_0 : i32, i32
  }
  func.func @transform_4(%arg0: i32) -> (i32, i32) {
    %c0_i32 = arith.constant 0 : i32
    %c0_i32_0 = arith.constant 0 : i32
    %c0_i32_1 = arith.constant 0 : i32
    return %c0_i32, %c0_i32_0 : i32, i32
  }
  func.func @transform_5(%arg0: i32) -> (i32, i32) {
    %c0_i32 = arith.constant 0 : i32
    %c0_i32_0 = arith.constant 0 : i32
    %c0_i32_1 = arith.constant 0 : i32
    return %c0_i32, %c0_i32_0 : i32, i32
  }
  func.func @transform_6(%arg0: i32) -> (i32, i32) {
    %c0_i32 = arith.constant 0 : i32
    %c0_i32_0 = arith.constant 0 : i32
    %c0_i32_1 = arith.constant 0 : i32
    return %c0_i32, %c0_i32_0 : i32, i32
  }
  func.func @transform_7(%arg0: i32) -> (i32, i32) {
    %c0_i32 = arith.constant 0 : i32
    %c0_i32_0 = arith.constant 0 : i32
    %c0_i32_1 = arith.constant 0 : i32
    return %c0_i32, %c0_i32_0 : i32, i32
  }
  func.func @transform_8(%arg0: i32) -> (i32, i32) {
    %c0_i32 = arith.constant 0 : i32
    %c0_i32_0 = arith.constant 0 : i32
    %c0_i32_1 = arith.constant 0 : i32
    return %c0_i32, %c0_i32_0 : i32, i32
  }
  func.func @transform_9(%arg0: i32) -> (i32, i32) {
    %c0_i32 = arith.constant 0 : i32
    %c0_i32_0 = arith.constant 0 : i32
    %c0_i32_1 = arith.constant 0 : i32
    return %c0_i32, %c0_i32_0 : i32, i32
  }
  func.func @transform_10(%arg0: i32) -> (i32, i32) {
    %c0_i32 = arith.constant 0 : i32
    %c0_i32_0 = arith.constant 0 : i32
    %c0_i32_1 = arith.constant 0 : i32
    return %c0_i32, %c0_i32_0 : i32, i32
  }
  func.func @transform_11(%arg0: i32) -> (i32, i32, i32) {
    %c0_i32 = arith.constant 0 : i32
    %c0_i32_0 = arith.constant 0 : i32
    %c0_i32_1 = arith.constant 0 : i32
    return %arg0, %c0_i32, %c0_i32_0 : i32, i32, i32
  }
  func.func @transform_12(%arg0: i32) -> (i32, i32, i32) {
    %sub3A = arith.constant 31 : i32
    %sub3A_0 = arith.subi %sub3A, %arg0 : i32
    %c0_i32 = arith.constant 0 : i32
    %c0_i32_1 = arith.constant 0 : i32
    %c0_i32_2 = arith.constant 0 : i32
    return %sub3A_0, %c0_i32, %c0_i32_1 : i32, i32, i32
  }
}

module attributes {stable_mosaic.version = 14 : i64} {
  func.func @_attn_body(%arg0: i32, %arg1: memref<1x512x256xf32, #tpu.memory_space<vmem>>, %arg2: memref<256x256xf32, #tpu.memory_space<vmem>>, %arg3: memref<1x256xf32, #tpu.memory_space<vmem>>, %arg4: memref<256x256xf32, #tpu.memory_space<vmem>>, %arg5: memref<1x256xf32, #tpu.memory_space<vmem>>, %arg6: memref<256x256xf32, #tpu.memory_space<vmem>>, %arg7: memref<1x256xf32, #tpu.memory_space<vmem>>, %arg8: memref<256x64xf32, #tpu.memory_space<vmem>>, %arg9: memref<1x64xf32, #tpu.memory_space<vmem>>, %arg10: memref<1x512x512xf32, #tpu.memory_space<vmem>>, %arg11: memref<1x512x64xf32, #tpu.memory_space<vmem>>) attributes {dimension_semantics = [#tpu.dimension_semantics<arbitrary>], iteration_bounds = array<i64: 16>, scalar_prefetch = 0 : i64, scratch_operands = 0 : i64, tpu.core_type = #tpu.core_type<tc>, window_params = [{transform_indices = @transform_0, window_bounds = array<i64: 1, 512, 256>}, {pipeline_mode = #tpu.pipeline_mode<synchronous>, transform_indices = @transform_1, window_bounds = array<i64: 256, 256>}, {pipeline_mode = #tpu.pipeline_mode<synchronous>, transform_indices = @transform_2, window_bounds = array<i64: 1, 256>}, {pipeline_mode = #tpu.pipeline_mode<synchronous>, transform_indices = @transform_3, window_bounds = array<i64: 256, 256>}, {pipeline_mode = #tpu.pipeline_mode<synchronous>, transform_indices = @transform_4, window_bounds = array<i64: 1, 256>}, {pipeline_mode = #tpu.pipeline_mode<synchronous>, transform_indices = @transform_5, window_bounds = array<i64: 256, 256>}, {pipeline_mode = #tpu.pipeline_mode<synchronous>, transform_indices = @transform_6, window_bounds = array<i64: 1, 256>}, {pipeline_mode = #tpu.pipeline_mode<synchronous>, transform_indices = @transform_7, window_bounds = array<i64: 256, 64>}, {pipeline_mode = #tpu.pipeline_mode<synchronous>, transform_indices = @transform_8, window_bounds = array<i64: 1, 64>}, {transform_indices = @transform_9, window_bounds = array<i64: 1, 512, 512>}, {transform_indices = @transform_10, window_bounds = array<i64: 1, 512, 64>}]} {
    %get3A = arith.constant 0 : index
    %get3A_0 = arith.constant 0 : index
    %get3A_1 = arith.constant 0 : index
    %get3A_2 = vector.load %arg1[%get3A, %get3A_0, %get3A_1] : memref<1x512x256xf32, #tpu.memory_space<vmem>>, vector<1x512x256xf32>
    %get3A_3 = vector.shape_cast %get3A_2 : vector<1x512x256xf32> to vector<512x256xf32>
    %get3A_4 = arith.constant 0 : index
    %get3A_5 = arith.constant 0 : index
    %get3A_6 = vector.load %arg2[%get3A_4, %get3A_5] : memref<256x256xf32, #tpu.memory_space<vmem>>, vector<256x256xf32>
    %dot_general3A = arith.constant dense<0.000000e+00> : vector<512x256xf32>
    %dot_general3A_7 = tpu.matmul %get3A_3, %get3A_6, %dot_general3A {dimension_numbers = #tpu.dot_dimension_numbers<[1], [0], [0], [1], [0, 0, 1, 1], [], []>, transpose_lhs_hint = false} : vector<512x256xf32>, vector<256x256xf32>, vector<512x256xf32> -> vector<512x256xf32>
    %get3A_8 = arith.constant 0 : index
    %get3A_9 = arith.constant 0 : index
    %get3A_10 = vector.load %arg3[%get3A_8, %get3A_9] : memref<1x256xf32, #tpu.memory_space<vmem>>, vector<1x256xf32>
    %add3A = vector.broadcast %get3A_10 : vector<1x256xf32> to vector<512x256xf32>
    %add3A_11 = arith.addf %dot_general3A_7, %add3A : vector<512x256xf32>
    %get3A_12 = arith.constant 0 : index
    %get3A_13 = arith.constant 0 : index
    %get3A_14 = vector.load %arg4[%get3A_12, %get3A_13] : memref<256x256xf32, #tpu.memory_space<vmem>>, vector<256x256xf32>
    %dot_general3A_15 = arith.constant dense<0.000000e+00> : vector<512x256xf32>
    %dot_general3A_16 = tpu.matmul %get3A_3, %get3A_14, %dot_general3A_15 {dimension_numbers = #tpu.dot_dimension_numbers<[1], [0], [0], [1], [0, 0, 1, 1], [], []>, transpose_lhs_hint = false} : vector<512x256xf32>, vector<256x256xf32>, vector<512x256xf32> -> vector<512x256xf32>
    %get3A_17 = arith.constant 0 : index
    %get3A_18 = arith.constant 0 : index
    %get3A_19 = vector.load %arg5[%get3A_17, %get3A_18] : memref<1x256xf32, #tpu.memory_space<vmem>>, vector<1x256xf32>
    %add3A_20 = vector.broadcast %get3A_19 : vector<1x256xf32> to vector<512x256xf32>
    %add3A_21 = arith.addf %dot_general3A_16, %add3A_20 : vector<512x256xf32>
    %get3A_22 = arith.constant 0 : index
    %get3A_23 = arith.constant 0 : index
    %get3A_24 = vector.load %arg6[%get3A_22, %get3A_23] : memref<256x256xf32, #tpu.memory_space<vmem>>, vector<256x256xf32>
    %dot_general3A_25 = arith.constant dense<0.000000e+00> : vector<512x256xf32>
    %dot_general3A_26 = tpu.matmul %get3A_3, %get3A_24, %dot_general3A_25 {dimension_numbers = #tpu.dot_dimension_numbers<[1], [0], [0], [1], [0, 0, 1, 1], [], []>, transpose_lhs_hint = false} : vector<512x256xf32>, vector<256x256xf32>, vector<512x256xf32> -> vector<512x256xf32>
    %get3A_27 = arith.constant 0 : index
    %get3A_28 = arith.constant 0 : index
    %get3A_29 = vector.load %arg7[%get3A_27, %get3A_28] : memref<1x256xf32, #tpu.memory_space<vmem>>, vector<1x256xf32>
    %add3A_30 = vector.broadcast %get3A_29 : vector<1x256xf32> to vector<512x256xf32>
    %add3A_31 = arith.addf %dot_general3A_26, %add3A_30 : vector<512x256xf32>
    %dot_general3A_32 = arith.constant dense<0.000000e+00> : vector<512x512xf32>
    %dot_general3A_33 = tpu.matmul %add3A_11, %add3A_21, %dot_general3A_32 {dimension_numbers = #tpu.dot_dimension_numbers<[1], [1], [0], [0], [0, 0, 1, 0], [], []>, transpose_lhs_hint = false} : vector<512x256xf32>, vector<512x256xf32>, vector<512x512xf32> -> vector<512x512xf32>
    %sqrt3A = arith.constant 2.560000e+02 : f32
    %sqrt3A_34 = math.sqrt %sqrt3A : f32
    %div3A = vector.broadcast %sqrt3A_34 : f32 to vector<512x512xf32>
    %div3A_35 = arith.divf %dot_general3A_33, %div3A : vector<512x512xf32>
    %reduce_max3A = arith.constant dense<0xFF800000> : vector<512xf32>
    %reduce_max3A_36 = vector.multi_reduction <maximumf>, %div3A_35, %reduce_max3A [1] : vector<512x512xf32> to vector<512xf32>
    %broadcast_in_dim3A = vector.shape_cast %reduce_max3A_36 : vector<512xf32> to vector<512x1xf32>
    %sub3A = vector.broadcast %broadcast_in_dim3A : vector<512x1xf32> to vector<512x512xf32>
    %sub3A_37 = arith.subf %div3A_35, %sub3A : vector<512x512xf32>
    %exp3A = math.exp %sub3A_37 : vector<512x512xf32>
    %reduce_sum3A = arith.constant dense<0.000000e+00> : vector<512xf32>
    %reduce_sum3A_38 = vector.multi_reduction <add>, %exp3A, %reduce_sum3A [1] : vector<512x512xf32> to vector<512xf32>
    %broadcast_in_dim3A_39 = vector.shape_cast %reduce_sum3A_38 : vector<512xf32> to vector<512x1xf32>
    %div3A_40 = vector.broadcast %broadcast_in_dim3A_39 : vector<512x1xf32> to vector<512x512xf32>
    %div3A_41 = arith.divf %exp3A, %div3A_40 : vector<512x512xf32>
    %swap3A = arith.constant 0 : index
    %swap3A_42 = arith.constant 0 : index
    %swap3A_43 = arith.constant 0 : index
    %swap3A_44 = vector.load %arg10[%swap3A, %swap3A_42, %swap3A_43] : memref<1x512x512xf32, #tpu.memory_space<vmem>>, vector<1x512x512xf32>
    %swap3A_45 = vector.shape_cast %swap3A_44 : vector<1x512x512xf32> to vector<512x512xf32>
    %swap3A_46 = vector.shape_cast %div3A_41 : vector<512x512xf32> to vector<1x512x512xf32>
    tpu.vector_store %arg10[%swap3A, %swap3A_42, %swap3A_43], %swap3A_46 {strides = array<i32>} : memref<1x512x512xf32, #tpu.memory_space<vmem>>, vector<1x512x512xf32>,
    %dot_general3A_47 = arith.constant dense<0.000000e+00> : vector<512x256xf32>
    %dot_general3A_48 = tpu.matmul %div3A_41, %add3A_31, %dot_general3A_47 {dimension_numbers = #tpu.dot_dimension_numbers<[1], [0], [0], [1], [0, 0, 1, 1], [], []>, transpose_lhs_hint = false} : vector<512x512xf32>, vector<512x256xf32>, vector<512x256xf32> -> vector<512x256xf32>
    %get3A_49 = arith.constant 0 : index
    %get3A_50 = arith.constant 0 : index
    %get3A_51 = vector.load %arg8[%get3A_49, %get3A_50] : memref<256x64xf32, #tpu.memory_space<vmem>>, vector<256x64xf32>
    %dot_general3A_52 = arith.constant dense<0.000000e+00> : vector<512x64xf32>
    %dot_general3A_53 = tpu.matmul %dot_general3A_48, %get3A_51, %dot_general3A_52 {dimension_numbers = #tpu.dot_dimension_numbers<[1], [0], [0], [1], [0, 0, 1, 1], [], []>, transpose_lhs_hint = false} : vector<512x256xf32>, vector<256x64xf32>, vector<512x64xf32> -> vector<512x64xf32>
    %get3A_54 = arith.constant 0 : index
    %get3A_55 = arith.constant 0 : index
    %get3A_56 = vector.load %arg9[%get3A_54, %get3A_55] : memref<1x64xf32, #tpu.memory_space<vmem>>, vector<1x64xf32>
    %add3A_57 = vector.broadcast %get3A_56 : vector<1x64xf32> to vector<512x64xf32>
    %add3A_58 = arith.addf %dot_general3A_53, %add3A_57 : vector<512x64xf32>
    %reduce_max3A_59 = arith.constant dense<0xFF800000> : vector<512xf32>
    %reduce_max3A_60 = vector.multi_reduction <maximumf>, %add3A_58, %reduce_max3A_59 [1] : vector<512x64xf32> to vector<512xf32>
    %broadcast_in_dim3A_61 = vector.shape_cast %reduce_max3A_60 : vector<512xf32> to vector<512x1xf32>
    %sub3A_62 = vector.broadcast %broadcast_in_dim3A_61 : vector<512x1xf32> to vector<512x64xf32>
    %sub3A_63 = arith.subf %add3A_58, %sub3A_62 : vector<512x64xf32>
    %exp3A_64 = math.exp %sub3A_63 : vector<512x64xf32>
    %reduce_sum3A_65 = arith.constant dense<0.000000e+00> : vector<512xf32>
    %reduce_sum3A_66 = vector.multi_reduction <add>, %exp3A_64, %reduce_sum3A_65 [1] : vector<512x64xf32> to vector<512xf32>
    %broadcast_in_dim3A_67 = vector.shape_cast %reduce_sum3A_66 : vector<512xf32> to vector<512x1xf32>
    %log3A = math.log %broadcast_in_dim3A_67 : vector<512x1xf32>
    %sub3A_68 = vector.broadcast %log3A : vector<512x1xf32> to vector<512x64xf32>
    %sub3A_69 = arith.subf %sub3A_63, %sub3A_68 : vector<512x64xf32>
    %swap3A_70 = arith.constant 0 : index
    %swap3A_71 = arith.constant 0 : index
    %swap3A_72 = arith.constant 0 : index
    %swap3A_73 = vector.load %arg11[%swap3A_70, %swap3A_71, %swap3A_72] : memref<1x512x64xf32, #tpu.memory_space<vmem>>, vector<1x512x64xf32>
    %swap3A_74 = vector.shape_cast %swap3A_73 : vector<1x512x64xf32> to vector<512x64xf32>
    %swap3A_75 = vector.shape_cast %sub3A_69 : vector<512x64xf32> to vector<1x512x64xf32>
    tpu.vector_store %arg11[%swap3A_70, %swap3A_71, %swap3A_72], %swap3A_75 {strides = array<i32>} : memref<1x512x64xf32, #tpu.memory_space<vmem>>, vector<1x512x64xf32>,
    return
  }
  func.func @transform_0(%arg0: i32) -> (i32, i32, i32) {
    %c0_i32 = arith.constant 0 : i32
    %c0_i32_0 = arith.constant 0 : i32
    %c0_i32_1 = arith.constant 0 : i32
    return %arg0, %c0_i32, %c0_i32_0 : i32, i32, i32
  }
  func.func @transform_1(%arg0: i32) -> (i32, i32) {
    %c0_i32 = arith.constant 0 : i32
    %c0_i32_0 = arith.constant 0 : i32
    %c0_i32_1 = arith.constant 0 : i32
    return %c0_i32, %c0_i32_0 : i32, i32
  }
  func.func @transform_2(%arg0: i32) -> (i32, i32) {
    %c0_i32 = arith.constant 0 : i32
    %c0_i32_0 = arith.constant 0 : i32
    %c0_i32_1 = arith.constant 0 : i32
    return %c0_i32, %c0_i32_0 : i32, i32
  }
  func.func @transform_3(%arg0: i32) -> (i32, i32) {
    %c0_i32 = arith.constant 0 : i32
    %c0_i32_0 = arith.constant 0 : i32
    %c0_i32_1 = arith.constant 0 : i32
    return %c0_i32, %c0_i32_0 : i32, i32
  }
  func.func @transform_4(%arg0: i32) -> (i32, i32) {
    %c0_i32 = arith.constant 0 : i32
    %c0_i32_0 = arith.constant 0 : i32
    %c0_i32_1 = arith.constant 0 : i32
    return %c0_i32, %c0_i32_0 : i32, i32
  }
  func.func @transform_5(%arg0: i32) -> (i32, i32) {
    %c0_i32 = arith.constant 0 : i32
    %c0_i32_0 = arith.constant 0 : i32
    %c0_i32_1 = arith.constant 0 : i32
    return %c0_i32, %c0_i32_0 : i32, i32
  }
  func.func @transform_6(%arg0: i32) -> (i32, i32) {
    %c0_i32 = arith.constant 0 : i32
    %c0_i32_0 = arith.constant 0 : i32
    %c0_i32_1 = arith.constant 0 : i32
    return %c0_i32, %c0_i32_0 : i32, i32
  }
  func.func @transform_7(%arg0: i32) -> (i32, i32) {
    %c0_i32 = arith.constant 0 : i32
    %c0_i32_0 = arith.constant 0 : i32
    %c0_i32_1 = arith.constant 0 : i32
    return %c0_i32, %c0_i32_0 : i32, i32
  }
  func.func @transform_8(%arg0: i32) -> (i32, i32) {
    %c0_i32 = arith.constant 0 : i32
    %c0_i32_0 = arith.constant 0 : i32
    %c0_i32_1 = arith.constant 0 : i32
    return %c0_i32, %c0_i32_0 : i32, i32
  }
  func.func @transform_9(%arg0: i32) -> (i32, i32, i32) {
    %c0_i32 = arith.constant 0 : i32
    %c0_i32_0 = arith.constant 0 : i32
    %c0_i32_1 = arith.constant 0 : i32
    return %arg0, %c0_i32, %c0_i32_0 : i32, i32, i32
  }
  func.func @transform_10(%arg0: i32) -> (i32, i32, i32) {
    %c0_i32 = arith.constant 0 : i32
    %c0_i32_0 = arith.constant 0 : i32
    %c0_i32_1 = arith.constant 0 : i32
    return %arg0, %c0_i32, %c0_i32_0 : i32, i32, i32
  }
}

</mosaic_0001>

<sc_bundles>
// kernel: kernel.6.cloned.1.call-start
scs
__scs_entry_jumppad:
0x0: {  	(pc) =	sbr.rel $0x88, $3  }
0x1: {  	(tag) =	ssettag $0x0;
	lr =	simm.s32 $0x1  }
0x2: {  	[smem:$0x3F8A] =	sst lr;
	_ =	strace $0xD0000000  }
0x3: {  	_ = 	snop  }
0x4: {  	_ = 	snop  }
0x5: {  	_ = 	snop  }
0x6: {  	_ = 	snop  }
0x7: {  	_ = 	snop  }
__scs_overlays_trampoline_lowered:
0x8: {  	[smem:$0x3F99] =	sst s0  }
0x9: {  	[smem:$0x3F9A] =	sst s1  }
0xa: {  	[smem:$0x3F9B] =	sst s2  }
0xb: {  	[smem:$0x3F9C] =	sst s3  }
0xc: {  	[smem:$0x3F9D] =	sst s4  }
0xd: {  	[smem:$0x3F9E] =	sst s5  }
0xe: {  	[smem:$0x3F9F] =	sst s6  }
0xf: {  	[smem:$0x3FA0] =	sst s7  }
0x10: {  	[smem:$0x3FA1] =	sst s8  }
0x11: {  	[smem:$0x3FA2] =	sst s9;
	s0 =	simm.s32 @!p0 $0x0  }
0x12: {  	s1 =	sld [smem:$0x3F88];
	s0 =	simm.s32 @p0 $0x1  }
0x13: {  	[smem:$0x3FA3] =	sst s0;
	s0 =	simm.s32 @!p1 $0x0  }
0x14: {  	s2 =	sld [smem:$0x3F87];
	s0 =	simm.s32 @p1 $0x1  }
0x15: {  	[smem:$0x3FA4] =	sst s0;
	s0 =	simm.s32 @!p2 $0x0  }
0x16: {  	s3 =	sld [smem:$0x3FDB];
	s0 =	simm.s32 @p2 $0x1  }
0x17: {  	s4 =	simm.s32 $0x1BF5;
	[smem:$0x3FA6] =	sst s0  }
0x18: {  	s0 =	sld [smem:$0x3F89];
	_ =	swait.ge [sflag:s4], $0x0  }
0x19: {  	s7 =	sld [smem:$0x3F8A]  }
0x1a: {  	s8 =	sadd.s32 $0xFFFFE003, lr  }
0x1b: {  	s9 =	sadd.s32 $0xFFFFFEF7, lr;
	s5 =	simm.s32 $0xFFFFFFFF;
	p2 =	slt.u32 s8, $0xFFFFF086  }
0x1c: {  	p1 =	slt.u32 s9, $0xF7A;
	s5 =	simm.s32 @!p2 $0x0  }
0x1d: {  	s5 =	simm.s32 @p1 $0x1;
	p0 =	seq.s32 s7, s2  }
0x1e: {  	s7 =	smul.u32 @!p0 $0xF7A, s2;
	p2 =	seq.s32 @!p0 s5, $0x0  }
0x1f: {  	s9 =	smul.u32 $0xF7A, s1;
	s8 =	simm.s32 @!p0 $0x1BF5;
	p2 =	por !p2, p0  }
0x20: {  	[sflag:s8] =	ssyncset.s32 @!p0 $0xFFFFF086;
	s6 =	sadd.s32 @!p0 s3, s7;
	s7 =	simm.s32 @!p0 $0x108  }
0x21: {  	s3 =	sadd.s32 s3, s9;
	s6 =	sadd.s32 @!p0 $0x88, s6;
	s7 =	simm.s32 @p2 $0x1082  }
0x22: {  	[simem:s7], [sflag:s8] =	dma.local @!p0 [hbm:s6], $0xF7A  }
0x23: {  	s9 =	sor.u32 $0xD0000000, s2;
	s6 =	simm.s32 $0x108;
	_ =	swait.ge @!p0 [sflag:s8], $0x0  }
0x24: {  	s3 =	sadd.s32 $0x88, s3;
	s6 =	simm.s32 @!p1 $0x1082;
	[sflag:s4] =	ssyncset.s32 $0xFFFFF086  }
0x25: {  	[simem:s6], [sflag:s4] =	dma.local [hbm:s3], $0xF7A  }
0x26: {  	[smem:$0x3F8A] =	sst s1;
	(tag) =	ssettag s2;
	_ =	strace s9  }
0x27: {  	s1 =	sld [smem:$0x3F9A]  }
0x28: {  	s2 =	sld [smem:$0x3F9B]  }
0x29: {  	s4 =	sld [smem:$0x3F9D]  }
0x2a: {  	p0 =	seq.s32 s5, $0x0;
	s5 =	sld [smem:$0x3F9E]  }
0x2b: {  	s6 =	sld [smem:$0x3F9F]  }
0x2c: {  	s7 =	sld [smem:$0x3FA0]  }
0x2d: {  	s3 =	simm.s32 $0x108;
	s8 =	sld [smem:$0x3FA1]  }
0x2e: {  	s3 =	simm.s32 @!p0 $0x1082;
	s9 =	sld [smem:$0x3FA2]  }
0x2f: {  	lr =	sadd.s32 s0, s3;
	s0 =	sld [smem:$0x3F99]  }
0x30: {  	s3 =	sld [smem:$0x3F9C]  }
0x31: {  	[smem:$0x3FA5] =	sst s10  }
0x32: {  	s10 =	sld [smem:$0x3FA3];
	_ =	sdelay $0x3  }
0x33: {  	p0 =	seq.s32 s10, $0x1;
	s10 =	sld [smem:$0x3FA5];
	_ =	sdelay $0x3  }
0x34: {  	[smem:$0x3FA5] =	sst s10  }
0x35: {  	s10 =	sld [smem:$0x3FA4];
	_ =	sdelay $0x3  }
0x36: {  	p1 =	seq.s32 s10, $0x1;
	s10 =	sld [smem:$0x3FA5];
	_ =	sdelay $0x3  }
0x37: {  	[smem:$0x3FA5] =	sst s10  }
0x38: {  	s10 =	sld [smem:$0x3FA6]  }
0x39: {  	_ = 	snop;
	(pc) =	sbr.ind lr, $3  }
0x3a: {  	_ = 	snop  }
0x3b: {  	_ = 	snop  }
0x3c: {  	p2 =	seq.s32 s10, $0x1;
	s10 =	sld [smem:$0x3FA5]  }
0x3d: {  	_ =	shalt  }
0x3e: {  	_ =	shalt  }
0x3f: {  	_ =	shalt  }
0x40: {  	_ =	shalt  }
0x41: {  	_ =	shalt  }
0x42: {  	_ =	shalt  }
0x43: {  	_ =	shalt  }
0x44: {  	_ =	shalt  }
0x45: {  	_ =	shalt  }
0x46: {  	_ =	shalt  }
0x47: {  	_ =	shalt  }
0x48: {  	_ =	shalt  }
0x49: {  	_ =	shalt  }
0x4a: {  	_ =	shalt  }
0x4b: {  	_ =	shalt  }
0x4c: {  	_ =	shalt  }
0x4d: {  	_ =	shalt  }
0x4e: {  	_ =	shalt  }
0x4f: {  	_ =	shalt  }
0x50: {  	_ =	shalt  }
0x51: {  	_ =	shalt  }
0x52: {  	_ =	shalt  }
0x53: {  	_ =	shalt  }
0x54: {  	_ =	shalt  }
0x55: {  	_ =	shalt  }
0x56: {  	_ =	shalt  }
0x57: {  	_ =	shalt  }
0x58: {  	_ =	shalt  }
0x59: {  	_ =	shalt  }
0x5a: {  	_ =	shalt  }
0x5b: {  	_ =	shalt  }
0x5c: {  	_ =	shalt  }
0x5d: {  	_ =	shalt  }
0x5e: {  	_ =	shalt  }
0x5f: {  	_ =	shalt  }
0x60: {  	_ =	shalt  }
0x61: {  	_ =	shalt  }
0x62: {  	_ =	shalt  }
0x63: {  	_ =	shalt  }
0x64: {  	_ =	shalt  }
0x65: {  	_ =	shalt  }
0x66: {  	_ =	shalt  }
0x67: {  	_ =	shalt  }
0x68: {  	_ =	shalt  }
0x69: {  	_ =	shalt  }
0x6a: {  	_ =	shalt  }
0x6b: {  	_ =	shalt  }
0x6c: {  	_ =	shalt  }
0x6d: {  	_ =	shalt  }
0x6e: {  	_ =	shalt  }
0x6f: {  	_ =	shalt  }
0x70: {  	_ =	shalt  }
0x71: {  	_ =	shalt  }
0x72: {  	_ =	shalt  }
0x73: {  	_ =	shalt  }
0x74: {  	_ =	shalt  }
0x75: {  	_ =	shalt  }
0x76: {  	_ =	shalt  }
0x77: {  	_ =	shalt  }
0x78: {  	_ =	shalt  }
0x79: {  	_ =	shalt  }
0x7a: {  	_ =	shalt  }
0x7b: {  	_ =	shalt  }
0x7c: {  	_ =	shalt  }
0x7d: {  	_ =	shalt  }
0x7e: {  	_ =	shalt  }
0x7f: {  	_ =	shalt  }
0x80: {  	_ =	shalt  }
0x81: {  	_ =	shalt  }
0x82: {  	_ =	shalt  }
0x83: {  	_ =	shalt  }
0x84: {  	_ =	shalt  }
0x85: {  	_ =	shalt  }
0x86: {  	_ =	shalt  }
0x87: {  	_ =	shalt  }
.Lfunc_end0:
.L_simem_size_0:
called_computation_lowered:
.L_overlay_start_0:
0x88: {  	s2 =	sld [smem:$0x3FD9]  }
0x89: {  	s3 =	sld [smem:$0x3FFE];
	_ =	sdelay $0x1  }
0x8a: {  	s1 =	srdreg.scid  }
0x8b: {  	s0 =	sand.u32 $0x1, s1  }
0x8c: {  	s14 =	sshll.u32 s0, $0xA;
	s2 =	sadd.s32 s3, s2  }
0x8d: {  	s2 =	sadd.s32 s2, s14  }
0x8e: {  	[smem:$0x3FB1] =	sst s2  }
0x8f: {  	_ = 	snop  }
0x90: {  	s2 =	sld [smem:$0x3FD0];
	_ =	sdelay $0x2  }
0x91: {  	s15 =	simm.s32 $0xA;
	s4 =	simm.s32 $0x10  }
0x92: {  	[smem:s4], [sflag:s15] =	dma.local [hbm:s2], $0x1  }
0x93: {  	_ =	swait.eq [sflag:s15], $0x1  }
0x94: {  	[sflag:s15] =	ssyncset.done $0x0  }
0x95: {  	s16 =	sld [smem:$0x10];
	[sflag:s15] =	ssyncadd.s32 $0xFFFFFFFF  }
0x96: {  	s17 =	sld [smem:$0x13];
	(tm) =	ssettm $0x1  }
0x97: {  	s18 =	sld [smem:$0x3FFB];
	_ =	sdelay $0x3  }
0x98: {  	_ =	strace s18  }
0x99: {  	s4 =	sld [smem:$0x3FFC];
	_ =	sdelay $0x3  }
0x9a: {  	_ =	strace s4  }
0x9b: {  	s4 =	sld [smem:$0x3FFD];
	_ =	sdelay $0x3  }
0x9c: {  	_ =	strace s4  }
0x9d: {  	_ =	strace $0x8FFFFFFF  }
0x9e: {  	s19 =	sld [smem:$0x3FDB];
	_ =	sdelay $0x1  }
0x9f: {  	s5 =	simm.s32 $_scs_section_size  }
0xa0: {  	s6 =	simm.s32 $_size__tile_overlayer_lowered;
	s7 =	simm.s32 $_tile_overlayer_lowered  }
0xa1: {  	s22 =	simm.s32 $0x1BFF;
	s21 =	sshll.u32 s7, $0x1;
	s4 =	sadd.s32 s5, s19  }
0xa2: {  	s8 =	simm.s32 $0x0;
	s20 =	sshll.u32 s6, $0x1;
	s6 =	sadd.s32 s21, s4  }
0xa3: {  	[timem:s8], [sflag:s22] =	dma.local [hbm:s6], s20  }
0xa4: {  	_ =	swait.ge [sflag:s22], s20  }
0xa5: {  	s5 =	ssub.s32 $0x0, s20;
	[sflag:s22] =	ssyncset.done $0x0  }
0xa6: {  	[sflag:s22] =	ssyncadd.s32 s5;
	_ =	sdelay $0x1  }
0xa7: {  	s23 =	simm.s32 $0x1B8B  }
0xa8: {  	_ =	swait.ge [sflag:s23], $0x1  }
0xa9: {  	[sflag:s23] =	ssyncset.done $0x0  }
0xaa: {  	s25 =	simm.s32 $0x1B8E;
	s24 =	sld [smem:$0x3FFE];
	[sflag:s23] =	ssyncadd.s32 $0xFFFFFFFF  }
0xab: {  	s26 =	simm.s32 $execute0_lowered;
	[smem:$0x3FD2] =	sst s25  }
0xac: {  	s6 =	sshll.u32 s26, $0x1;
	_ =	strace $0x80000046;
	[dreg:$0x1] =	wrdreg $0xFFFFFFFF  }
0xad: {  	s28 =	simm.s32 $_size_execute0_lowered;
	s4 =	sadd.s32 s4, s6;
	[dreg:$0x0] =	wrdreg $0x0  }
0xae: {  	s6 =	sshll.u32 s28, $0x1;
	[dreg:$0x2] =	wrdreg s4  }
0xaf: {  	[dreg:$0x3] =	wrdreg s6  }
0xb0: {  	[dreg:$0x4] =	wrdreg $0xC0  }
0xb1: {  	_ =	task [dreg:s8], $0x5FFFF  }
0xb2: {  	[dreg:$0x1] =	wrdreg $0xFFFFFFFF  }
0xb3: {  	[dreg:$0x0] =	wrdreg $0x60  }
0xb4: {  	[dreg:$0x2] =	wrdreg s24  }
0xb5: {  	[dreg:$0x3] =	wrdreg s16  }
0xb6: {  	[dreg:$0x4] =	wrdreg s17  }
0xb7: {  	[dreg:$0x5] =	wrdreg $0x9  }
0xb8: {  	_ =	task.clear_ibuf [dreg:s8], $0x6FFFF;
	_ =	strace $0x90000046  }
0xb9: {  	s29 =	simm.s32 $0x9;
	_ =	strace $0x80000048  }
0xba: {  	_ =	swait.ge [sflag:s29], $0x1  }
0xbb: {  	[sflag:s29] =	ssyncadd.s32 $0xFFFFFFFF  }
0xbc: {  	_ =	strace $0x90000048  }
0xbd: {  	_ =	sfence  }
0xbe: {  	s30 =	sld [smem:$0x0];
	_ =	sdelay $0x2  }
0xbf: {  	s31 =	sshll.u32 s1, $0xD;
	s1 =	sshrl.u32 s1, $0x2  }
0xc0: {  	s3 =	sand.u32 $0x4000, s31;
	s1 =	sadd.s32 s1, s30  }
0xc1: {  	s0 =	sor.u32 s3, s0;
	s1 =	sshll.u32 s1, $0x11  }
0xc2: {  	s0 =	sor.u32 s1, s0  }
0xc3: {  	s0 =	sadd.s32 $0x8F2B, s0  }
0xc4: {  	[sflag:s0] =	ssyncadd.remote.s32 $0x1  }
0xc5: {  	_ =	sfence.sel $0xFFFF  }
0xc6: {  	[dreg:$0x0] =	wrdreg $0xFFFFFFFF;
	(pc) =	sbr.abs _section_cstart, $3  }
0xc7: {  	[dreg:$0x1] =	wrdreg $0xFFFFFFFF  }
0xc8: {  	_ =	task.clear_ibuf [dreg:s8], $0x2FFFF;
	_ =	strace $0x9FFFFFFF  }
0xc9: {  	(tm) =	ssettm $0x7FFFFFFF  }
tec
execute0_lowered:
.L_overlay_start_1:
0x0: {  	(tag) =	ssettag $0x1  }
0x1: {  	s1 =	rddreg [dreg:$0x0]  }
0x2: {  	s3 =	rddreg [dreg:$0x1];
	s2 =	srdreg.scid  }
0x3: {  	s0 =	stileid.u32;
	s4 =	rddreg [dreg:$0x2];
	s17 =	simm.s32 $0x900  }
0x4: {  	s18 =	simm.s32 $0x1100;
	s19 =	simm.s32 $0x1900;
	s20 =	simm.s32 $0x2100  }
0x5: {  	s21 =	simm.s32 $0x2900;
	s22 =	simm.s32 $0x3100;
	s24 =	simm.s32 $0x3900  }
0x6: {  	s25 =	simm.s32 $0x4100;
	s5 =	sand.u32 $0x1, s2;
	s2 =	simm.s32 $0x0  }
0x7: {  	s26 =	simm.s32 $0x4900;
	s9 =	simm.s32 $0x5900;
	[smem:$0x7FF] =	sst s2  }
0x8: {  	s10 =	simm.s32 $0x6100;
	_ =	strace $0x80000047;
	[dreg:$0x6] =	wrdreg s17  }
0x9: {  	s11 =	simm.s32 $0x6900;
	s12 =	simm.s32 $0x7100;
	[dreg:$0x7] =	wrdreg s18  }
0xa: {  	s13 =	simm.s32 $0x7900;
	s14 =	simm.s32 $0x8100;
	[dreg:$0x8] =	wrdreg s19  }
0xb: {  	s15 =	simm.s32 $0x8900;
	s16 =	simm.s32 $0x9100;
	[dreg:$0x9] =	wrdreg s20  }
0xc: {  	s28 =	simm.s32 $0xE900;
	s29 =	simm.s32 $0xF100;
	[dreg:$0xa] =	wrdreg s21  }
0xd: {  	s30 =	simm.s32 $0xF900;
	s6 =	sshll.u32 s0, $0x1;
	[dreg:$0xb] =	wrdreg s22  }
0xe: {  	s31 =	simm.s32 $0x1;
	s6 =	sor.u32 s5, s6;
	[dreg:$0xc] =	wrdreg s24  }
0xf: {  	s5 =	ssub.s32 $0x2, s5;
	s7 =	sshll.u32 s6, $0x5;
	[dreg:$0xd] =	wrdreg s25  }
0x10: {  	s6 =	sshll.u32 s6, $0xD;
	s23 =	sshrl.u32 s5, $0x1;
	[dreg:$0xe] =	wrdreg s26  }
0x11: {  	s17 =	simm.s32 $0x9900;
	s18 =	simm.s32 $0xA100;
	s19 =	simm.s32 $0xA900  }
0x12: {  	s20 =	simm.s32 $0xB100;
	s21 =	simm.s32 $0xB900;
	s22 =	simm.s32 $0xC100  }
0x13: {  	s24 =	simm.s32 $0xD100;
	s25 =	simm.s32 $0xD900;
	s26 =	simm.s32 $0xE100  }
0x14: {  	s7 =	sadd.s32 s3, s7;
	s3 =	sadd.s32 s4, s6;
	s5 =	ssub.s32 s5, s23  }
0x15: {  	v2 =	vlaneseq.u32;
	s6 =	simm.s32 $0x3;
	s23 =	simm.s32 $0xC900;
	[dreg:$0x4] =	wrdreg s7  }
0x16: {  	vm0 =	vmmov $0xffff;
	v1 =	vshrl.u32 v2, $0x3;
	s4 =	sadd.s32 $0x1000, s3;
	s5 =	smax.u32 s5, $0x1;
	s7 =	simm.s32 $0x100  }
0x17: {  	v0 =	vand.u32 $0x7, v2;
	v2 =	vor.u32 $0x8, v2;
	v1 =	vmul.u32 $0x8, v1;
	[dreg:$0x5] =	wrdreg s4;
	s4 =	sadd.s32 $0x3C00, s1;
	s1 =	simm.s32 $0x2  }
.LBB2_1:
0x18: {  	s0 =	rddreg [dreg:$0x4]  }
0x19: {  	[tilespmem:s2], [sflag:$0x3] =	stream.linear.gather [hbm4b:s0+s2], $0x100, $0x38;
	[tilespmem:$0x10100] =	vst v63  }
0x1a: {  	_ =	swait.ge [sflag:s6], $0x100  }
0x1b: {  	[sflag:s6] =	ssyncset.done $0x0  }
0x1c: {  	[sflag:s6] =	ssyncadd.s32 $0xFFFFFF00  }
0x1d: {  	v3 =	vld [tilespmem:$0x0];
	_ =	sdelay $0x4  }
0x1e: {  	v4 =	vshll.u32 v3, $0x1  }
0x1f: {  	v3 =	vand.u32 $0x7, v3;
	v4 =	vand.u32 $0xFFFFFFF0, v4  }
0x20: {  	v3 =	vor.u32 v3, v4  }
0x21: {  	v4 =	vperm.xlane v3, v0;
	_ =	sdelay $0x1  }
0x22: {  	v3 =	vperm.xlane v3, v2;
	v4 =	vadd.s32 v1, v4;
	_ =	sdelay $0x1  }
0x23: {  	v3 =	vadd.s32 v1, v3;
	_ =	sdelay $0x2  }
0x24: {  	[tilespmem:s7], [sflag:$0x1] =	stream.indirect_vreg.gather [hbm4b:s4+s2], $0x80, v4, vm0, $0xb8;
	[tilespmem:$0x10100] =	vst v63  }
0x25: {  	s8 =	rddreg [dreg:$0x6]  }
0x26: {  	[tilespmem:s8], [sflag:$0x1] =	stream.indirect_vreg.gather [hbm4b:s4+s2], $0x80, v3, vm0, $0xb8;
	[tilespmem:$0x10100] =	vst v63  }
0x27: {  	v3 =	vld [tilespmem:$0x10];
	_ =	sdelay $0x4  }
0x28: {  	v49 =	vshll.u32 v3, $0x1  }
0x29: {  	v3 =	vand.u32 $0x7, v3;
	v4 =	vand.u32 $0xFFFFFFF0, v49  }
0x2a: {  	v3 =	vor.u32 v3, v4  }
0x2b: {  	v4 =	vperm.xlane v3, v0;
	_ =	sdelay $0x1  }
0x2c: {  	v3 =	vperm.xlane v3, v2;
	v4 =	vadd.s32 v1, v4;
	_ =	sdelay $0x1  }
0x2d: {  	v3 =	vadd.s32 v1, v3;
	_ =	sdelay $0x1  }
0x2e: {  	s0 =	rddreg [dreg:$0x7]  }
0x2f: {  	[tilespmem:s0], [sflag:$0x1] =	stream.indirect_vreg.gather [hbm4b:s4+s2], $0x80, v4, vm0, $0xb8;
	[tilespmem:$0x10100] =	vst v63  }
0x30: {  	s8 =	rddreg [dreg:$0x8]  }
0x31: {  	[tilespmem:s8], [sflag:$0x1] =	stream.indirect_vreg.gather [hbm4b:s4+s2], $0x80, v3, vm0, $0xb8;
	[tilespmem:$0x10100] =	vst v63  }
0x32: {  	v3 =	vld [tilespmem:$0x20];
	_ =	sdelay $0x4  }
0x33: {  	v50 =	vshll.u32 v3, $0x1  }
0x34: {  	v3 =	vand.u32 $0x7, v3;
	v4 =	vand.u32 $0xFFFFFFF0, v50  }
0x35: {  	v3 =	vor.u32 v3, v4  }
0x36: {  	v4 =	vperm.xlane v3, v0;
	_ =	sdelay $0x1  }
0x37: {  	v3 =	vperm.xlane v3, v2;
	v4 =	vadd.s32 v1, v4;
	_ =	sdelay $0x1  }
0x38: {  	v3 =	vadd.s32 v1, v3;
	_ =	sdelay $0x1  }
0x39: {  	s0 =	rddreg [dreg:$0x9]  }
0x3a: {  	[tilespmem:s0], [sflag:$0x1] =	stream.indirect_vreg.gather [hbm4b:s4+s2], $0x80, v4, vm0, $0xb8;
	[tilespmem:$0x10100] =	vst v63  }
0x3b: {  	s8 =	rddreg [dreg:$0xa]  }
0x3c: {  	[tilespmem:s8], [sflag:$0x1] =	stream.indirect_vreg.gather [hbm4b:s4+s2], $0x80, v3, vm0, $0xb8;
	[tilespmem:$0x10100] =	vst v63  }
0x3d: {  	v3 =	vld [tilespmem:$0x30];
	_ =	sdelay $0x4  }
0x3e: {  	v51 =	vshll.u32 v3, $0x1  }
0x3f: {  	v3 =	vand.u32 $0x7, v3;
	v4 =	vand.u32 $0xFFFFFFF0, v51  }
0x40: {  	v3 =	vor.u32 v3, v4  }
0x41: {  	v4 =	vperm.xlane v3, v0;
	_ =	sdelay $0x1  }
0x42: {  	v3 =	vperm.xlane v3, v2;
	v4 =	vadd.s32 v1, v4;
	_ =	sdelay $0x1  }
0x43: {  	v3 =	vadd.s32 v1, v3;
	_ =	sdelay $0x1  }
0x44: {  	s0 =	rddreg [dreg:$0xb]  }
0x45: {  	[tilespmem:s0], [sflag:$0x1] =	stream.indirect_vreg.gather [hbm4b:s4+s2], $0x80, v4, vm0, $0xb8;
	[tilespmem:$0x10100] =	vst v63  }
0x46: {  	s8 =	rddreg [dreg:$0xc]  }
0x47: {  	[tilespmem:s8], [sflag:$0x1] =	stream.indirect_vreg.gather [hbm4b:s4+s2], $0x80, v3, vm0, $0xb8;
	[tilespmem:$0x10100] =	vst v63  }
0x48: {  	v3 =	vld [tilespmem:$0x40];
	_ =	sdelay $0x4  }
0x49: {  	v52 =	vshll.u32 v3, $0x1  }
0x4a: {  	v3 =	vand.u32 $0x7, v3;
	v4 =	vand.u32 $0xFFFFFFF0, v52  }
0x4b: {  	v3 =	vor.u32 v3, v4  }
0x4c: {  	v4 =	vperm.xlane v3, v0;
	_ =	sdelay $0x1  }
0x4d: {  	v3 =	vperm.xlane v3, v2;
	v4 =	vadd.s32 v1, v4;
	_ =	sdelay $0x1  }
0x4e: {  	v3 =	vadd.s32 v1, v3;
	_ =	sdelay $0x1  }
0x4f: {  	s0 =	rddreg [dreg:$0xd]  }
0x50: {  	[tilespmem:s0], [sflag:$0x1] =	stream.indirect_vreg.gather [hbm4b:s4+s2], $0x80, v4, vm0, $0xb8;
	[tilespmem:$0x10100] =	vst v63  }
0x51: {  	s8 =	rddreg [dreg:$0xe]  }
0x52: {  	[tilespmem:s8], [sflag:$0x1] =	stream.indirect_vreg.gather [hbm4b:s4+s2], $0x80, v3, vm0, $0xb8;
	[tilespmem:$0x10100] =	vst v63  }
0x53: {  	v3 =	vld [tilespmem:$0x50];
	_ =	sdelay $0x4  }
0x54: {  	v53 =	vshll.u32 v3, $0x1  }
0x55: {  	v3 =	vand.u32 $0x7, v3;
	v4 =	vand.u32 $0xFFFFFFF0, v53  }
0x56: {  	v3 =	vor.u32 v3, v4  }
0x57: {  	v4 =	vperm.xlane v3, v0;
	_ =	sdelay $0x1  }
0x58: {  	v3 =	vperm.xlane v3, v2;
	v4 =	vadd.s32 v1, v4;
	_ =	sdelay $0x1  }
0x59: {  	v3 =	vadd.s32 v1, v3;
	_ =	sdelay $0x1  }
0x5a: {  	s8 =	simm.s32 $0x5100  }
0x5b: {  	[tilespmem:s8], [sflag:$0x1] =	stream.indirect_vreg.gather [hbm4b:s4+s2], $0x80, v4, vm0, $0xb8;
	[tilespmem:$0x10100] =	vst v63  }
0x5c: {  	_ = 	snop  }
0x5d: {  	[tilespmem:s9], [sflag:$0x1] =	stream.indirect_vreg.gather [hbm4b:s4+s2], $0x80, v3, vm0, $0xb8;
	[tilespmem:$0x10100] =	vst v63  }
0x5e: {  	v3 =	vld [tilespmem:$0x60];
	_ =	sdelay $0x4  }
0x5f: {  	v54 =	vshll.u32 v3, $0x1  }
0x60: {  	v3 =	vand.u32 $0x7, v3;
	v4 =	vand.u32 $0xFFFFFFF0, v54  }
0x61: {  	v3 =	vor.u32 v3, v4  }
0x62: {  	v4 =	vperm.xlane v3, v0;
	_ =	sdelay $0x1  }
0x63: {  	v3 =	vperm.xlane v3, v2;
	v4 =	vadd.s32 v1, v4;
	_ =	sdelay $0x1  }
0x64: {  	v3 =	vadd.s32 v1, v3;
	_ =	sdelay $0x2  }
0x65: {  	[tilespmem:s10], [sflag:$0x1] =	stream.indirect_vreg.gather [hbm4b:s4+s2], $0x80, v4, vm0, $0xb8;
	[tilespmem:$0x10100] =	vst v63  }
0x66: {  	_ = 	snop  }
0x67: {  	[tilespmem:s11], [sflag:$0x1] =	stream.indirect_vreg.gather [hbm4b:s4+s2], $0x80, v3, vm0, $0xb8;
	[tilespmem:$0x10100] =	vst v63  }
0x68: {  	v3 =	vld [tilespmem:$0x70];
	_ =	sdelay $0x4  }
0x69: {  	v55 =	vshll.u32 v3, $0x1  }
0x6a: {  	v3 =	vand.u32 $0x7, v3;
	v4 =	vand.u32 $0xFFFFFFF0, v55  }
0x6b: {  	v3 =	vor.u32 v3, v4  }
0x6c: {  	v4 =	vperm.xlane v3, v0;
	_ =	sdelay $0x1  }
0x6d: {  	v3 =	vperm.xlane v3, v2;
	v4 =	vadd.s32 v1, v4;
	_ =	sdelay $0x1  }
0x6e: {  	v3 =	vadd.s32 v1, v3;
	_ =	sdelay $0x2  }
0x6f: {  	[tilespmem:s12], [sflag:$0x1] =	stream.indirect_vreg.gather [hbm4b:s4+s2], $0x80, v4, vm0, $0xb8;
	[tilespmem:$0x10100] =	vst v63  }
0x70: {  	_ = 	snop  }
0x71: {  	[tilespmem:s13], [sflag:$0x1] =	stream.indirect_vreg.gather [hbm4b:s4+s2], $0x80, v3, vm0, $0xb8;
	[tilespmem:$0x10100] =	vst v63  }
0x72: {  	v3 =	vld [tilespmem:$0x80];
	_ =	sdelay $0x4  }
0x73: {  	v56 =	vshll.u32 v3, $0x1  }
0x74: {  	v3 =	vand.u32 $0x7, v3;
	v4 =	vand.u32 $0xFFFFFFF0, v56  }
0x75: {  	v3 =	vor.u32 v3, v4  }
0x76: {  	v4 =	vperm.xlane v3, v0;
	_ =	sdelay $0x1  }
0x77: {  	v3 =	vperm.xlane v3, v2;
	v4 =	vadd.s32 v1, v4;
	_ =	sdelay $0x1  }
0x78: {  	v3 =	vadd.s32 v1, v3;
	_ =	sdelay $0x2  }
0x79: {  	[tilespmem:s14], [sflag:$0x1] =	stream.indirect_vreg.gather [hbm4b:s4+s2], $0x80, v4, vm0, $0xb8;
	[tilespmem:$0x10100] =	vst v63  }
0x7a: {  	_ = 	snop  }
0x7b: {  	[tilespmem:s15], [sflag:$0x1] =	stream.indirect_vreg.gather [hbm4b:s4+s2], $0x80, v3, vm0, $0xb8;
	[tilespmem:$0x10100] =	vst v63  }
0x7c: {  	v3 =	vld [tilespmem:$0x90];
	_ =	sdelay $0x4  }
0x7d: {  	v57 =	vshll.u32 v3, $0x1  }
0x7e: {  	v3 =	vand.u32 $0x7, v3;
	v4 =	vand.u32 $0xFFFFFFF0, v57  }
0x7f: {  	v3 =	vor.u32 v3, v4  }
0x80: {  	v4 =	vperm.xlane v3, v0;
	_ =	sdelay $0x1  }
0x81: {  	v3 =	vperm.xlane v3, v2;
	v4 =	vadd.s32 v1, v4;
	_ =	sdelay $0x1  }
0x82: {  	v3 =	vadd.s32 v1, v3;
	_ =	sdelay $0x2  }
0x83: {  	[tilespmem:s16], [sflag:$0x1] =	stream.indirect_vreg.gather [hbm4b:s4+s2], $0x80, v4, vm0, $0xb8;
	[tilespmem:$0x10100] =	vst v63  }
0x84: {  	_ = 	snop  }
0x85: {  	[tilespmem:s17], [sflag:$0x1] =	stream.indirect_vreg.gather [hbm4b:s4+s2], $0x80, v3, vm0, $0xb8;
	[tilespmem:$0x10100] =	vst v63  }
0x86: {  	v3 =	vld [tilespmem:$0xA0];
	_ =	sdelay $0x4  }
0x87: {  	v58 =	vshll.u32 v3, $0x1  }
0x88: {  	v3 =	vand.u32 $0x7, v3;
	v4 =	vand.u32 $0xFFFFFFF0, v58  }
0x89: {  	v3 =	vor.u32 v3, v4  }
0x8a: {  	v4 =	vperm.xlane v3, v0;
	_ =	sdelay $0x1  }
0x8b: {  	v3 =	vperm.xlane v3, v2;
	v4 =	vadd.s32 v1, v4;
	_ =	sdelay $0x1  }
0x8c: {  	v3 =	vadd.s32 v1, v3;
	_ =	sdelay $0x2  }
0x8d: {  	[tilespmem:s18], [sflag:$0x1] =	stream.indirect_vreg.gather [hbm4b:s4+s2], $0x80, v4, vm0, $0xb8;
	[tilespmem:$0x10100] =	vst v63  }
0x8e: {  	_ = 	snop  }
0x8f: {  	[tilespmem:s19], [sflag:$0x1] =	stream.indirect_vreg.gather [hbm4b:s4+s2], $0x80, v3, vm0, $0xb8;
	[tilespmem:$0x10100] =	vst v63  }
0x90: {  	v3 =	vld [tilespmem:$0xB0];
	_ =	sdelay $0x4  }
0x91: {  	v59 =	vshll.u32 v3, $0x1  }
0x92: {  	v3 =	vand.u32 $0x7, v3;
	v4 =	vand.u32 $0xFFFFFFF0, v59  }
0x93: {  	v3 =	vor.u32 v3, v4  }
0x94: {  	v4 =	vperm.xlane v3, v0;
	_ =	sdelay $0x1  }
0x95: {  	v3 =	vperm.xlane v3, v2;
	v4 =	vadd.s32 v1, v4;
	_ =	sdelay $0x1  }
0x96: {  	v3 =	vadd.s32 v1, v3;
	_ =	sdelay $0x2  }
0x97: {  	[tilespmem:s20], [sflag:$0x1] =	stream.indirect_vreg.gather [hbm4b:s4+s2], $0x80, v4, vm0, $0xb8;
	[tilespmem:$0x10100] =	vst v63  }
0x98: {  	_ = 	snop  }
0x99: {  	[tilespmem:s21], [sflag:$0x1] =	stream.indirect_vreg.gather [hbm4b:s4+s2], $0x80, v3, vm0, $0xb8;
	[tilespmem:$0x10100] =	vst v63  }
0x9a: {  	v3 =	vld [tilespmem:$0xC0];
	_ =	sdelay $0x4  }
0x9b: {  	v60 =	vshll.u32 v3, $0x1  }
0x9c: {  	v3 =	vand.u32 $0x7, v3;
	v4 =	vand.u32 $0xFFFFFFF0, v60  }
0x9d: {  	v3 =	vor.u32 v3, v4  }
0x9e: {  	v4 =	vperm.xlane v3, v0;
	_ =	sdelay $0x1  }
0x9f: {  	v3 =	vperm.xlane v3, v2;
	v4 =	vadd.s32 v1, v4;
	_ =	sdelay $0x1  }
0xa0: {  	v3 =	vadd.s32 v1, v3;
	_ =	sdelay $0x2  }
0xa1: {  	[tilespmem:s22], [sflag:$0x1] =	stream.indirect_vreg.gather [hbm4b:s4+s2], $0x80, v4, vm0, $0xb8;
	[tilespmem:$0x10100] =	vst v63  }
0xa2: {  	_ = 	snop  }
0xa3: {  	[tilespmem:s23], [sflag:$0x1] =	stream.indirect_vreg.gather [hbm4b:s4+s2], $0x80, v3, vm0, $0xb8;
	[tilespmem:$0x10100] =	vst v63  }
0xa4: {  	v3 =	vld [tilespmem:$0xD0];
	_ =	sdelay $0x4  }
0xa5: {  	v61 =	vshll.u32 v3, $0x1  }
0xa6: {  	v3 =	vand.u32 $0x7, v3;
	v4 =	vand.u32 $0xFFFFFFF0, v61  }
0xa7: {  	v3 =	vor.u32 v3, v4  }
0xa8: {  	v4 =	vperm.xlane v3, v0;
	_ =	sdelay $0x1  }
0xa9: {  	v3 =	vperm.xlane v3, v2;
	v4 =	vadd.s32 v1, v4;
	_ =	sdelay $0x1  }
0xaa: {  	v3 =	vadd.s32 v1, v3;
	_ =	sdelay $0x2  }
0xab: {  	[tilespmem:s24], [sflag:$0x1] =	stream.indirect_vreg.gather [hbm4b:s4+s2], $0x80, v4, vm0, $0xb8;
	[tilespmem:$0x10100] =	vst v63  }
0xac: {  	_ = 	snop  }
0xad: {  	[tilespmem:s25], [sflag:$0x1] =	stream.indirect_vreg.gather [hbm4b:s4+s2], $0x80, v3, vm0, $0xb8;
	[tilespmem:$0x10100] =	vst v63  }
0xae: {  	v3 =	vld [tilespmem:$0xE0];
	_ =	sdelay $0x4  }
0xaf: {  	v62 =	vshll.u32 v3, $0x1  }
0xb0: {  	v3 =	vand.u32 $0x7, v3;
	v4 =	vand.u32 $0xFFFFFFF0, v62  }
0xb1: {  	v3 =	vor.u32 v3, v4  }
0xb2: {  	v4 =	vperm.xlane v3, v0;
	_ =	sdelay $0x1  }
0xb3: {  	v3 =	vperm.xlane v3, v2;
	v4 =	vadd.s32 v1, v4;
	_ =	sdelay $0x1  }
0xb4: {  	v3 =	vadd.s32 v1, v3;
	_ =	sdelay $0x2  }
0xb5: {  	[tilespmem:s26], [sflag:$0x1] =	stream.indirect_vreg.gather [hbm4b:s4+s2], $0x80, v4, vm0, $0xb8;
	[tilespmem:$0x10100] =	vst v63  }
0xb6: {  	_ = 	snop  }
0xb7: {  	[tilespmem:s28], [sflag:$0x1] =	stream.indirect_vreg.gather [hbm4b:s4+s2], $0x80, v3, vm0, $0xb8;
	[tilespmem:$0x10100] =	vst v63  }
0xb8: {  	v3 =	vld [tilespmem:$0xF0];
	_ =	sdelay $0x4  }
0xb9: {  	v63 =	vshll.u32 v3, $0x1  }
0xba: {  	v3 =	vand.u32 $0x7, v3;
	v4 =	vand.u32 $0xFFFFFFF0, v63  }
0xbb: {  	v3 =	vor.u32 v3, v4  }
0xbc: {  	v4 =	vperm.xlane v3, v0;
	_ =	sdelay $0x1  }
0xbd: {  	v3 =	vperm.xlane v3, v2;
	v4 =	vadd.s32 v1, v4;
	_ =	sdelay $0x1  }
0xbe: {  	v3 =	vadd.s32 v1, v3;
	_ =	sdelay $0x2  }
0xbf: {  	[tilespmem:s29], [sflag:$0x1] =	stream.indirect_vreg.gather [hbm4b:s4+s2], $0x80, v4, vm0, $0xb8;
	[tilespmem:$0x10100] =	vst v63  }
0xc0: {  	_ = 	snop  }
0xc1: {  	[tilespmem:s30], [sflag:$0x1] =	stream.indirect_vreg.gather [hbm4b:s4+s2], $0x80, v3, vm0, $0xb8;
	[tilespmem:$0x10100] =	vst v63  }
0xc2: {  	_ =	swait.ge [sflag:s31], $0x8000  }
0xc3: {  	[sflag:s31] =	ssyncset.done $0x0  }
0xc4: {  	[sflag:s31] =	ssyncadd.s32 $0xFFFF8000  }
0xc5: {  	[hbm4b:s3+s2] =	stream.linear.scatter [tilespmem:s7], [sflag:$0x2], $0x8000, $0x38;
	[tilespmem:$0x10100] =	vst v63  }
0xc6: {  	_ =	swait.ge [sflag:s31], $0x8000  }
0xc7: {  	[sflag:s31] =	ssyncset.done $0x0  }
0xc8: {  	s8 =	rddreg [dreg:$0x5];
	[sflag:s31] =	ssyncadd.s32 $0xFFFF8000  }
0xc9: {  	[hbm4b:s8+s2] =	stream.linear.scatter [tilespmem:s14], [sflag:$0x2], $0x8000, $0x38;
	[tilespmem:$0x10100] =	vst v63  }
0xca: {  	p0 =	sne.s32 s5, $0x1;
	_ =	swait.ge [sflag:s1], $0x8000  }
.Ltmp0:
0xcb: {  	[sflag:s1] =	ssyncset.done $0x0;
	(pc) =	sbr.rel @p0 .LBB2_1-.Ltmp0, $4  }
0xcc: {  	[sflag:s1] =	ssyncadd.s32 $0xFFFF8000  }
0xcd: {  	_ =	swait.ge [sflag:s1], $0x8000  }
0xce: {  	[sflag:s1] =	ssyncset.done $0x0  }
0xcf: {  	s5 =	sadd.s32 $0xFFFFFFFF, s5;
	[sflag:s1] =	ssyncadd.s32 $0xFFFF8000  }
0xd0: {  	_ =	sfence.sel $0x180000  }
0xd1: {  	[bflag:$0x0] =	sbarrier.arrive $0xFFFF  }
0xd2: {  	_ =	strace $0x90000047  }
0xd3: {  	s0 =	stileid.u32;
	[bflag:$0x2] =	sbarrier.arrive $0xFFFF  }
0xd4: {  	p0 =	sne.s32 s0, $0x0;
	s0 =	rddreg [dreg:$0x3]  }
0xd5: {  	s0 =	sadd.s32 @!p0 $0x100000, s0  }
0xd6: {  	[sflag:s0] =	ssyncadd.tile.s32 @!p0 $0x1;
	_ =	shalt  }
.Lfunc_end2:
_tile_overlayer_lowered:
.L_overlay_start_2:
0xd7: {  	(tag) =	ssettag $0x2  }
0xd8: {  	s0 =	rddreg [dreg:$0x0];
	s2 =	stileid.u32  }
0xd9: {  	s1 =	rddreg [dreg:$0x1];
	p0 =	sne.s32 s2, $0x0  }
0xda: {  	s3 =	rddreg [dreg:$0x2];
	[bflag:$0x3] =	sbarrier.arrive $0xFFFF;
	s2 =	simm.s32 @!p0 $0x1C03  }
0xdb: {  	[timem:s3], [sflag:s2] =	dma.local @!p0 [hbm:s0], s1  }
0xdc: {  	s0 =	simm.s32 @!p0 $0x3  }
0xdd: {  	_ =	swait.ge @!p0 [sflag:s0], s1  }
0xde: {  	s1 =	ssub.s32 @!p0 $0x0, s1;
	[sflag:s0] =	ssyncset.done @!p0 $0x0  }
0xdf: {  	[sflag:s0] =	ssyncadd.s32 @!p0 s1  }
0xe0: {  	[bflag:$0x3] =	sbarrier.arrive $0xFFFF  }
0xe1: {  	_ =	shalt  }

</sc_bundles>
